<compile_context>
chip_gen: v7x
topology: tpu7x:2x2x1
jax: 0.10.2.dev20260603
libtpu: 0.0.44.dev20260713+nightly
codegen_flags: <defaults>
</compile_context>

<pallas_src>
import functools
import math

import jax
import jax.numpy as jnp
from jax import lax
from jax.experimental import pallas as pl
from jax.experimental.pallas import tpu as pltpu
from jax.experimental.pallas import tpu_sc as plsc

N = 10000
E = 320000
D_FEAT = 128
D_HID = 128
D_BERT = 768
B = 1024
L_ENT = 8
HEADS = 4
DH = D_HID // HEADS
COMB = D_BERT + D_HID

NP_ = 10240
CH = 128
NCH = 80
NPH = 5
PCH = NCH // NPH
EP = 32 * NCH * CH
ROWS_T = NP_ // 16

BB = 128
NBLK = 8
BN = NP_ // NBLK

_MESH = plsc.VectorSubcoreMesh(core_axis_name="c", subcore_axis_name="s")
_f32 = jnp.float32


@functools.partial(
    pl.kernel,
    out_type=jax.ShapeDtypeStruct((2, NP_, D_HID), _f32),
    mesh=_MESH,
    scratch_types=[
        pltpu.VMEM((PCH, CH), jnp.int32),
        pltpu.VMEM((CH, D_HID), _f32),
        pltpu.VMEM_SHARED((NP_, D_HID), _f32),
        pltpu.SemaphoreType.DMA,
    ],
)
def _sc_degree(dst_hbm, ones_hbm, zeros_hbm, out_hbm, idx_v, ones_v, accd, sem):
    c = lax.axis_index("c")
    s = lax.axis_index("s")
    pltpu.sync_copy(ones_hbm, ones_v)

    @pl.when(s == 0)
    def _():
        pltpu.sync_copy(zeros_hbm, accd)

    plsc.subcore_barrier()

    def phase(p, carry):
        pltpu.sync_copy(dst_hbm.at[c, s, pl.ds(p * PCH, PCH)], idx_v)

        def body(j, carry2):
            pltpu.async_copy(ones_v, accd.at[idx_v.at[j]], sem, add=True)
            return carry2

        lax.fori_loop(0, PCH, body, carry)

        def drain(j, carry2):
            pltpu.make_async_copy(ones_v, accd.at[idx_v.at[0]], sem).wait()
            return carry2

        return lax.fori_loop(0, PCH, drain, carry)

    lax.fori_loop(0, NPH, phase, 0)
    plsc.subcore_barrier()
    pltpu.sync_copy(accd.at[pl.ds(s * ROWS_T, ROWS_T)],
                    out_hbm.at[c, pl.ds(s * ROWS_T, ROWS_T)])


@functools.partial(
    pl.kernel,
    out_type=jax.ShapeDtypeStruct((2, NP_, D_HID), _f32),
    mesh=_MESH,
    scratch_types=[
        pltpu.VMEM((NCH, CH), jnp.int32),
        pltpu.VMEM((PCH, CH), jnp.int32),
        pltpu.VMEM((CH, D_HID), _f32),
        pltpu.VMEM((CH, D_HID), _f32),
        pltpu.VMEM_SHARED((NP_, D_HID), _f32),
        pltpu.SemaphoreType.DMA,
        pltpu.SemaphoreType.DMA,
        pltpu.SemaphoreType.DMA,
        pltpu.SemaphoreType.DMA,
    ],
)
def _sc_scatter(y_hbm, src_hbm, dst_hbm, out_hbm,
                src_v, dst_v, buf_a, buf_b, acc, ga, gb, sa, sb):
    c = lax.axis_index("c")
    s = lax.axis_index("s")
    pltpu.sync_copy(src_hbm.at[c, s], src_v)

    @pl.when(s == 0)
    def _():
        pltpu.sync_copy(y_hbm, acc)

    plsc.subcore_barrier()
    pltpu.sync_copy(dst_hbm.at[c, s, pl.ds(0, PCH)], dst_v)
    pltpu.async_copy(y_hbm.at[src_v.at[0]], buf_a, ga)

    npair = NCH // 2
    hpch = PCH // 2

    def body(jp, carry):
        j0 = jp * 2
        j1 = j0 + 1
        pltpu.make_async_copy(y_hbm.at[src_v.at[j0]], buf_a, ga).wait()

        @pl.when(jp > 0)
        def _():
            pltpu.make_async_copy(buf_b, acc.at[dst_v.at[0]], sb).wait()

        @pl.when(lax.rem(jp, hpch) == 0)
        def _():
            pltpu.sync_copy(dst_hbm.at[c, s, pl.ds((jp // hpch) * PCH, PCH)],
                            dst_v)

        r0 = lax.rem(j0, PCH)
        r1 = lax.rem(j1, PCH)
        pltpu.async_copy(buf_a, acc.at[dst_v.at[r0]], sa, add=True)
        pltpu.async_copy(y_hbm.at[src_v.at[j1]], buf_b, gb)
        pltpu.make_async_copy(y_hbm.at[src_v.at[j1]], buf_b, gb).wait()
        pltpu.make_async_copy(buf_a, acc.at[dst_v.at[r0]], sa).wait()
        pltpu.async_copy(buf_b, acc.at[dst_v.at[r1]], sb, add=True)

        @pl.when(jp < npair - 1)
        def _():
            pltpu.async_copy(y_hbm.at[src_v.at[j0 + 2]], buf_a, ga)

        return carry

    lax.fori_loop(0, npair, body, 0)
    pltpu.make_async_copy(buf_b, acc.at[dst_v.at[0]], sb).wait()
    plsc.subcore_barrier()
    pltpu.sync_copy(acc.at[pl.ds(s * ROWS_T, ROWS_T)],
                    out_hbm.at[c, pl.ds(s * ROWS_T, ROWS_T)])


_GCH = (B * L_ENT) // 32 // CH


@functools.partial(
    pl.kernel,
    out_type=jax.ShapeDtypeStruct((B * L_ENT, D_HID), _f32),
    mesh=_MESH,
    scratch_types=[
        pltpu.VMEM((_GCH, CH), jnp.int32),
        pltpu.VMEM((CH, D_HID), _f32),
        pltpu.SemaphoreType.DMA,
    ],
)
def _sc_entity_gather(h_hbm, idx_hbm, out_hbm, idx_v, buf, sem):
    c = lax.axis_index("c")
    s = lax.axis_index("s")
    pltpu.sync_copy(idx_hbm.at[c, s], idx_v)
    wid = c * 16 + s
    for t in range(_GCH):
        pltpu.async_copy(h_hbm.at[idx_v.at[t]], buf, sem).wait()
        pltpu.sync_copy(buf, out_hbm.at[pl.ds((wid * _GCH + t) * CH, CH)])


def _xw_body(x_ref, w_ref, y_ref):
    y_ref[...] = lax.dot_general(x_ref[...], w_ref[...],
                                 (((1,), (0,)), ((), ())),
                                 preferred_element_type=_f32)


def _scale_body(xw_ref, deg_ref, y_ref):
    deg = deg_ref[0, :, 0] + deg_ref[1, :, 0] + 1.0
    dinv = lax.rsqrt(deg)
    y_ref[...] = xw_ref[...] * dinv[:, None]


def _y2_body(s_ref, y1_ref, deg_ref, w_ref, b_ref, y2_ref):
    deg = deg_ref[0, :, 0] + deg_ref[1, :, 0] + 1.0
    dinv = lax.rsqrt(deg)
    agg = (s_ref[0] + s_ref[1] - y1_ref[...]) * dinv[:, None] + b_ref[...][None, :]
    h1 = jnp.maximum(agg, 0.0)
    hw = lax.dot_general(h1, w_ref[...], (((1,), (0,)), ((), ())),
                         preferred_element_type=_f32)
    y2_ref[...] = hw * dinv[:, None]


def _h2_body(s_ref, y2_ref, deg_ref, b_ref, h2_ref):
    deg = deg_ref[0, :, 0] + deg_ref[1, :, 0] + 1.0
    dinv = lax.rsqrt(deg)
    agg = (s_ref[0] + s_ref[1] - y2_ref[...]) * dinv[:, None] + b_ref[...][None, :]
    h2_ref[...] = jnp.maximum(agg, 0.0)


_NODE_BLK = pl.BlockSpec((BN, D_HID), lambda b: (b, 0))
_PAIR_BLK = pl.BlockSpec((2, BN, D_HID), lambda b: (0, b, 0))
_DEG_BLK = pl.BlockSpec((2, BN, D_HID), lambda b: (0, b, 0))
_W_FULL = pl.BlockSpec((D_HID, D_HID), lambda b: (0, 0))
_B_FULL = pl.BlockSpec((D_HID,), lambda b: (0,))
_NODE_OUT = jax.ShapeDtypeStruct((NP_, D_HID), _f32)


def _tc_xw(xp, W1):
    return pl.pallas_call(
        _xw_body, grid=(NBLK,),
        in_specs=[_NODE_BLK, _W_FULL],
        out_specs=_NODE_BLK, out_shape=_NODE_OUT,
    )(xp, W1)


def _tc_scale(xw, degp):
    return pl.pallas_call(
        _scale_body, grid=(NBLK,),
        in_specs=[_NODE_BLK, _DEG_BLK],
        out_specs=_NODE_BLK, out_shape=_NODE_OUT,
    )(xw, degp)


def _tc_y2(S1, y1, degp, W2, b1):
    return pl.pallas_call(
        _y2_body, grid=(NBLK,),
        in_specs=[_PAIR_BLK, _NODE_BLK, _DEG_BLK, _W_FULL, _B_FULL],
        out_specs=_NODE_BLK, out_shape=_NODE_OUT,
    )(S1, y1, degp, W2, b1)


def _tc_h2(S2, y2, degp, b2):
    return pl.pallas_call(
        _h2_body, grid=(NBLK,),
        in_specs=[_PAIR_BLK, _NODE_BLK, _DEG_BLK, _B_FULL],
        out_specs=_NODE_BLK, out_shape=_NODE_OUT,
    )(S2, y2, degp, b2)


def _head_body(ent_ref, bert_ref, win_ref, binw_ref, wout_ref, bout_ref,
               bng_b_ref, bnb_b_ref, bng_g_ref, bnb_g_ref,
               fc1w_ref, fc1b_ref, fc2w_ref, fc2b_ref, fc3w_ref, fc3b_ref,
               out_ref):
    ent = ent_ref[...]
    ent2 = ent.reshape(BB * L_ENT, D_HID)
    qkv = lax.dot_general(ent2, win_ref[...],
                          (((1,), (1,)), ((), ())),
                          preferred_element_type=_f32)
    qkv = qkv + binw_ref[...][None, :]
    qkv3 = qkv.reshape(BB, L_ENT, 3 * D_HID)
    q = qkv3[:, :, :D_HID]
    k = qkv3[:, :, D_HID:2 * D_HID]
    v = qkv3[:, :, 2 * D_HID:]

    scale = 1.0 / math.sqrt(DH)
    lanes = lax.broadcasted_iota(jnp.int32, (D_HID, HEADS), 0) // DH
    heads = lax.broadcasted_iota(jnp.int32, (D_HID, HEADS), 1)
    G = (lanes == heads).astype(_f32)

    csum = None
    for i in range(L_ENT):
        qi = q[:, i, :]
        prod = qi[:, None, :] * k
        si = lax.dot_general(prod.reshape(BB * L_ENT, D_HID), G,
                             (((1,), (0,)), ((), ())),
                             preferred_element_type=_f32) * scale
        si3 = si.reshape(BB, L_ENT, HEADS)
        m = jnp.max(si3, axis=1, keepdims=True)
        e = jnp.exp(si3 - m)
        z = jnp.sum(e, axis=1, keepdims=True)
        att_i = e / z
        csum = att_i if csum is None else csum + att_i
    c = csum * (1.0 / L_ENT)
    cb = lax.dot_general(c.reshape(BB * L_ENT, HEADS), G,
                         (((1,), (1,)), ((), ())),
                         preferred_element_type=_f32)
    obar = jnp.sum(cb.reshape(BB, L_ENT, D_HID) * v, axis=1)
    gnn = lax.dot_general(obar, wout_ref[...],
                          (((1,), (1,)), ((), ())),
                          preferred_element_type=_f32)
    gnn = gnn + bout_ref[...][None, :]

    sbn = 1.0 / math.sqrt(1.0 + 1e-5)
    gnn = gnn * (sbn * bng_g_ref[...][None, :]) + bnb_g_ref[...][None, :]
    bert = bert_ref[...] * (sbn * bng_b_ref[...][None, :]) + bnb_b_ref[...][None, :]

    fc1w = fc1w_ref[...]
    x1 = lax.dot_general(bert, fc1w[:, :D_BERT],
                         (((1,), (1,)), ((), ())),
                         preferred_element_type=_f32)
    x1 = x1 + lax.dot_general(gnn, fc1w[:, D_BERT:],
                              (((1,), (1,)), ((), ())),
                              preferred_element_type=_f32)
    x1 = jnp.maximum(x1 + fc1b_ref[...][None, :], 0.0)
    x2 = lax.dot_general(x1, fc2w_ref[...],
                         (((1,), (1,)), ((), ())),
                         preferred_element_type=_f32)
    x2 = jnp.maximum(x2 + fc2b_ref[...][None, :], 0.0)
    x3 = jnp.sum(x2 * fc3w_ref[...], axis=1, keepdims=True) + fc3b_ref[0]
    out_ref[...] = jax.nn.sigmoid(x3)


def _head(ent, bert, Win, bin_w, Wout, bout, bng_b, bnb_b, bng_g, bnb_g,
          fc1_w, fc1_b, fc2_w, fc2_b, fc3_w, fc3_b):
    full = lambda shape: pl.BlockSpec(shape, lambda b: (0,) * len(shape))
    return pl.pallas_call(
        _head_body,
        grid=(B // BB,),
        in_specs=[
            pl.BlockSpec((BB, L_ENT, D_HID), lambda b: (b, 0, 0)),
            pl.BlockSpec((BB, D_BERT), lambda b: (b, 0)),
            full((3 * D_HID, D_HID)),
            full((3 * D_HID,)),
            full((D_HID, D_HID)),
            full((D_HID,)),
            full((D_BERT,)),
            full((D_BERT,)),
            full((D_HID,)),
            full((D_HID,)),
            full((COMB // 2, COMB)),
            full((COMB // 2,)),
            full((COMB // 4, COMB // 2)),
            full((COMB // 4,)),
            full((1, COMB // 4)),
            pl.BlockSpec(memory_space=pltpu.MemorySpace.SMEM),
        ],
        out_specs=pl.BlockSpec((BB, 1), lambda b: (b, 0)),
        out_shape=jax.ShapeDtypeStruct((B, 1), jnp.float32),
    )(ent, bert, Win, bin_w, Wout, bout, bng_b, bnb_b, bng_g, bnb_g,
      fc1_w, fc1_b, fc2_w, fc2_b, fc3_w, fc3_b)


def kernel(article_bert_embeddings, x, edge_index, article_entity_map_tensor,
           W1, b1, W2, b2, bn_bert_g, bn_bert_b, bn_gnn_g, bn_gnn_b,
           Win, bin_w, Wout, bout, fc1_w, fc1_b, fc2_w, fc2_b, fc3_w, fc3_b):
    xp = jnp.pad(x, ((0, NP_ - N), (0, 0)))
    pad = N + jnp.arange(EP - E, dtype=edge_index.dtype) % (NP_ - N)
    srcp = jnp.concatenate([edge_index[0], pad]).reshape(2, 16, NCH, CH)
    dstp = jnp.concatenate([edge_index[1], pad]).reshape(2, 16, NCH, CH)
    ones_rows = jnp.ones((CH, D_HID), _f32)
    zeros_tbl = jnp.zeros((NP_, D_HID), _f32)

    degp = _sc_degree(dstp, ones_rows, zeros_tbl)

    xw1 = _tc_xw(xp, W1)
    y1 = _tc_scale(xw1, degp)
    S1 = _sc_scatter(y1, srcp, dstp)
    y2 = _tc_y2(S1, y1, degp, W2, b1)
    S2 = _sc_scatter(y2, srcp, dstp)
    h2 = _tc_h2(S2, y2, degp, b2)

    eidx = article_entity_map_tensor.reshape(2, 16, _GCH, CH)
    ent = _sc_entity_gather(h2, eidx).reshape(B, L_ENT, D_HID)

    return _head(ent, article_bert_embeddings, Win, bin_w, Wout, bout,
                 bn_bert_g, bn_bert_b, bn_gnn_g, bn_gnn_b,
                 fc1_w, fc1_b, fc2_w, fc2_b, fc3_w, fc3_b)

# --- scband reference (transcript-rebuilt; emitter-appended) ---
"""Pipeline reference for scband-enhanced-hybrid-fake-news-classifier-71605694759284 (READ-ONLY COPY).

The authoritative reference and input builder live on the scoring server;
editing this copy changes nothing except your own understanding.
"""

import jax, jax.numpy as jnp
import numpy as np

N = 10000
E = 320000
D_FEAT = 128
D_HID = 128
D_BERT = 768
B = 1024
L_ENT = 8
HEADS = 4
COMB = D_BERT + D_HID


def setup_inputs(seed: int = 0):
    key = jax.random.key(seed)
    ks = jax.random.split(key, 16)
    s = 0.05
    inp = {}
    inp["article_bert_embeddings"] = jax.random.normal(ks[0], (B, D_BERT), dtype=jnp.float32)
    inp["x"] = jax.random.normal(ks[1], (N, D_FEAT), dtype=jnp.float32)
    inp["edge_index"] = jax.random.randint(ks[2], (2, E), 0, N, dtype=jnp.int32)
    inp["article_entity_map_tensor"] = jax.random.randint(ks[3], (B, L_ENT), 0, N, dtype=jnp.int32)
    inp["W1"] = jax.random.normal(ks[4], (D_FEAT, D_HID), dtype=jnp.float32) * s
    inp["b1"] = jnp.zeros((D_HID,), jnp.float32)
    inp["W2"] = jax.random.normal(ks[5], (D_HID, D_HID), dtype=jnp.float32) * s
    inp["b2"] = jnp.zeros((D_HID,), jnp.float32)
    inp["bn_bert_g"] = jnp.ones((D_BERT,), jnp.float32)
    inp["bn_bert_b"] = jnp.zeros((D_BERT,), jnp.float32)
    inp["bn_gnn_g"] = jnp.ones((D_HID,), jnp.float32)
    inp["bn_gnn_b"] = jnp.zeros((D_HID,), jnp.float32)
    inp["Win"] = jax.random.normal(ks[6], (3 * D_HID, D_HID), jnp.float32) * s
    inp["bin_w"] = jnp.zeros((3 * D_HID,), jnp.float32)
    inp["Wout"] = jax.random.normal(ks[7], (D_HID, D_HID), jnp.float32) * s
    inp["bout"] = jnp.zeros((D_HID,), jnp.float32)
    inp["fc1_w"] = jax.random.normal(ks[8], (COMB // 2, COMB), jnp.float32) * s
    inp["fc1_b"] = jnp.zeros((COMB // 2,), jnp.float32)
    inp["fc2_w"] = jax.random.normal(ks[9], (COMB // 4, COMB // 2), jnp.float32) * s
    inp["fc2_b"] = jnp.zeros((COMB // 4,), jnp.float32)
    inp["fc3_w"] = jax.random.normal(ks[10], (1, COMB // 4), jnp.float32) * s
    inp["fc3_b"] = jnp.zeros((1,), jnp.float32)
    return inp


def _gcn(x, edge_index, W, b):
    xw = x @ W
    loop = jnp.arange(N, dtype=edge_index.dtype)
    src = jnp.concatenate([edge_index[0], loop])
    dst = jnp.concatenate([edge_index[1], loop])
    deg = jax.ops.segment_sum(jnp.ones(src.shape[0], xw.dtype), dst, num_segments=N)
    dinv = jnp.where(deg > 0, 1.0 / jnp.sqrt(deg), 0.0)
    norm = dinv[src] * dinv[dst]
    agg = jax.ops.segment_sum(xw[src] * norm[:, None], dst, num_segments=N)
    return agg + b


def _mha(xseq, Win, bin_w, Wout, bout):
    Bq, L, D = xseq.shape
    dh = D // HEADS
    qkv = xseq @ Win.T + bin_w
    q, k, v = jnp.split(qkv, 3, axis=-1)
    q = q.reshape(Bq, L, HEADS, dh).transpose(0, 2, 1, 3)
    k = k.reshape(Bq, L, HEADS, dh).transpose(0, 2, 1, 3)
    v = v.reshape(Bq, L, HEADS, dh).transpose(0, 2, 1, 3)
    att = jax.nn.softmax(jnp.matmul(q, k.transpose(0, 1, 3, 2)) / float(np.sqrt(dh)), axis=-1)
    o = jnp.matmul(att, v).transpose(0, 2, 1, 3).reshape(Bq, L, D)
    return o @ Wout.T + bout


def _bn(x, g, b):
    # eval-mode BatchNorm1d with fresh running stats (mean=0, var=1)
    return x / jnp.sqrt(1.0 + 1e-5) * g + b


def reference(article_bert_embeddings, x, edge_index, article_entity_map_tensor, W1, b1, W2, b2, bn_bert_g, bn_bert_b, bn_gnn_g, bn_gnn_b, Win, bin_w, Wout, bout, fc1_w, fc1_b, fc2_w, fc2_b, fc3_w, fc3_b):
    h = jax.nn.relu(_gcn(x, edge_index, W1, b1))
    h = jax.nn.relu(_gcn(h, edge_index, W2, b2))
    # entity gather: every row has L_ENT (>1) valid entity ids (no -1 padding in generated inputs),
    # so the attention branch is taken for all articles; batched over B
    ent = h[article_entity_map_tensor]  # [B, L_ENT, D_HID]
    att = _mha(ent, Win, bin_w, Wout, bout)
    gnn_emb = att.mean(axis=1)  # torch mean over seq dim of [L,1,D]
    bert = _bn(article_bert_embeddings, bn_bert_g, bn_bert_b)
    gnn_emb = _bn(gnn_emb, bn_gnn_g, bn_gnn_b)
    comb = jnp.concatenate([bert, gnn_emb], axis=1)
    x1 = jax.nn.relu(comb @ fc1_w.T + fc1_b)
    x2 = jax.nn.relu(x1 @ fc2_w.T + fc2_b)
    return jax.nn.sigmoid(x2 @ fc3_w.T + fc3_b)

if __name__ == "__main__":
    import jax
    _d = setup_inputs()
    print(jax.jit(kernel)(*tuple(_d.values())))

</pallas_src>

<mosaic_0001>
#map = affine_map<(d0, d1) -> (0, 0)>
#map1 = affine_map<(d0, d1) -> (0, 0, 0, 0)>
#map2 = affine_map<(d0, d1) -> (0, 0, 0)>
module attributes {stable_mosaic.version = 14 : i64} {
  func.func @_sc_scatter(%arg0: i32, %arg1: i32, %arg2: memref<10240x128xf32, #tpu.memory_space<hbm>>, %arg3: memref<2x16x80x128xi32, #tpu.memory_space<hbm>>, %arg4: memref<2x16x80x128xi32, #tpu.memory_space<hbm>>, %arg5: memref<2x10240x128xf32, #tpu.memory_space<hbm>>, %arg6: memref<80x128xi32, #tpu.memory_space<vmem>>, %arg7: memref<16x128xi32, #tpu.memory_space<vmem>>, %arg8: memref<128x128xf32, #tpu.memory_space<vmem>>, %arg9: memref<128x128xf32, #tpu.memory_space<vmem>>, %arg10: memref<10240x128xf32, #tpu.memory_space<vmem_shared>>, %arg11: memref<!tpu.dma_semaphore, #tpu.memory_space<semaphore_mem>>, %arg12: memref<!tpu.dma_semaphore, #tpu.memory_space<semaphore_mem>>, %arg13: memref<!tpu.dma_semaphore, #tpu.memory_space<semaphore_mem>>, %arg14: memref<!tpu.dma_semaphore, #tpu.memory_space<semaphore_mem>>) attributes {dimension_semantics = [#tpu.dimension_semantics<core_parallel>, #tpu.dimension_semantics<subcore_parallel>], iteration_bounds = array<i64: 2, 16>, scalar_prefetch = 0 : i64, scratch_operands = 9 : i64, tpu.core_type = #tpu.core_type<sc_vector_subcore>, window_params = [{transform_indices = #map}, {transform_indices = #map1}, {transform_indices = #map1}, {transform_indices = #map2}]} {
    "tpu.region"() ({
      %run_scoped3A = tpu.sem_alloc : memref<!tpu.dma_semaphore, #tpu.memory_space<semaphore_mem>>
      %dma_start3A_23 = arith.constant 0 : i32
      %dma_start3A_24 = arith.constant 0 : i32
      %dma_start3A_25 = tpu.memref_slice %arg3[%arg0, %arg1, %dma_start3A_23, %dma_start3A_24] : memref<2x16x80x128xi32, #tpu.memory_space<hbm>> -> memref<1x1x80x128xi32, #tpu.memory_space<hbm>>
      %dma_start3A_26 = tpu.memref_squeeze %dma_start3A_25 : memref<1x1x80x128xi32, #tpu.memory_space<hbm>> -> memref<80x128xi32, #tpu.memory_space<hbm>>
      %dma_start3A_27 = arith.constant 0 : i32
      %dma_start3A_28 = arith.constant 0 : i32
      %dma_start3A_29 = tpu.memref_slice %arg3[%arg0, %arg1, %dma_start3A_27, %dma_start3A_28] : memref<2x16x80x128xi32, #tpu.memory_space<hbm>> -> memref<1x1x80x128xi32, #tpu.memory_space<hbm>>
      %dma_start3A_30 = tpu.memref_squeeze %dma_start3A_29 : memref<1x1x80x128xi32, #tpu.memory_space<hbm>> -> memref<80x128xi32, #tpu.memory_space<hbm>>
      tpu.enqueue_dma source(%dma_start3A_30 : memref<80x128xi32, #tpu.memory_space<hbm>>) target(%arg6 : memref<80x128xi32, #tpu.memory_space<vmem>>) target_semaphore(%run_scoped3A : memref<!tpu.dma_semaphore, #tpu.memory_space<semaphore_mem>>)
      %dma_wait3A_31 = arith.constant 0 : i32
      %dma_wait3A_32 = arith.constant 0 : i32
      %dma_wait3A_33 = tpu.memref_slice %arg3[%arg0, %arg1, %dma_wait3A_31, %dma_wait3A_32] : memref<2x16x80x128xi32, #tpu.memory_space<hbm>> -> memref<1x1x80x128xi32, #tpu.memory_space<hbm>>
      %dma_wait3A_34 = tpu.memref_squeeze %dma_wait3A_33 : memref<1x1x80x128xi32, #tpu.memory_space<hbm>> -> memref<80x128xi32, #tpu.memory_space<hbm>>
      %dma_wait3A_35 = arith.constant 0 : i32
      %dma_wait3A_36 = arith.constant 0 : i32
      %dma_wait3A_37 = tpu.memref_slice %arg3[%arg0, %arg1, %dma_wait3A_35, %dma_wait3A_36] : memref<2x16x80x128xi32, #tpu.memory_space<hbm>> -> memref<1x1x80x128xi32, #tpu.memory_space<hbm>>
      %dma_wait3A_38 = tpu.memref_squeeze %dma_wait3A_37 : memref<1x1x80x128xi32, #tpu.memory_space<hbm>> -> memref<80x128xi32, #tpu.memory_space<hbm>>
      tpu.wait_dma2 semaphore(%run_scoped3A : memref<!tpu.dma_semaphore, #tpu.memory_space<semaphore_mem>>) src(%dma_wait3A_38 : memref<80x128xi32, #tpu.memory_space<hbm>>) dst(%arg6 : memref<80x128xi32, #tpu.memory_space<vmem>>)
      tpu.yield
    }) : () -> ()
    %eq3A = arith.constant 0 : i32
    %eq3A_0 = arith.cmpi eq, %arg1, %eq3A : i32
    %convert_element_type3A = arith.extui %eq3A_0 : i1 to i32
    %cond3A = arith.constant 0 : i32
    %cond3A_1 = arith.cmpi ne, %convert_element_type3A, %cond3A : i32
    scf.if %cond3A_1 {
      "tpu.region"() ({
        %run_scoped3A = tpu.sem_alloc : memref<!tpu.dma_semaphore, #tpu.memory_space<semaphore_mem>>
        tpu.enqueue_dma source(%arg2 : memref<10240x128xf32, #tpu.memory_space<hbm>>) target(%arg10 : memref<10240x128xf32, #tpu.memory_space<vmem_shared>>) target_semaphore(%run_scoped3A : memref<!tpu.dma_semaphore, #tpu.memory_space<semaphore_mem>>)
        tpu.wait_dma2 semaphore(%run_scoped3A : memref<!tpu.dma_semaphore, #tpu.memory_space<semaphore_mem>>) src(%arg2 : memref<10240x128xf32, #tpu.memory_space<hbm>>) dst(%arg10 : memref<10240x128xf32, #tpu.memory_space<vmem_shared>>)
        tpu.yield
      }) : () -> ()
    } else {
    }
    %barrier3A = arith.constant 0 : index
    tpu.barrier barrier_id(%barrier3A)
    "tpu.region"() ({
      %run_scoped3A = tpu.sem_alloc : memref<!tpu.dma_semaphore, #tpu.memory_space<semaphore_mem>>
      %dma_start3A_23 = arith.constant 0 : i32
      %dma_start3A_24 = arith.constant 0 : i32
      %dma_start3A_25 = tpu.memref_slice %arg4[%arg0, %arg1, %dma_start3A_23, %dma_start3A_24] : memref<2x16x80x128xi32, #tpu.memory_space<hbm>> -> memref<1x1x16x128xi32, #tpu.memory_space<hbm>>
      %dma_start3A_26 = tpu.memref_squeeze %dma_start3A_25 : memref<1x1x16x128xi32, #tpu.memory_space<hbm>> -> memref<16x128xi32, #tpu.memory_space<hbm>>
      %dma_start3A_27 = arith.constant 0 : i32
      %dma_start3A_28 = arith.constant 0 : i32
      %dma_start3A_29 = tpu.memref_slice %arg4[%arg0, %arg1, %dma_start3A_27, %dma_start3A_28] : memref<2x16x80x128xi32, #tpu.memory_space<hbm>> -> memref<1x1x16x128xi32, #tpu.memory_space<hbm>>
      %dma_start3A_30 = tpu.memref_squeeze %dma_start3A_29 : memref<1x1x16x128xi32, #tpu.memory_space<hbm>> -> memref<16x128xi32, #tpu.memory_space<hbm>>
      tpu.enqueue_dma source(%dma_start3A_30 : memref<16x128xi32, #tpu.memory_space<hbm>>) target(%arg7 : memref<16x128xi32, #tpu.memory_space<vmem>>) target_semaphore(%run_scoped3A : memref<!tpu.dma_semaphore, #tpu.memory_space<semaphore_mem>>)
      %dma_wait3A_31 = arith.constant 0 : i32
      %dma_wait3A_32 = arith.constant 0 : i32
      %dma_wait3A_33 = tpu.memref_slice %arg4[%arg0, %arg1, %dma_wait3A_31, %dma_wait3A_32] : memref<2x16x80x128xi32, #tpu.memory_space<hbm>> -> memref<1x1x16x128xi32, #tpu.memory_space<hbm>>
      %dma_wait3A_34 = tpu.memref_squeeze %dma_wait3A_33 : memref<1x1x16x128xi32, #tpu.memory_space<hbm>> -> memref<16x128xi32, #tpu.memory_space<hbm>>
      %dma_wait3A_35 = arith.constant 0 : i32
      %dma_wait3A_36 = arith.constant 0 : i32
      %dma_wait3A_37 = tpu.memref_slice %arg4[%arg0, %arg1, %dma_wait3A_35, %dma_wait3A_36] : memref<2x16x80x128xi32, #tpu.memory_space<hbm>> -> memref<1x1x16x128xi32, #tpu.memory_space<hbm>>
      %dma_wait3A_38 = tpu.memref_squeeze %dma_wait3A_37 : memref<1x1x16x128xi32, #tpu.memory_space<hbm>> -> memref<16x128xi32, #tpu.memory_space<hbm>>
      tpu.wait_dma2 semaphore(%run_scoped3A : memref<!tpu.dma_semaphore, #tpu.memory_space<semaphore_mem>>) src(%dma_wait3A_38 : memref<16x128xi32, #tpu.memory_space<hbm>>) dst(%arg7 : memref<16x128xi32, #tpu.memory_space<vmem>>)
      tpu.yield
    }) : () -> ()
    %dma_start3A = arith.constant 0 : i32
    %dma_start3A_2 = arith.constant 0 : i32
    %dma_start3A_3 = tpu.memref_slice %arg6[%dma_start3A, %dma_start3A_2] : memref<80x128xi32, #tpu.memory_space<vmem>> -> memref<1x128xi32, #tpu.memory_space<vmem>>
    %dma_start3A_4 = tpu.memref_squeeze %dma_start3A_3 : memref<1x128xi32, #tpu.memory_space<vmem>> -> memref<128xi32, #tpu.memory_space<vmem>>
    %dma_start3A_5 = arith.constant 0 : i32
    %dma_start3A_6 = arith.constant 0 : i32
    %dma_start3A_7 = tpu.memref_slice %arg2[%dma_start3A_5, %dma_start3A_6] : memref<10240x128xf32, #tpu.memory_space<hbm>> -> memref<10240x128xf32, #tpu.memory_space<hbm>>
    tpu.enqueue_indirect_dma source(%dma_start3A_7 : memref<10240x128xf32, #tpu.memory_space<hbm>>) target(%arg8 : memref<128x128xf32, #tpu.memory_space<vmem>>) offsets(%dma_start3A_4 : memref<128xi32, #tpu.memory_space<vmem>>) semaphore(%arg11 : memref<!tpu.dma_semaphore, #tpu.memory_space<semaphore_mem>>)
    %scan3A = arith.constant 0 : i32
    %scan3A_8 = arith.constant 0 : i32
    %scan3A_9 = arith.constant 40 : i32
    %scan3A_10 = arith.addi %scan3A_8, %scan3A_9 : i32
    %scan3A_11 = arith.constant 1 : i32
    scf.for %scan3A_23 = %scan3A_8 to %scan3A_10 step %scan3A_11  : i32 {
      %mul3A_24 = arith.constant 2 : i32
      %mul3A_25 = arith.muli %scan3A_23, %mul3A_24 : i32
      %add3A = arith.constant 1 : i32
      %add3A_26 = arith.addi %mul3A_25, %add3A : i32
      %dma_wait3A_27 = arith.constant 0 : i32
      %dma_wait3A_28 = tpu.memref_slice %arg6[%mul3A_25, %dma_wait3A_27] : memref<80x128xi32, #tpu.memory_space<vmem>> -> memref<1x128xi32, #tpu.memory_space<vmem>>
      %dma_wait3A_29 = tpu.memref_squeeze %dma_wait3A_28 : memref<1x128xi32, #tpu.memory_space<vmem>> -> memref<128xi32, #tpu.memory_space<vmem>>
      %dma_wait3A_30 = arith.constant 0 : i32
      %dma_wait3A_31 = arith.constant 0 : i32
      %dma_wait3A_32 = tpu.memref_slice %arg2[%dma_wait3A_30, %dma_wait3A_31] : memref<10240x128xf32, #tpu.memory_space<hbm>> -> memref<10240x128xf32, #tpu.memory_space<hbm>>
      tpu.wait_indirect_dma semaphore(%arg11 : memref<!tpu.dma_semaphore, #tpu.memory_space<semaphore_mem>>) src(%dma_wait3A_32 : memref<10240x128xf32, #tpu.memory_space<hbm>>) dst(%arg8 : memref<128x128xf32, #tpu.memory_space<vmem>>)
      %gt3A = arith.constant 0 : i32
      %gt3A_33 = arith.cmpi sgt, %scan3A_23, %gt3A : i32
      %convert_element_type3A_34 = arith.extui %gt3A_33 : i1 to i32
      %cond3A_35 = arith.constant 0 : i32
      %cond3A_36 = arith.cmpi ne, %convert_element_type3A_34, %cond3A_35 : i32
      scf.if %cond3A_36 {
        %dma_wait3A_81 = arith.constant 0 : i32
        %dma_wait3A_82 = arith.constant 0 : i32
        %dma_wait3A_83 = tpu.memref_slice %arg7[%dma_wait3A_81, %dma_wait3A_82] : memref<16x128xi32, #tpu.memory_space<vmem>> -> memref<1x128xi32, #tpu.memory_space<vmem>>
        %dma_wait3A_84 = tpu.memref_squeeze %dma_wait3A_83 : memref<1x128xi32, #tpu.memory_space<vmem>> -> memref<128xi32, #tpu.memory_space<vmem>>
        %dma_wait3A_85 = arith.constant 0 : i32
        %dma_wait3A_86 = arith.constant 0 : i32
        %dma_wait3A_87 = tpu.memref_slice %arg10[%dma_wait3A_85, %dma_wait3A_86] : memref<10240x128xf32, #tpu.memory_space<vmem_shared>> -> memref<10240x128xf32, #tpu.memory_space<vmem_shared>>
        tpu.wait_indirect_dma semaphore(%arg14 : memref<!tpu.dma_semaphore, #tpu.memory_space<semaphore_mem>>) src(%arg9 : memref<128x128xf32, #tpu.memory_space<vmem>>) dst(%dma_wait3A_87 : memref<10240x128xf32, #tpu.memory_space<vmem_shared>>)
      } else {
      }
      %rem3A = arith.constant 8 : i32
      %rem3A_37 = arith.remsi %scan3A_23, %rem3A : i32
      %eq3A_38 = arith.constant 0 : i32
      %eq3A_39 = arith.cmpi eq, %rem3A_37, %eq3A_38 : i32
      %convert_element_type3A_40 = arith.extui %eq3A_39 : i1 to i32
      %cond3A_41 = arith.constant 0 : i32
      %cond3A_42 = arith.cmpi ne, %convert_element_type3A_40, %cond3A_41 : i32
      scf.if %cond3A_42 {
        %jit3A = arith.constant 8 : i32
        %div3A = arith.divsi %scan3A_23, %jit3A : i32
        %sign3A = arith.constant 0 : i32
        %sign3A_81 = arith.cmpi sgt, %scan3A_23, %sign3A : i32
        %sign3A_82 = arith.extui %sign3A_81 : i1 to i32
        %sign3A_83 = arith.constant 0 : i32
        %sign3A_84 = arith.cmpi slt, %scan3A_23, %sign3A_83 : i32
        %sign3A_85 = arith.extui %sign3A_84 : i1 to i32
        %sign3A_86 = arith.subi %sign3A_82, %sign3A_85 : i32
        %sign3A_87 = arith.constant 0 : i32
        %sign3A_88 = arith.cmpi sgt, %jit3A, %sign3A_87 : i32
        %sign3A_89 = arith.extui %sign3A_88 : i1 to i32
        %sign3A_90 = arith.constant 0 : i32
        %sign3A_91 = arith.cmpi slt, %jit3A, %sign3A_90 : i32
        %sign3A_92 = arith.extui %sign3A_91 : i1 to i32
        %sign3A_93 = arith.subi %sign3A_89, %sign3A_92 : i32
        %ne3A = arith.cmpi ne, %sign3A_86, %sign3A_93 : i32
        %rem3A_94 = arith.remsi %scan3A_23, %jit3A : i32
        %ne3A_95 = arith.constant 0 : i32
        %ne3A_96 = arith.cmpi ne, %rem3A_94, %ne3A_95 : i32
        %and3A = arith.andi %ne3A, %ne3A_96 : i1
        %sub3A = arith.constant 1 : i32
        %sub3A_97 = arith.subi %div3A, %sub3A : i32
        %select_n3A = arith.select %and3A, %sub3A_97, %div3A : i32
        %mul3A_98 = arith.constant 16 : i32
        %mul3A_99 = arith.muli %select_n3A, %mul3A_98 : i32
        "tpu.region"() ({
          %run_scoped3A = tpu.sem_alloc : memref<!tpu.dma_semaphore, #tpu.memory_space<semaphore_mem>>
          %dma_start3A_100 = arith.constant 0 : i32
          %dma_start3A_101 = tpu.memref_slice %arg4[%arg0, %arg1, %mul3A_99, %dma_start3A_100] : memref<2x16x80x128xi32, #tpu.memory_space<hbm>> -> memref<1x1x16x128xi32, #tpu.memory_space<hbm>>
          %dma_start3A_102 = tpu.memref_squeeze %dma_start3A_101 : memref<1x1x16x128xi32, #tpu.memory_space<hbm>> -> memref<16x128xi32, #tpu.memory_space<hbm>>
          %dma_start3A_103 = arith.constant 0 : i32
          %dma_start3A_104 = tpu.memref_slice %arg4[%arg0, %arg1, %mul3A_99, %dma_start3A_103] : memref<2x16x80x128xi32, #tpu.memory_space<hbm>> -> memref<1x1x16x128xi32, #tpu.memory_space<hbm>>
          %dma_start3A_105 = tpu.memref_squeeze %dma_start3A_104 : memref<1x1x16x128xi32, #tpu.memory_space<hbm>> -> memref<16x128xi32, #tpu.memory_space<hbm>>
          tpu.enqueue_dma source(%dma_start3A_105 : memref<16x128xi32, #tpu.memory_space<hbm>>) target(%arg7 : memref<16x128xi32, #tpu.memory_space<vmem>>) target_semaphore(%run_scoped3A : memref<!tpu.dma_semaphore, #tpu.memory_space<semaphore_mem>>)
          %dma_wait3A_106 = arith.constant 0 : i32
          %dma_wait3A_107 = tpu.memref_slice %arg4[%arg0, %arg1, %mul3A_99, %dma_wait3A_106] : memref<2x16x80x128xi32, #tpu.memory_space<hbm>> -> memref<1x1x16x128xi32, #tpu.memory_space<hbm>>
          %dma_wait3A_108 = tpu.memref_squeeze %dma_wait3A_107 : memref<1x1x16x128xi32, #tpu.memory_space<hbm>> -> memref<16x128xi32, #tpu.memory_space<hbm>>
          %dma_wait3A_109 = arith.constant 0 : i32
          %dma_wait3A_110 = tpu.memref_slice %arg4[%arg0, %arg1, %mul3A_99, %dma_wait3A_109] : memref<2x16x80x128xi32, #tpu.memory_space<hbm>> -> memref<1x1x16x128xi32, #tpu.memory_space<hbm>>
          %dma_wait3A_111 = tpu.memref_squeeze %dma_wait3A_110 : memref<1x1x16x128xi32, #tpu.memory_space<hbm>> -> memref<16x128xi32, #tpu.memory_space<hbm>>
          tpu.wait_dma2 semaphore(%run_scoped3A : memref<!tpu.dma_semaphore, #tpu.memory_space<semaphore_mem>>) src(%dma_wait3A_111 : memref<16x128xi32, #tpu.memory_space<hbm>>) dst(%arg7 : memref<16x128xi32, #tpu.memory_space<vmem>>)
          tpu.yield
        }) : () -> ()
      } else {
      }
      %rem3A_43 = arith.constant 16 : i32
      %rem3A_44 = arith.remsi %mul3A_25, %rem3A_43 : i32
      %rem3A_45 = arith.constant 16 : i32
      %rem3A_46 = arith.remsi %add3A_26, %rem3A_45 : i32
      %dma_start3A_47 = arith.constant 0 : i32
      %dma_start3A_48 = tpu.memref_slice %arg7[%rem3A_44, %dma_start3A_47] : memref<16x128xi32, #tpu.memory_space<vmem>> -> memref<1x128xi32, #tpu.memory_space<vmem>>
      %dma_start3A_49 = tpu.memref_squeeze %dma_start3A_48 : memref<1x128xi32, #tpu.memory_space<vmem>> -> memref<128xi32, #tpu.memory_space<vmem>>
      %dma_start3A_50 = arith.constant 0 : i32
      %dma_start3A_51 = arith.constant 0 : i32
      %dma_start3A_52 = tpu.memref_slice %arg10[%dma_start3A_50, %dma_start3A_51] : memref<10240x128xf32, #tpu.memory_space<vmem_shared>> -> memref<10240x128xf32, #tpu.memory_space<vmem_shared>>
      tpu.enqueue_indirect_dma source(%arg8 : memref<128x128xf32, #tpu.memory_space<vmem>>) target(%dma_start3A_52 : memref<10240x128xf32, #tpu.memory_space<vmem_shared>>) offsets(%dma_start3A_49 : memref<128xi32, #tpu.memory_space<vmem>>) semaphore(%arg13 : memref<!tpu.dma_semaphore, #tpu.memory_space<semaphore_mem>>) {add = true}
      %dma_start3A_53 = arith.constant 0 : i32
      %dma_start3A_54 = tpu.memref_slice %arg6[%add3A_26, %dma_start3A_53] : memref<80x128xi32, #tpu.memory_space<vmem>> -> memref<1x128xi32, #tpu.memory_space<vmem>>
      %dma_start3A_55 = tpu.memref_squeeze %dma_start3A_54 : memref<1x128xi32, #tpu.memory_space<vmem>> -> memref<128xi32, #tpu.memory_space<vmem>>
      %dma_start3A_56 = arith.constant 0 : i32
      %dma_start3A_57 = arith.constant 0 : i32
      %dma_start3A_58 = tpu.memref_slice %arg2[%dma_start3A_56, %dma_start3A_57] : memref<10240x128xf32, #tpu.memory_space<hbm>> -> memref<10240x128xf32, #tpu.memory_space<hbm>>
      tpu.enqueue_indirect_dma source(%dma_start3A_58 : memref<10240x128xf32, #tpu.memory_space<hbm>>) target(%arg9 : memref<128x128xf32, #tpu.memory_space<vmem>>) offsets(%dma_start3A_55 : memref<128xi32, #tpu.memory_space<vmem>>) semaphore(%arg12 : memref<!tpu.dma_semaphore, #tpu.memory_space<semaphore_mem>>)
      %dma_wait3A_59 = arith.constant 0 : i32
      %dma_wait3A_60 = tpu.memref_slice %arg6[%add3A_26, %dma_wait3A_59] : memref<80x128xi32, #tpu.memory_space<vmem>> -> memref<1x128xi32, #tpu.memory_space<vmem>>
      %dma_wait3A_61 = tpu.memref_squeeze %dma_wait3A_60 : memref<1x128xi32, #tpu.memory_space<vmem>> -> memref<128xi32, #tpu.memory_space<vmem>>
      %dma_wait3A_62 = arith.constant 0 : i32
      %dma_wait3A_63 = arith.constant 0 : i32
      %dma_wait3A_64 = tpu.memref_slice %arg2[%dma_wait3A_62, %dma_wait3A_63] : memref<10240x128xf32, #tpu.memory_space<hbm>> -> memref<10240x128xf32, #tpu.memory_space<hbm>>
      tpu.wait_indirect_dma semaphore(%arg12 : memref<!tpu.dma_semaphore, #tpu.memory_space<semaphore_mem>>) src(%dma_wait3A_64 : memref<10240x128xf32, #tpu.memory_space<hbm>>) dst(%arg9 : memref<128x128xf32, #tpu.memory_space<vmem>>)
      %dma_wait3A_65 = arith.constant 0 : i32
      %dma_wait3A_66 = tpu.memref_slice %arg7[%rem3A_44, %dma_wait3A_65] : memref<16x128xi32, #tpu.memory_space<vmem>> -> memref<1x128xi32, #tpu.memory_space<vmem>>
      %dma_wait3A_67 = tpu.memref_squeeze %dma_wait3A_66 : memref<1x128xi32, #tpu.memory_space<vmem>> -> memref<128xi32, #tpu.memory_space<vmem>>
      %dma_wait3A_68 = arith.constant 0 : i32
      %dma_wait3A_69 = arith.constant 0 : i32
      %dma_wait3A_70 = tpu.memref_slice %arg10[%dma_wait3A_68, %dma_wait3A_69] : memref<10240x128xf32, #tpu.memory_space<vmem_shared>> -> memref<10240x128xf32, #tpu.memory_space<vmem_shared>>
      tpu.wait_indirect_dma semaphore(%arg13 : memref<!tpu.dma_semaphore, #tpu.memory_space<semaphore_mem>>) src(%arg8 : memref<128x128xf32, #tpu.memory_space<vmem>>) dst(%dma_wait3A_70 : memref<10240x128xf32, #tpu.memory_space<vmem_shared>>)
      %dma_start3A_71 = arith.constant 0 : i32
      %dma_start3A_72 = tpu.memref_slice %arg7[%rem3A_46, %dma_start3A_71] : memref<16x128xi32, #tpu.memory_space<vmem>> -> memref<1x128xi32, #tpu.memory_space<vmem>>
      %dma_start3A_73 = tpu.memref_squeeze %dma_start3A_72 : memref<1x128xi32, #tpu.memory_space<vmem>> -> memref<128xi32, #tpu.memory_space<vmem>>
      %dma_start3A_74 = arith.constant 0 : i32
      %dma_start3A_75 = arith.constant 0 : i32
      %dma_start3A_76 = tpu.memref_slice %arg10[%dma_start3A_74, %dma_start3A_75] : memref<10240x128xf32, #tpu.memory_space<vmem_shared>> -> memref<10240x128xf32, #tpu.memory_space<vmem_shared>>
      tpu.enqueue_indirect_dma source(%arg9 : memref<128x128xf32, #tpu.memory_space<vmem>>) target(%dma_start3A_76 : memref<10240x128xf32, #tpu.memory_space<vmem_shared>>) offsets(%dma_start3A_73 : memref<128xi32, #tpu.memory_space<vmem>>) semaphore(%arg14 : memref<!tpu.dma_semaphore, #tpu.memory_space<semaphore_mem>>) {add = true}
      %lt3A = arith.constant 39 : i32
      %lt3A_77 = arith.cmpi slt, %scan3A_23, %lt3A : i32
      %convert_element_type3A_78 = arith.extui %lt3A_77 : i1 to i32
      %cond3A_79 = arith.constant 0 : i32
      %cond3A_80 = arith.cmpi ne, %convert_element_type3A_78, %cond3A_79 : i32
      scf.if %cond3A_80 {
        %add3A_81 = arith.constant 2 : i32
        %add3A_82 = arith.addi %mul3A_25, %add3A_81 : i32
        %dma_start3A_83 = arith.constant 0 : i32
        %dma_start3A_84 = tpu.memref_slice %arg6[%add3A_82, %dma_start3A_83] : memref<80x128xi32, #tpu.memory_space<vmem>> -> memref<1x128xi32, #tpu.memory_space<vmem>>
        %dma_start3A_85 = tpu.memref_squeeze %dma_start3A_84 : memref<1x128xi32, #tpu.memory_space<vmem>> -> memref<128xi32, #tpu.memory_space<vmem>>
        %dma_start3A_86 = arith.constant 0 : i32
        %dma_start3A_87 = arith.constant 0 : i32
        %dma_start3A_88 = tpu.memref_slice %arg2[%dma_start3A_86, %dma_start3A_87] : memref<10240x128xf32, #tpu.memory_space<hbm>> -> memref<10240x128xf32, #tpu.memory_space<hbm>>
        tpu.enqueue_indirect_dma source(%dma_start3A_88 : memref<10240x128xf32, #tpu.memory_space<hbm>>) target(%arg8 : memref<128x128xf32, #tpu.memory_space<vmem>>) offsets(%dma_start3A_85 : memref<128xi32, #tpu.memory_space<vmem>>) semaphore(%arg11 : memref<!tpu.dma_semaphore, #tpu.memory_space<semaphore_mem>>)
      } else {
      }
    }
    %scan3A_12 = arith.constant 40 : i32
    %dma_wait3A = arith.constant 0 : i32
    %dma_wait3A_13 = arith.constant 0 : i32
    %dma_wait3A_14 = tpu.memref_slice %arg7[%dma_wait3A, %dma_wait3A_13] : memref<16x128xi32, #tpu.memory_space<vmem>> -> memref<1x128xi32, #tpu.memory_space<vmem>>
    %dma_wait3A_15 = tpu.memref_squeeze %dma_wait3A_14 : memref<1x128xi32, #tpu.memory_space<vmem>> -> memref<128xi32, #tpu.memory_space<vmem>>
    %dma_wait3A_16 = arith.constant 0 : i32
    %dma_wait3A_17 = arith.constant 0 : i32
    %dma_wait3A_18 = tpu.memref_slice %arg10[%dma_wait3A_16, %dma_wait3A_17] : memref<10240x128xf32, #tpu.memory_space<vmem_shared>> -> memref<10240x128xf32, #tpu.memory_space<vmem_shared>>
    tpu.wait_indirect_dma semaphore(%arg14 : memref<!tpu.dma_semaphore, #tpu.memory_space<semaphore_mem>>) src(%arg9 : memref<128x128xf32, #tpu.memory_space<vmem>>) dst(%dma_wait3A_18 : memref<10240x128xf32, #tpu.memory_space<vmem_shared>>)
    %barrier3A_19 = arith.constant 0 : index
    tpu.barrier barrier_id(%barrier3A_19)
    %mul3A = arith.constant 640 : i32
    %mul3A_20 = arith.muli %arg1, %mul3A : i32
    %mul3A_21 = arith.constant 640 : i32
    %mul3A_22 = arith.muli %arg1, %mul3A_21 : i32
    "tpu.region"() ({
      %run_scoped3A = tpu.sem_alloc : memref<!tpu.dma_semaphore, #tpu.memory_space<semaphore_mem>>
      %dma_start3A_23 = arith.constant 0 : i32
      %dma_start3A_24 = tpu.memref_slice %arg5[%arg0, %mul3A_22, %dma_start3A_23] : memref<2x10240x128xf32, #tpu.memory_space<hbm>> -> memref<1x640x128xf32, #tpu.memory_space<hbm>>
      %dma_start3A_25 = tpu.memref_squeeze %dma_start3A_24 : memref<1x640x128xf32, #tpu.memory_space<hbm>> -> memref<640x128xf32, #tpu.memory_space<hbm>>
      %dma_start3A_26 = arith.constant 0 : i32
      %dma_start3A_27 = tpu.memref_slice %arg10[%mul3A_20, %dma_start3A_26] : memref<10240x128xf32, #tpu.memory_space<vmem_shared>> -> memref<640x128xf32, #tpu.memory_space<vmem_shared>>
      tpu.enqueue_dma source(%dma_start3A_27 : memref<640x128xf32, #tpu.memory_space<vmem_shared>>) target(%dma_start3A_25 : memref<640x128xf32, #tpu.memory_space<hbm>>) target_semaphore(%run_scoped3A : memref<!tpu.dma_semaphore, #tpu.memory_space<semaphore_mem>>)
      %dma_wait3A_28 = arith.constant 0 : i32
      %dma_wait3A_29 = tpu.memref_slice %arg5[%arg0, %mul3A_22, %dma_wait3A_28] : memref<2x10240x128xf32, #tpu.memory_space<hbm>> -> memref<1x640x128xf32, #tpu.memory_space<hbm>>
      %dma_wait3A_30 = tpu.memref_squeeze %dma_wait3A_29 : memref<1x640x128xf32, #tpu.memory_space<hbm>> -> memref<640x128xf32, #tpu.memory_space<hbm>>
      %dma_wait3A_31 = arith.constant 0 : i32
      %dma_wait3A_32 = tpu.memref_slice %arg10[%mul3A_20, %dma_wait3A_31] : memref<10240x128xf32, #tpu.memory_space<vmem_shared>> -> memref<640x128xf32, #tpu.memory_space<vmem_shared>>
      tpu.wait_dma2 semaphore(%run_scoped3A : memref<!tpu.dma_semaphore, #tpu.memory_space<semaphore_mem>>) src(%dma_wait3A_32 : memref<640x128xf32, #tpu.memory_space<vmem_shared>>) dst(%dma_wait3A_30 : memref<640x128xf32, #tpu.memory_space<hbm>>)
      tpu.yield
    }) : () -> ()
    return
  }
}

#map = affine_map<(d0, d1) -> (0, 0, 0, 0)>
#map1 = affine_map<(d0, d1) -> (0, 0)>
#map2 = affine_map<(d0, d1) -> (0, 0, 0)>
module attributes {stable_mosaic.version = 14 : i64} {
  func.func @_sc_degree(%arg0: i32, %arg1: i32, %arg2: memref<2x16x80x128xi32, #tpu.memory_space<hbm>>, %arg3: memref<128x128xf32, #tpu.memory_space<hbm>>, %arg4: memref<10240x128xf32, #tpu.memory_space<hbm>>, %arg5: memref<2x10240x128xf32, #tpu.memory_space<hbm>>, %arg6: memref<16x128xi32, #tpu.memory_space<vmem>>, %arg7: memref<128x128xf32, #tpu.memory_space<vmem>>, %arg8: memref<10240x128xf32, #tpu.memory_space<vmem_shared>>, %arg9: memref<!tpu.dma_semaphore, #tpu.memory_space<semaphore_mem>>) attributes {dimension_semantics = [#tpu.dimension_semantics<core_parallel>, #tpu.dimension_semantics<subcore_parallel>], iteration_bounds = array<i64: 2, 16>, scalar_prefetch = 0 : i64, scratch_operands = 4 : i64, tpu.core_type = #tpu.core_type<sc_vector_subcore>, window_params = [{transform_indices = #map}, {transform_indices = #map1}, {transform_indices = #map1}, {transform_indices = #map2}]} {
    "tpu.region"() ({
      %run_scoped3A = tpu.sem_alloc : memref<!tpu.dma_semaphore, #tpu.memory_space<semaphore_mem>>
      tpu.enqueue_dma source(%arg3 : memref<128x128xf32, #tpu.memory_space<hbm>>) target(%arg7 : memref<128x128xf32, #tpu.memory_space<vmem>>) target_semaphore(%run_scoped3A : memref<!tpu.dma_semaphore, #tpu.memory_space<semaphore_mem>>)
      tpu.wait_dma2 semaphore(%run_scoped3A : memref<!tpu.dma_semaphore, #tpu.memory_space<semaphore_mem>>) src(%arg3 : memref<128x128xf32, #tpu.memory_space<hbm>>) dst(%arg7 : memref<128x128xf32, #tpu.memory_space<vmem>>)
      tpu.yield
    }) : () -> ()
    %eq3A = arith.constant 0 : i32
    %eq3A_0 = arith.cmpi eq, %arg1, %eq3A : i32
    %convert_element_type3A = arith.extui %eq3A_0 : i1 to i32
    %cond3A = arith.constant 0 : i32
    %cond3A_1 = arith.cmpi ne, %convert_element_type3A, %cond3A : i32
    scf.if %cond3A_1 {
      "tpu.region"() ({
        %run_scoped3A = tpu.sem_alloc : memref<!tpu.dma_semaphore, #tpu.memory_space<semaphore_mem>>
        tpu.enqueue_dma source(%arg4 : memref<10240x128xf32, #tpu.memory_space<hbm>>) target(%arg8 : memref<10240x128xf32, #tpu.memory_space<vmem_shared>>) target_semaphore(%run_scoped3A : memref<!tpu.dma_semaphore, #tpu.memory_space<semaphore_mem>>)
        tpu.wait_dma2 semaphore(%run_scoped3A : memref<!tpu.dma_semaphore, #tpu.memory_space<semaphore_mem>>) src(%arg4 : memref<10240x128xf32, #tpu.memory_space<hbm>>) dst(%arg8 : memref<10240x128xf32, #tpu.memory_space<vmem_shared>>)
        tpu.yield
      }) : () -> ()
    } else {
    }
    %barrier3A = arith.constant 0 : index
    tpu.barrier barrier_id(%barrier3A)
    %scan3A = arith.constant 0 : i32
    %scan3A_2 = arith.constant 0 : i32
    %scan3A_3 = arith.constant 5 : i32
    %scan3A_4 = arith.addi %scan3A_2, %scan3A_3 : i32
    %scan3A_5 = arith.constant 1 : i32
    scf.for %scan3A_11 = %scan3A_2 to %scan3A_4 step %scan3A_5  : i32 {
      %mul3A_12 = arith.constant 16 : i32
      %mul3A_13 = arith.muli %scan3A_11, %mul3A_12 : i32
      "tpu.region"() ({
        %run_scoped3A = tpu.sem_alloc : memref<!tpu.dma_semaphore, #tpu.memory_space<semaphore_mem>>
        %dma_start3A = arith.constant 0 : i32
        %dma_start3A_24 = tpu.memref_slice %arg2[%arg0, %arg1, %mul3A_13, %dma_start3A] : memref<2x16x80x128xi32, #tpu.memory_space<hbm>> -> memref<1x1x16x128xi32, #tpu.memory_space<hbm>>
        %dma_start3A_25 = tpu.memref_squeeze %dma_start3A_24 : memref<1x1x16x128xi32, #tpu.memory_space<hbm>> -> memref<16x128xi32, #tpu.memory_space<hbm>>
        %dma_start3A_26 = arith.constant 0 : i32
        %dma_start3A_27 = tpu.memref_slice %arg2[%arg0, %arg1, %mul3A_13, %dma_start3A_26] : memref<2x16x80x128xi32, #tpu.memory_space<hbm>> -> memref<1x1x16x128xi32, #tpu.memory_space<hbm>>
        %dma_start3A_28 = tpu.memref_squeeze %dma_start3A_27 : memref<1x1x16x128xi32, #tpu.memory_space<hbm>> -> memref<16x128xi32, #tpu.memory_space<hbm>>
        tpu.enqueue_dma source(%dma_start3A_28 : memref<16x128xi32, #tpu.memory_space<hbm>>) target(%arg6 : memref<16x128xi32, #tpu.memory_space<vmem>>) target_semaphore(%run_scoped3A : memref<!tpu.dma_semaphore, #tpu.memory_space<semaphore_mem>>)
        %dma_wait3A = arith.constant 0 : i32
        %dma_wait3A_29 = tpu.memref_slice %arg2[%arg0, %arg1, %mul3A_13, %dma_wait3A] : memref<2x16x80x128xi32, #tpu.memory_space<hbm>> -> memref<1x1x16x128xi32, #tpu.memory_space<hbm>>
        %dma_wait3A_30 = tpu.memref_squeeze %dma_wait3A_29 : memref<1x1x16x128xi32, #tpu.memory_space<hbm>> -> memref<16x128xi32, #tpu.memory_space<hbm>>
        %dma_wait3A_31 = arith.constant 0 : i32
        %dma_wait3A_32 = tpu.memref_slice %arg2[%arg0, %arg1, %mul3A_13, %dma_wait3A_31] : memref<2x16x80x128xi32, #tpu.memory_space<hbm>> -> memref<1x1x16x128xi32, #tpu.memory_space<hbm>>
        %dma_wait3A_33 = tpu.memref_squeeze %dma_wait3A_32 : memref<1x1x16x128xi32, #tpu.memory_space<hbm>> -> memref<16x128xi32, #tpu.memory_space<hbm>>
        tpu.wait_dma2 semaphore(%run_scoped3A : memref<!tpu.dma_semaphore, #tpu.memory_space<semaphore_mem>>) src(%dma_wait3A_33 : memref<16x128xi32, #tpu.memory_space<hbm>>) dst(%arg6 : memref<16x128xi32, #tpu.memory_space<vmem>>)
        tpu.yield
      }) : () -> ()
      %scan3A_14 = arith.constant 0 : i32
      %scan3A_15 = arith.constant 16 : i32
      %scan3A_16 = arith.addi %scan3A_14, %scan3A_15 : i32
      %scan3A_17 = arith.constant 1 : i32
      scf.for %scan3A_24 = %scan3A_14 to %scan3A_16 step %scan3A_17  : i32 {
        %dma_start3A = arith.constant 0 : i32
        %dma_start3A_25 = tpu.memref_slice %arg6[%scan3A_24, %dma_start3A] : memref<16x128xi32, #tpu.memory_space<vmem>> -> memref<1x128xi32, #tpu.memory_space<vmem>>
        %dma_start3A_26 = tpu.memref_squeeze %dma_start3A_25 : memref<1x128xi32, #tpu.memory_space<vmem>> -> memref<128xi32, #tpu.memory_space<vmem>>
        %dma_start3A_27 = arith.constant 0 : i32
        %dma_start3A_28 = arith.constant 0 : i32
        %dma_start3A_29 = tpu.memref_slice %arg8[%dma_start3A_27, %dma_start3A_28] : memref<10240x128xf32, #tpu.memory_space<vmem_shared>> -> memref<10240x128xf32, #tpu.memory_space<vmem_shared>>
        tpu.enqueue_indirect_dma source(%arg7 : memref<128x128xf32, #tpu.memory_space<vmem>>) target(%dma_start3A_29 : memref<10240x128xf32, #tpu.memory_space<vmem_shared>>) offsets(%dma_start3A_26 : memref<128xi32, #tpu.memory_space<vmem>>) semaphore(%arg9 : memref<!tpu.dma_semaphore, #tpu.memory_space<semaphore_mem>>) {add = true}
      }
      %scan3A_18 = arith.constant 16 : i32
      %scan3A_19 = arith.constant 0 : i32
      %scan3A_20 = arith.constant 16 : i32
      %scan3A_21 = arith.addi %scan3A_19, %scan3A_20 : i32
      %scan3A_22 = arith.constant 1 : i32
      scf.for %scan3A_24 = %scan3A_19 to %scan3A_21 step %scan3A_22  : i32 {
        %dma_wait3A = arith.constant 0 : i32
        %dma_wait3A_25 = arith.constant 0 : i32
        %dma_wait3A_26 = tpu.memref_slice %arg6[%dma_wait3A, %dma_wait3A_25] : memref<16x128xi32, #tpu.memory_space<vmem>> -> memref<1x128xi32, #tpu.memory_space<vmem>>
        %dma_wait3A_27 = tpu.memref_squeeze %dma_wait3A_26 : memref<1x128xi32, #tpu.memory_space<vmem>> -> memref<128xi32, #tpu.memory_space<vmem>>
        %dma_wait3A_28 = arith.constant 0 : i32
        %dma_wait3A_29 = arith.constant 0 : i32
        %dma_wait3A_30 = tpu.memref_slice %arg8[%dma_wait3A_28, %dma_wait3A_29] : memref<10240x128xf32, #tpu.memory_space<vmem_shared>> -> memref<10240x128xf32, #tpu.memory_space<vmem_shared>>
        tpu.wait_indirect_dma semaphore(%arg9 : memref<!tpu.dma_semaphore, #tpu.memory_space<semaphore_mem>>) src(%arg7 : memref<128x128xf32, #tpu.memory_space<vmem>>) dst(%dma_wait3A_30 : memref<10240x128xf32, #tpu.memory_space<vmem_shared>>)
      }
      %scan3A_23 = arith.constant 16 : i32
    }
    %scan3A_6 = arith.constant 5 : i32
    %barrier3A_7 = arith.constant 0 : index
    tpu.barrier barrier_id(%barrier3A_7)
    %mul3A = arith.constant 640 : i32
    %mul3A_8 = arith.muli %arg1, %mul3A : i32
    %mul3A_9 = arith.constant 640 : i32
    %mul3A_10 = arith.muli %arg1, %mul3A_9 : i32
    "tpu.region"() ({
      %run_scoped3A = tpu.sem_alloc : memref<!tpu.dma_semaphore, #tpu.memory_space<semaphore_mem>>
      %dma_start3A = arith.constant 0 : i32
      %dma_start3A_11 = tpu.memref_slice %arg5[%arg0, %mul3A_10, %dma_start3A] : memref<2x10240x128xf32, #tpu.memory_space<hbm>> -> memref<1x640x128xf32, #tpu.memory_space<hbm>>
      %dma_start3A_12 = tpu.memref_squeeze %dma_start3A_11 : memref<1x640x128xf32, #tpu.memory_space<hbm>> -> memref<640x128xf32, #tpu.memory_space<hbm>>
      %dma_start3A_13 = arith.constant 0 : i32
      %dma_start3A_14 = tpu.memref_slice %arg8[%mul3A_8, %dma_start3A_13] : memref<10240x128xf32, #tpu.memory_space<vmem_shared>> -> memref<640x128xf32, #tpu.memory_space<vmem_shared>>
      tpu.enqueue_dma source(%dma_start3A_14 : memref<640x128xf32, #tpu.memory_space<vmem_shared>>) target(%dma_start3A_12 : memref<640x128xf32, #tpu.memory_space<hbm>>) target_semaphore(%run_scoped3A : memref<!tpu.dma_semaphore, #tpu.memory_space<semaphore_mem>>)
      %dma_wait3A = arith.constant 0 : i32
      %dma_wait3A_15 = tpu.memref_slice %arg5[%arg0, %mul3A_10, %dma_wait3A] : memref<2x10240x128xf32, #tpu.memory_space<hbm>> -> memref<1x640x128xf32, #tpu.memory_space<hbm>>
      %dma_wait3A_16 = tpu.memref_squeeze %dma_wait3A_15 : memref<1x640x128xf32, #tpu.memory_space<hbm>> -> memref<640x128xf32, #tpu.memory_space<hbm>>
      %dma_wait3A_17 = arith.constant 0 : i32
      %dma_wait3A_18 = tpu.memref_slice %arg8[%mul3A_8, %dma_wait3A_17] : memref<10240x128xf32, #tpu.memory_space<vmem_shared>> -> memref<640x128xf32, #tpu.memory_space<vmem_shared>>
      tpu.wait_dma2 semaphore(%run_scoped3A : memref<!tpu.dma_semaphore, #tpu.memory_space<semaphore_mem>>) src(%dma_wait3A_18 : memref<640x128xf32, #tpu.memory_space<vmem_shared>>) dst(%dma_wait3A_16 : memref<640x128xf32, #tpu.memory_space<hbm>>)
      tpu.yield
    }) : () -> ()
    return
  }
}

#map = affine_map<(d0, d1) -> (0, 0)>
#map1 = affine_map<(d0, d1) -> (0, 0, 0, 0)>
#map2 = affine_map<(d0, d1) -> (0, 0, 0)>
module attributes {stable_mosaic.version = 14 : i64} {
  func.func @_sc_scatter(%arg0: i32, %arg1: i32, %arg2: memref<10240x128xf32, #tpu.memory_space<hbm>>, %arg3: memref<2x16x80x128xi32, #tpu.memory_space<hbm>>, %arg4: memref<2x16x80x128xi32, #tpu.memory_space<hbm>>, %arg5: memref<2x10240x128xf32, #tpu.memory_space<hbm>>, %arg6: memref<80x128xi32, #tpu.memory_space<vmem>>, %arg7: memref<16x128xi32, #tpu.memory_space<vmem>>, %arg8: memref<128x128xf32, #tpu.memory_space<vmem>>, %arg9: memref<128x128xf32, #tpu.memory_space<vmem>>, %arg10: memref<10240x128xf32, #tpu.memory_space<vmem_shared>>, %arg11: memref<!tpu.dma_semaphore, #tpu.memory_space<semaphore_mem>>, %arg12: memref<!tpu.dma_semaphore, #tpu.memory_space<semaphore_mem>>, %arg13: memref<!tpu.dma_semaphore, #tpu.memory_space<semaphore_mem>>, %arg14: memref<!tpu.dma_semaphore, #tpu.memory_space<semaphore_mem>>) attributes {dimension_semantics = [#tpu.dimension_semantics<core_parallel>, #tpu.dimension_semantics<subcore_parallel>], iteration_bounds = array<i64: 2, 16>, scalar_prefetch = 0 : i64, scratch_operands = 9 : i64, tpu.core_type = #tpu.core_type<sc_vector_subcore>, window_params = [{transform_indices = #map}, {transform_indices = #map1}, {transform_indices = #map1}, {transform_indices = #map2}]} {
    "tpu.region"() ({
      %run_scoped3A = tpu.sem_alloc : memref<!tpu.dma_semaphore, #tpu.memory_space<semaphore_mem>>
      %dma_start3A_23 = arith.constant 0 : i32
      %dma_start3A_24 = arith.constant 0 : i32
      %dma_start3A_25 = tpu.memref_slice %arg3[%arg0, %arg1, %dma_start3A_23, %dma_start3A_24] : memref<2x16x80x128xi32, #tpu.memory_space<hbm>> -> memref<1x1x80x128xi32, #tpu.memory_space<hbm>>
      %dma_start3A_26 = tpu.memref_squeeze %dma_start3A_25 : memref<1x1x80x128xi32, #tpu.memory_space<hbm>> -> memref<80x128xi32, #tpu.memory_space<hbm>>
      %dma_start3A_27 = arith.constant 0 : i32
      %dma_start3A_28 = arith.constant 0 : i32
      %dma_start3A_29 = tpu.memref_slice %arg3[%arg0, %arg1, %dma_start3A_27, %dma_start3A_28] : memref<2x16x80x128xi32, #tpu.memory_space<hbm>> -> memref<1x1x80x128xi32, #tpu.memory_space<hbm>>
      %dma_start3A_30 = tpu.memref_squeeze %dma_start3A_29 : memref<1x1x80x128xi32, #tpu.memory_space<hbm>> -> memref<80x128xi32, #tpu.memory_space<hbm>>
      tpu.enqueue_dma source(%dma_start3A_30 : memref<80x128xi32, #tpu.memory_space<hbm>>) target(%arg6 : memref<80x128xi32, #tpu.memory_space<vmem>>) target_semaphore(%run_scoped3A : memref<!tpu.dma_semaphore, #tpu.memory_space<semaphore_mem>>)
      %dma_wait3A_31 = arith.constant 0 : i32
      %dma_wait3A_32 = arith.constant 0 : i32
      %dma_wait3A_33 = tpu.memref_slice %arg3[%arg0, %arg1, %dma_wait3A_31, %dma_wait3A_32] : memref<2x16x80x128xi32, #tpu.memory_space<hbm>> -> memref<1x1x80x128xi32, #tpu.memory_space<hbm>>
      %dma_wait3A_34 = tpu.memref_squeeze %dma_wait3A_33 : memref<1x1x80x128xi32, #tpu.memory_space<hbm>> -> memref<80x128xi32, #tpu.memory_space<hbm>>
      %dma_wait3A_35 = arith.constant 0 : i32
      %dma_wait3A_36 = arith.constant 0 : i32
      %dma_wait3A_37 = tpu.memref_slice %arg3[%arg0, %arg1, %dma_wait3A_35, %dma_wait3A_36] : memref<2x16x80x128xi32, #tpu.memory_space<hbm>> -> memref<1x1x80x128xi32, #tpu.memory_space<hbm>>
      %dma_wait3A_38 = tpu.memref_squeeze %dma_wait3A_37 : memref<1x1x80x128xi32, #tpu.memory_space<hbm>> -> memref<80x128xi32, #tpu.memory_space<hbm>>
      tpu.wait_dma2 semaphore(%run_scoped3A : memref<!tpu.dma_semaphore, #tpu.memory_space<semaphore_mem>>) src(%dma_wait3A_38 : memref<80x128xi32, #tpu.memory_space<hbm>>) dst(%arg6 : memref<80x128xi32, #tpu.memory_space<vmem>>)
      tpu.yield
    }) : () -> ()
    %eq3A = arith.constant 0 : i32
    %eq3A_0 = arith.cmpi eq, %arg1, %eq3A : i32
    %convert_element_type3A = arith.extui %eq3A_0 : i1 to i32
    %cond3A = arith.constant 0 : i32
    %cond3A_1 = arith.cmpi ne, %convert_element_type3A, %cond3A : i32
    scf.if %cond3A_1 {
      "tpu.region"() ({
        %run_scoped3A = tpu.sem_alloc : memref<!tpu.dma_semaphore, #tpu.memory_space<semaphore_mem>>
        tpu.enqueue_dma source(%arg2 : memref<10240x128xf32, #tpu.memory_space<hbm>>) target(%arg10 : memref<10240x128xf32, #tpu.memory_space<vmem_shared>>) target_semaphore(%run_scoped3A : memref<!tpu.dma_semaphore, #tpu.memory_space<semaphore_mem>>)
        tpu.wait_dma2 semaphore(%run_scoped3A : memref<!tpu.dma_semaphore, #tpu.memory_space<semaphore_mem>>) src(%arg2 : memref<10240x128xf32, #tpu.memory_space<hbm>>) dst(%arg10 : memref<10240x128xf32, #tpu.memory_space<vmem_shared>>)
        tpu.yield
      }) : () -> ()
    } else {
    }
    %barrier3A = arith.constant 0 : index
    tpu.barrier barrier_id(%barrier3A)
    "tpu.region"() ({
      %run_scoped3A = tpu.sem_alloc : memref<!tpu.dma_semaphore, #tpu.memory_space<semaphore_mem>>
      %dma_start3A_23 = arith.constant 0 : i32
      %dma_start3A_24 = arith.constant 0 : i32
      %dma_start3A_25 = tpu.memref_slice %arg4[%arg0, %arg1, %dma_start3A_23, %dma_start3A_24] : memref<2x16x80x128xi32, #tpu.memory_space<hbm>> -> memref<1x1x16x128xi32, #tpu.memory_space<hbm>>
      %dma_start3A_26 = tpu.memref_squeeze %dma_start3A_25 : memref<1x1x16x128xi32, #tpu.memory_space<hbm>> -> memref<16x128xi32, #tpu.memory_space<hbm>>
      %dma_start3A_27 = arith.constant 0 : i32
      %dma_start3A_28 = arith.constant 0 : i32
      %dma_start3A_29 = tpu.memref_slice %arg4[%arg0, %arg1, %dma_start3A_27, %dma_start3A_28] : memref<2x16x80x128xi32, #tpu.memory_space<hbm>> -> memref<1x1x16x128xi32, #tpu.memory_space<hbm>>
      %dma_start3A_30 = tpu.memref_squeeze %dma_start3A_29 : memref<1x1x16x128xi32, #tpu.memory_space<hbm>> -> memref<16x128xi32, #tpu.memory_space<hbm>>
      tpu.enqueue_dma source(%dma_start3A_30 : memref<16x128xi32, #tpu.memory_space<hbm>>) target(%arg7 : memref<16x128xi32, #tpu.memory_space<vmem>>) target_semaphore(%run_scoped3A : memref<!tpu.dma_semaphore, #tpu.memory_space<semaphore_mem>>)
      %dma_wait3A_31 = arith.constant 0 : i32
      %dma_wait3A_32 = arith.constant 0 : i32
      %dma_wait3A_33 = tpu.memref_slice %arg4[%arg0, %arg1, %dma_wait3A_31, %dma_wait3A_32] : memref<2x16x80x128xi32, #tpu.memory_space<hbm>> -> memref<1x1x16x128xi32, #tpu.memory_space<hbm>>
      %dma_wait3A_34 = tpu.memref_squeeze %dma_wait3A_33 : memref<1x1x16x128xi32, #tpu.memory_space<hbm>> -> memref<16x128xi32, #tpu.memory_space<hbm>>
      %dma_wait3A_35 = arith.constant 0 : i32
      %dma_wait3A_36 = arith.constant 0 : i32
      %dma_wait3A_37 = tpu.memref_slice %arg4[%arg0, %arg1, %dma_wait3A_35, %dma_wait3A_36] : memref<2x16x80x128xi32, #tpu.memory_space<hbm>> -> memref<1x1x16x128xi32, #tpu.memory_space<hbm>>
      %dma_wait3A_38 = tpu.memref_squeeze %dma_wait3A_37 : memref<1x1x16x128xi32, #tpu.memory_space<hbm>> -> memref<16x128xi32, #tpu.memory_space<hbm>>
      tpu.wait_dma2 semaphore(%run_scoped3A : memref<!tpu.dma_semaphore, #tpu.memory_space<semaphore_mem>>) src(%dma_wait3A_38 : memref<16x128xi32, #tpu.memory_space<hbm>>) dst(%arg7 : memref<16x128xi32, #tpu.memory_space<vmem>>)
      tpu.yield
    }) : () -> ()
    %dma_start3A = arith.constant 0 : i32
    %dma_start3A_2 = arith.constant 0 : i32
    %dma_start3A_3 = tpu.memref_slice %arg6[%dma_start3A, %dma_start3A_2] : memref<80x128xi32, #tpu.memory_space<vmem>> -> memref<1x128xi32, #tpu.memory_space<vmem>>
    %dma_start3A_4 = tpu.memref_squeeze %dma_start3A_3 : memref<1x128xi32, #tpu.memory_space<vmem>> -> memref<128xi32, #tpu.memory_space<vmem>>
    %dma_start3A_5 = arith.constant 0 : i32
    %dma_start3A_6 = arith.constant 0 : i32
    %dma_start3A_7 = tpu.memref_slice %arg2[%dma_start3A_5, %dma_start3A_6] : memref<10240x128xf32, #tpu.memory_space<hbm>> -> memref<10240x128xf32, #tpu.memory_space<hbm>>
    tpu.enqueue_indirect_dma source(%dma_start3A_7 : memref<10240x128xf32, #tpu.memory_space<hbm>>) target(%arg8 : memref<128x128xf32, #tpu.memory_space<vmem>>) offsets(%dma_start3A_4 : memref<128xi32, #tpu.memory_space<vmem>>) semaphore(%arg11 : memref<!tpu.dma_semaphore, #tpu.memory_space<semaphore_mem>>)
    %scan3A = arith.constant 0 : i32
    %scan3A_8 = arith.constant 0 : i32
    %scan3A_9 = arith.constant 40 : i32
    %scan3A_10 = arith.addi %scan3A_8, %scan3A_9 : i32
    %scan3A_11 = arith.constant 1 : i32
    scf.for %scan3A_23 = %scan3A_8 to %scan3A_10 step %scan3A_11  : i32 {
      %mul3A_24 = arith.constant 2 : i32
      %mul3A_25 = arith.muli %scan3A_23, %mul3A_24 : i32
      %add3A = arith.constant 1 : i32
      %add3A_26 = arith.addi %mul3A_25, %add3A : i32
      %dma_wait3A_27 = arith.constant 0 : i32
      %dma_wait3A_28 = tpu.memref_slice %arg6[%mul3A_25, %dma_wait3A_27] : memref<80x128xi32, #tpu.memory_space<vmem>> -> memref<1x128xi32, #tpu.memory_space<vmem>>
      %dma_wait3A_29 = tpu.memref_squeeze %dma_wait3A_28 : memref<1x128xi32, #tpu.memory_space<vmem>> -> memref<128xi32, #tpu.memory_space<vmem>>
      %dma_wait3A_30 = arith.constant 0 : i32
      %dma_wait3A_31 = arith.constant 0 : i32
      %dma_wait3A_32 = tpu.memref_slice %arg2[%dma_wait3A_30, %dma_wait3A_31] : memref<10240x128xf32, #tpu.memory_space<hbm>> -> memref<10240x128xf32, #tpu.memory_space<hbm>>
      tpu.wait_indirect_dma semaphore(%arg11 : memref<!tpu.dma_semaphore, #tpu.memory_space<semaphore_mem>>) src(%dma_wait3A_32 : memref<10240x128xf32, #tpu.memory_space<hbm>>) dst(%arg8 : memref<128x128xf32, #tpu.memory_space<vmem>>)
      %gt3A = arith.constant 0 : i32
      %gt3A_33 = arith.cmpi sgt, %scan3A_23, %gt3A : i32
      %convert_element_type3A_34 = arith.extui %gt3A_33 : i1 to i32
      %cond3A_35 = arith.constant 0 : i32
      %cond3A_36 = arith.cmpi ne, %convert_element_type3A_34, %cond3A_35 : i32
      scf.if %cond3A_36 {
        %dma_wait3A_81 = arith.constant 0 : i32
        %dma_wait3A_82 = arith.constant 0 : i32
        %dma_wait3A_83 = tpu.memref_slice %arg7[%dma_wait3A_81, %dma_wait3A_82] : memref<16x128xi32, #tpu.memory_space<vmem>> -> memref<1x128xi32, #tpu.memory_space<vmem>>
        %dma_wait3A_84 = tpu.memref_squeeze %dma_wait3A_83 : memref<1x128xi32, #tpu.memory_space<vmem>> -> memref<128xi32, #tpu.memory_space<vmem>>
        %dma_wait3A_85 = arith.constant 0 : i32
        %dma_wait3A_86 = arith.constant 0 : i32
        %dma_wait3A_87 = tpu.memref_slice %arg10[%dma_wait3A_85, %dma_wait3A_86] : memref<10240x128xf32, #tpu.memory_space<vmem_shared>> -> memref<10240x128xf32, #tpu.memory_space<vmem_shared>>
        tpu.wait_indirect_dma semaphore(%arg14 : memref<!tpu.dma_semaphore, #tpu.memory_space<semaphore_mem>>) src(%arg9 : memref<128x128xf32, #tpu.memory_space<vmem>>) dst(%dma_wait3A_87 : memref<10240x128xf32, #tpu.memory_space<vmem_shared>>)
      } else {
      }
      %rem3A = arith.constant 8 : i32
      %rem3A_37 = arith.remsi %scan3A_23, %rem3A : i32
      %eq3A_38 = arith.constant 0 : i32
      %eq3A_39 = arith.cmpi eq, %rem3A_37, %eq3A_38 : i32
      %convert_element_type3A_40 = arith.extui %eq3A_39 : i1 to i32
      %cond3A_41 = arith.constant 0 : i32
      %cond3A_42 = arith.cmpi ne, %convert_element_type3A_40, %cond3A_41 : i32
      scf.if %cond3A_42 {
        %jit3A = arith.constant 8 : i32
        %div3A = arith.divsi %scan3A_23, %jit3A : i32
        %sign3A = arith.constant 0 : i32
        %sign3A_81 = arith.cmpi sgt, %scan3A_23, %sign3A : i32
        %sign3A_82 = arith.extui %sign3A_81 : i1 to i32
        %sign3A_83 = arith.constant 0 : i32
        %sign3A_84 = arith.cmpi slt, %scan3A_23, %sign3A_83 : i32
        %sign3A_85 = arith.extui %sign3A_84 : i1 to i32
        %sign3A_86 = arith.subi %sign3A_82, %sign3A_85 : i32
        %sign3A_87 = arith.constant 0 : i32
        %sign3A_88 = arith.cmpi sgt, %jit3A, %sign3A_87 : i32
        %sign3A_89 = arith.extui %sign3A_88 : i1 to i32
        %sign3A_90 = arith.constant 0 : i32
        %sign3A_91 = arith.cmpi slt, %jit3A, %sign3A_90 : i32
        %sign3A_92 = arith.extui %sign3A_91 : i1 to i32
        %sign3A_93 = arith.subi %sign3A_89, %sign3A_92 : i32
        %ne3A = arith.cmpi ne, %sign3A_86, %sign3A_93 : i32
        %rem3A_94 = arith.remsi %scan3A_23, %jit3A : i32
        %ne3A_95 = arith.constant 0 : i32
        %ne3A_96 = arith.cmpi ne, %rem3A_94, %ne3A_95 : i32
        %and3A = arith.andi %ne3A, %ne3A_96 : i1
        %sub3A = arith.constant 1 : i32
        %sub3A_97 = arith.subi %div3A, %sub3A : i32
        %select_n3A = arith.select %and3A, %sub3A_97, %div3A : i32
        %mul3A_98 = arith.constant 16 : i32
        %mul3A_99 = arith.muli %select_n3A, %mul3A_98 : i32
        "tpu.region"() ({
          %run_scoped3A = tpu.sem_alloc : memref<!tpu.dma_semaphore, #tpu.memory_space<semaphore_mem>>
          %dma_start3A_100 = arith.constant 0 : i32
          %dma_start3A_101 = tpu.memref_slice %arg4[%arg0, %arg1, %mul3A_99, %dma_start3A_100] : memref<2x16x80x128xi32, #tpu.memory_space<hbm>> -> memref<1x1x16x128xi32, #tpu.memory_space<hbm>>
          %dma_start3A_102 = tpu.memref_squeeze %dma_start3A_101 : memref<1x1x16x128xi32, #tpu.memory_space<hbm>> -> memref<16x128xi32, #tpu.memory_space<hbm>>
          %dma_start3A_103 = arith.constant 0 : i32
          %dma_start3A_104 = tpu.memref_slice %arg4[%arg0, %arg1, %mul3A_99, %dma_start3A_103] : memref<2x16x80x128xi32, #tpu.memory_space<hbm>> -> memref<1x1x16x128xi32, #tpu.memory_space<hbm>>
          %dma_start3A_105 = tpu.memref_squeeze %dma_start3A_104 : memref<1x1x16x128xi32, #tpu.memory_space<hbm>> -> memref<16x128xi32, #tpu.memory_space<hbm>>
          tpu.enqueue_dma source(%dma_start3A_105 : memref<16x128xi32, #tpu.memory_space<hbm>>) target(%arg7 : memref<16x128xi32, #tpu.memory_space<vmem>>) target_semaphore(%run_scoped3A : memref<!tpu.dma_semaphore, #tpu.memory_space<semaphore_mem>>)
          %dma_wait3A_106 = arith.constant 0 : i32
          %dma_wait3A_107 = tpu.memref_slice %arg4[%arg0, %arg1, %mul3A_99, %dma_wait3A_106] : memref<2x16x80x128xi32, #tpu.memory_space<hbm>> -> memref<1x1x16x128xi32, #tpu.memory_space<hbm>>
          %dma_wait3A_108 = tpu.memref_squeeze %dma_wait3A_107 : memref<1x1x16x128xi32, #tpu.memory_space<hbm>> -> memref<16x128xi32, #tpu.memory_space<hbm>>
          %dma_wait3A_109 = arith.constant 0 : i32
          %dma_wait3A_110 = tpu.memref_slice %arg4[%arg0, %arg1, %mul3A_99, %dma_wait3A_109] : memref<2x16x80x128xi32, #tpu.memory_space<hbm>> -> memref<1x1x16x128xi32, #tpu.memory_space<hbm>>
          %dma_wait3A_111 = tpu.memref_squeeze %dma_wait3A_110 : memref<1x1x16x128xi32, #tpu.memory_space<hbm>> -> memref<16x128xi32, #tpu.memory_space<hbm>>
          tpu.wait_dma2 semaphore(%run_scoped3A : memref<!tpu.dma_semaphore, #tpu.memory_space<semaphore_mem>>) src(%dma_wait3A_111 : memref<16x128xi32, #tpu.memory_space<hbm>>) dst(%arg7 : memref<16x128xi32, #tpu.memory_space<vmem>>)
          tpu.yield
        }) : () -> ()
      } else {
      }
      %rem3A_43 = arith.constant 16 : i32
      %rem3A_44 = arith.remsi %mul3A_25, %rem3A_43 : i32
      %rem3A_45 = arith.constant 16 : i32
      %rem3A_46 = arith.remsi %add3A_26, %rem3A_45 : i32
      %dma_start3A_47 = arith.constant 0 : i32
      %dma_start3A_48 = tpu.memref_slice %arg7[%rem3A_44, %dma_start3A_47] : memref<16x128xi32, #tpu.memory_space<vmem>> -> memref<1x128xi32, #tpu.memory_space<vmem>>
      %dma_start3A_49 = tpu.memref_squeeze %dma_start3A_48 : memref<1x128xi32, #tpu.memory_space<vmem>> -> memref<128xi32, #tpu.memory_space<vmem>>
      %dma_start3A_50 = arith.constant 0 : i32
      %dma_start3A_51 = arith.constant 0 : i32
      %dma_start3A_52 = tpu.memref_slice %arg10[%dma_start3A_50, %dma_start3A_51] : memref<10240x128xf32, #tpu.memory_space<vmem_shared>> -> memref<10240x128xf32, #tpu.memory_space<vmem_shared>>
      tpu.enqueue_indirect_dma source(%arg8 : memref<128x128xf32, #tpu.memory_space<vmem>>) target(%dma_start3A_52 : memref<10240x128xf32, #tpu.memory_space<vmem_shared>>) offsets(%dma_start3A_49 : memref<128xi32, #tpu.memory_space<vmem>>) semaphore(%arg13 : memref<!tpu.dma_semaphore, #tpu.memory_space<semaphore_mem>>) {add = true}
      %dma_start3A_53 = arith.constant 0 : i32
      %dma_start3A_54 = tpu.memref_slice %arg6[%add3A_26, %dma_start3A_53] : memref<80x128xi32, #tpu.memory_space<vmem>> -> memref<1x128xi32, #tpu.memory_space<vmem>>
      %dma_start3A_55 = tpu.memref_squeeze %dma_start3A_54 : memref<1x128xi32, #tpu.memory_space<vmem>> -> memref<128xi32, #tpu.memory_space<vmem>>
      %dma_start3A_56 = arith.constant 0 : i32
      %dma_start3A_57 = arith.constant 0 : i32
      %dma_start3A_58 = tpu.memref_slice %arg2[%dma_start3A_56, %dma_start3A_57] : memref<10240x128xf32, #tpu.memory_space<hbm>> -> memref<10240x128xf32, #tpu.memory_space<hbm>>
      tpu.enqueue_indirect_dma source(%dma_start3A_58 : memref<10240x128xf32, #tpu.memory_space<hbm>>) target(%arg9 : memref<128x128xf32, #tpu.memory_space<vmem>>) offsets(%dma_start3A_55 : memref<128xi32, #tpu.memory_space<vmem>>) semaphore(%arg12 : memref<!tpu.dma_semaphore, #tpu.memory_space<semaphore_mem>>)
      %dma_wait3A_59 = arith.constant 0 : i32
      %dma_wait3A_60 = tpu.memref_slice %arg6[%add3A_26, %dma_wait3A_59] : memref<80x128xi32, #tpu.memory_space<vmem>> -> memref<1x128xi32, #tpu.memory_space<vmem>>
      %dma_wait3A_61 = tpu.memref_squeeze %dma_wait3A_60 : memref<1x128xi32, #tpu.memory_space<vmem>> -> memref<128xi32, #tpu.memory_space<vmem>>
      %dma_wait3A_62 = arith.constant 0 : i32
      %dma_wait3A_63 = arith.constant 0 : i32
      %dma_wait3A_64 = tpu.memref_slice %arg2[%dma_wait3A_62, %dma_wait3A_63] : memref<10240x128xf32, #tpu.memory_space<hbm>> -> memref<10240x128xf32, #tpu.memory_space<hbm>>
      tpu.wait_indirect_dma semaphore(%arg12 : memref<!tpu.dma_semaphore, #tpu.memory_space<semaphore_mem>>) src(%dma_wait3A_64 : memref<10240x128xf32, #tpu.memory_space<hbm>>) dst(%arg9 : memref<128x128xf32, #tpu.memory_space<vmem>>)
      %dma_wait3A_65 = arith.constant 0 : i32
      %dma_wait3A_66 = tpu.memref_slice %arg7[%rem3A_44, %dma_wait3A_65] : memref<16x128xi32, #tpu.memory_space<vmem>> -> memref<1x128xi32, #tpu.memory_space<vmem>>
      %dma_wait3A_67 = tpu.memref_squeeze %dma_wait3A_66 : memref<1x128xi32, #tpu.memory_space<vmem>> -> memref<128xi32, #tpu.memory_space<vmem>>
      %dma_wait3A_68 = arith.constant 0 : i32
      %dma_wait3A_69 = arith.constant 0 : i32
      %dma_wait3A_70 = tpu.memref_slice %arg10[%dma_wait3A_68, %dma_wait3A_69] : memref<10240x128xf32, #tpu.memory_space<vmem_shared>> -> memref<10240x128xf32, #tpu.memory_space<vmem_shared>>
      tpu.wait_indirect_dma semaphore(%arg13 : memref<!tpu.dma_semaphore, #tpu.memory_space<semaphore_mem>>) src(%arg8 : memref<128x128xf32, #tpu.memory_space<vmem>>) dst(%dma_wait3A_70 : memref<10240x128xf32, #tpu.memory_space<vmem_shared>>)
      %dma_start3A_71 = arith.constant 0 : i32
      %dma_start3A_72 = tpu.memref_slice %arg7[%rem3A_46, %dma_start3A_71] : memref<16x128xi32, #tpu.memory_space<vmem>> -> memref<1x128xi32, #tpu.memory_space<vmem>>
      %dma_start3A_73 = tpu.memref_squeeze %dma_start3A_72 : memref<1x128xi32, #tpu.memory_space<vmem>> -> memref<128xi32, #tpu.memory_space<vmem>>
      %dma_start3A_74 = arith.constant 0 : i32
      %dma_start3A_75 = arith.constant 0 : i32
      %dma_start3A_76 = tpu.memref_slice %arg10[%dma_start3A_74, %dma_start3A_75] : memref<10240x128xf32, #tpu.memory_space<vmem_shared>> -> memref<10240x128xf32, #tpu.memory_space<vmem_shared>>
      tpu.enqueue_indirect_dma source(%arg9 : memref<128x128xf32, #tpu.memory_space<vmem>>) target(%dma_start3A_76 : memref<10240x128xf32, #tpu.memory_space<vmem_shared>>) offsets(%dma_start3A_73 : memref<128xi32, #tpu.memory_space<vmem>>) semaphore(%arg14 : memref<!tpu.dma_semaphore, #tpu.memory_space<semaphore_mem>>) {add = true}
      %lt3A = arith.constant 39 : i32
      %lt3A_77 = arith.cmpi slt, %scan3A_23, %lt3A : i32
      %convert_element_type3A_78 = arith.extui %lt3A_77 : i1 to i32
      %cond3A_79 = arith.constant 0 : i32
      %cond3A_80 = arith.cmpi ne, %convert_element_type3A_78, %cond3A_79 : i32
      scf.if %cond3A_80 {
        %add3A_81 = arith.constant 2 : i32
        %add3A_82 = arith.addi %mul3A_25, %add3A_81 : i32
        %dma_start3A_83 = arith.constant 0 : i32
        %dma_start3A_84 = tpu.memref_slice %arg6[%add3A_82, %dma_start3A_83] : memref<80x128xi32, #tpu.memory_space<vmem>> -> memref<1x128xi32, #tpu.memory_space<vmem>>
        %dma_start3A_85 = tpu.memref_squeeze %dma_start3A_84 : memref<1x128xi32, #tpu.memory_space<vmem>> -> memref<128xi32, #tpu.memory_space<vmem>>
        %dma_start3A_86 = arith.constant 0 : i32
        %dma_start3A_87 = arith.constant 0 : i32
        %dma_start3A_88 = tpu.memref_slice %arg2[%dma_start3A_86, %dma_start3A_87] : memref<10240x128xf32, #tpu.memory_space<hbm>> -> memref<10240x128xf32, #tpu.memory_space<hbm>>
        tpu.enqueue_indirect_dma source(%dma_start3A_88 : memref<10240x128xf32, #tpu.memory_space<hbm>>) target(%arg8 : memref<128x128xf32, #tpu.memory_space<vmem>>) offsets(%dma_start3A_85 : memref<128xi32, #tpu.memory_space<vmem>>) semaphore(%arg11 : memref<!tpu.dma_semaphore, #tpu.memory_space<semaphore_mem>>)
      } else {
      }
    }
    %scan3A_12 = arith.constant 40 : i32
    %dma_wait3A = arith.constant 0 : i32
    %dma_wait3A_13 = arith.constant 0 : i32
    %dma_wait3A_14 = tpu.memref_slice %arg7[%dma_wait3A, %dma_wait3A_13] : memref<16x128xi32, #tpu.memory_space<vmem>> -> memref<1x128xi32, #tpu.memory_space<vmem>>
    %dma_wait3A_15 = tpu.memref_squeeze %dma_wait3A_14 : memref<1x128xi32, #tpu.memory_space<vmem>> -> memref<128xi32, #tpu.memory_space<vmem>>
    %dma_wait3A_16 = arith.constant 0 : i32
    %dma_wait3A_17 = arith.constant 0 : i32
    %dma_wait3A_18 = tpu.memref_slice %arg10[%dma_wait3A_16, %dma_wait3A_17] : memref<10240x128xf32, #tpu.memory_space<vmem_shared>> -> memref<10240x128xf32, #tpu.memory_space<vmem_shared>>
    tpu.wait_indirect_dma semaphore(%arg14 : memref<!tpu.dma_semaphore, #tpu.memory_space<semaphore_mem>>) src(%arg9 : memref<128x128xf32, #tpu.memory_space<vmem>>) dst(%dma_wait3A_18 : memref<10240x128xf32, #tpu.memory_space<vmem_shared>>)
    %barrier3A_19 = arith.constant 0 : index
    tpu.barrier barrier_id(%barrier3A_19)
    %mul3A = arith.constant 640 : i32
    %mul3A_20 = arith.muli %arg1, %mul3A : i32
    %mul3A_21 = arith.constant 640 : i32
    %mul3A_22 = arith.muli %arg1, %mul3A_21 : i32
    "tpu.region"() ({
      %run_scoped3A = tpu.sem_alloc : memref<!tpu.dma_semaphore, #tpu.memory_space<semaphore_mem>>
      %dma_start3A_23 = arith.constant 0 : i32
      %dma_start3A_24 = tpu.memref_slice %arg5[%arg0, %mul3A_22, %dma_start3A_23] : memref<2x10240x128xf32, #tpu.memory_space<hbm>> -> memref<1x640x128xf32, #tpu.memory_space<hbm>>
      %dma_start3A_25 = tpu.memref_squeeze %dma_start3A_24 : memref<1x640x128xf32, #tpu.memory_space<hbm>> -> memref<640x128xf32, #tpu.memory_space<hbm>>
      %dma_start3A_26 = arith.constant 0 : i32
      %dma_start3A_27 = tpu.memref_slice %arg10[%mul3A_20, %dma_start3A_26] : memref<10240x128xf32, #tpu.memory_space<vmem_shared>> -> memref<640x128xf32, #tpu.memory_space<vmem_shared>>
      tpu.enqueue_dma source(%dma_start3A_27 : memref<640x128xf32, #tpu.memory_space<vmem_shared>>) target(%dma_start3A_25 : memref<640x128xf32, #tpu.memory_space<hbm>>) target_semaphore(%run_scoped3A : memref<!tpu.dma_semaphore, #tpu.memory_space<semaphore_mem>>)
      %dma_wait3A_28 = arith.constant 0 : i32
      %dma_wait3A_29 = tpu.memref_slice %arg5[%arg0, %mul3A_22, %dma_wait3A_28] : memref<2x10240x128xf32, #tpu.memory_space<hbm>> -> memref<1x640x128xf32, #tpu.memory_space<hbm>>
      %dma_wait3A_30 = tpu.memref_squeeze %dma_wait3A_29 : memref<1x640x128xf32, #tpu.memory_space<hbm>> -> memref<640x128xf32, #tpu.memory_space<hbm>>
      %dma_wait3A_31 = arith.constant 0 : i32
      %dma_wait3A_32 = tpu.memref_slice %arg10[%mul3A_20, %dma_wait3A_31] : memref<10240x128xf32, #tpu.memory_space<vmem_shared>> -> memref<640x128xf32, #tpu.memory_space<vmem_shared>>
      tpu.wait_dma2 semaphore(%run_scoped3A : memref<!tpu.dma_semaphore, #tpu.memory_space<semaphore_mem>>) src(%dma_wait3A_32 : memref<640x128xf32, #tpu.memory_space<vmem_shared>>) dst(%dma_wait3A_30 : memref<640x128xf32, #tpu.memory_space<hbm>>)
      tpu.yield
    }) : () -> ()
    return
  }
}

#map = affine_map<(d0, d1) -> (0, 0)>
#map1 = affine_map<(d0, d1) -> (0, 0, 0, 0)>
module attributes {stable_mosaic.version = 14 : i64} {
  func.func @_sc_entity_gather(%arg0: i32, %arg1: i32, %arg2: memref<10240x128xf32, #tpu.memory_space<hbm>>, %arg3: memref<2x16x2x128xi32, #tpu.memory_space<hbm>>, %arg4: memref<8192x128xf32, #tpu.memory_space<hbm>>, %arg5: memref<2x128xi32, #tpu.memory_space<vmem>>, %arg6: memref<128x128xf32, #tpu.memory_space<vmem>>, %arg7: memref<!tpu.dma_semaphore, #tpu.memory_space<semaphore_mem>>) attributes {dimension_semantics = [#tpu.dimension_semantics<core_parallel>, #tpu.dimension_semantics<subcore_parallel>], iteration_bounds = array<i64: 2, 16>, scalar_prefetch = 0 : i64, scratch_operands = 3 : i64, tpu.core_type = #tpu.core_type<sc_vector_subcore>, window_params = [{transform_indices = #map}, {transform_indices = #map1}, {transform_indices = #map}]} {
    "tpu.region"() ({
      %run_scoped3A = tpu.sem_alloc : memref<!tpu.dma_semaphore, #tpu.memory_space<semaphore_mem>>
      %dma_start3A_39 = arith.constant 0 : i32
      %dma_start3A_40 = arith.constant 0 : i32
      %dma_start3A_41 = tpu.memref_slice %arg3[%arg0, %arg1, %dma_start3A_39, %dma_start3A_40] : memref<2x16x2x128xi32, #tpu.memory_space<hbm>> -> memref<1x1x2x128xi32, #tpu.memory_space<hbm>>
      %dma_start3A_42 = tpu.memref_squeeze %dma_start3A_41 : memref<1x1x2x128xi32, #tpu.memory_space<hbm>> -> memref<2x128xi32, #tpu.memory_space<hbm>>
      %dma_start3A_43 = arith.constant 0 : i32
      %dma_start3A_44 = arith.constant 0 : i32
      %dma_start3A_45 = tpu.memref_slice %arg3[%arg0, %arg1, %dma_start3A_43, %dma_start3A_44] : memref<2x16x2x128xi32, #tpu.memory_space<hbm>> -> memref<1x1x2x128xi32, #tpu.memory_space<hbm>>
      %dma_start3A_46 = tpu.memref_squeeze %dma_start3A_45 : memref<1x1x2x128xi32, #tpu.memory_space<hbm>> -> memref<2x128xi32, #tpu.memory_space<hbm>>
      tpu.enqueue_dma source(%dma_start3A_46 : memref<2x128xi32, #tpu.memory_space<hbm>>) target(%arg5 : memref<2x128xi32, #tpu.memory_space<vmem>>) target_semaphore(%run_scoped3A : memref<!tpu.dma_semaphore, #tpu.memory_space<semaphore_mem>>)
      %dma_wait3A_47 = arith.constant 0 : i32
      %dma_wait3A_48 = arith.constant 0 : i32
      %dma_wait3A_49 = tpu.memref_slice %arg3[%arg0, %arg1, %dma_wait3A_47, %dma_wait3A_48] : memref<2x16x2x128xi32, #tpu.memory_space<hbm>> -> memref<1x1x2x128xi32, #tpu.memory_space<hbm>>
      %dma_wait3A_50 = tpu.memref_squeeze %dma_wait3A_49 : memref<1x1x2x128xi32, #tpu.memory_space<hbm>> -> memref<2x128xi32, #tpu.memory_space<hbm>>
      %dma_wait3A_51 = arith.constant 0 : i32
      %dma_wait3A_52 = arith.constant 0 : i32
      %dma_wait3A_53 = tpu.memref_slice %arg3[%arg0, %arg1, %dma_wait3A_51, %dma_wait3A_52] : memref<2x16x2x128xi32, #tpu.memory_space<hbm>> -> memref<1x1x2x128xi32, #tpu.memory_space<hbm>>
      %dma_wait3A_54 = tpu.memref_squeeze %dma_wait3A_53 : memref<1x1x2x128xi32, #tpu.memory_space<hbm>> -> memref<2x128xi32, #tpu.memory_space<hbm>>
      tpu.wait_dma2 semaphore(%run_scoped3A : memref<!tpu.dma_semaphore, #tpu.memory_space<semaphore_mem>>) src(%dma_wait3A_54 : memref<2x128xi32, #tpu.memory_space<hbm>>) dst(%arg5 : memref<2x128xi32, #tpu.memory_space<vmem>>)
      tpu.yield
    }) : () -> ()
    %mul3A = arith.constant 16 : i32
    %mul3A_0 = arith.muli %arg0, %mul3A : i32
    %add3A = arith.addi %mul3A_0, %arg1 : i32
    %dma_start3A = arith.constant 0 : i32
    %dma_start3A_1 = arith.constant 0 : i32
    %dma_start3A_2 = tpu.memref_slice %arg5[%dma_start3A, %dma_start3A_1] : memref<2x128xi32, #tpu.memory_space<vmem>> -> memref<1x128xi32, #tpu.memory_space<vmem>>
    %dma_start3A_3 = tpu.memref_squeeze %dma_start3A_2 : memref<1x128xi32, #tpu.memory_space<vmem>> -> memref<128xi32, #tpu.memory_space<vmem>>
    %dma_start3A_4 = arith.constant 0 : i32
    %dma_start3A_5 = arith.constant 0 : i32
    %dma_start3A_6 = tpu.memref_slice %arg2[%dma_start3A_4, %dma_start3A_5] : memref<10240x128xf32, #tpu.memory_space<hbm>> -> memref<10240x128xf32, #tpu.memory_space<hbm>>
    tpu.enqueue_indirect_dma source(%dma_start3A_6 : memref<10240x128xf32, #tpu.memory_space<hbm>>) target(%arg6 : memref<128x128xf32, #tpu.memory_space<vmem>>) offsets(%dma_start3A_3 : memref<128xi32, #tpu.memory_space<vmem>>) semaphore(%arg7 : memref<!tpu.dma_semaphore, #tpu.memory_space<semaphore_mem>>)
    %dma_wait3A = arith.constant 0 : i32
    %dma_wait3A_7 = arith.constant 0 : i32
    %dma_wait3A_8 = tpu.memref_slice %arg5[%dma_wait3A, %dma_wait3A_7] : memref<2x128xi32, #tpu.memory_space<vmem>> -> memref<1x128xi32, #tpu.memory_space<vmem>>
    %dma_wait3A_9 = tpu.memref_squeeze %dma_wait3A_8 : memref<1x128xi32, #tpu.memory_space<vmem>> -> memref<128xi32, #tpu.memory_space<vmem>>
    %dma_wait3A_10 = arith.constant 0 : i32
    %dma_wait3A_11 = arith.constant 0 : i32
    %dma_wait3A_12 = tpu.memref_slice %arg2[%dma_wait3A_10, %dma_wait3A_11] : memref<10240x128xf32, #tpu.memory_space<hbm>> -> memref<10240x128xf32, #tpu.memory_space<hbm>>
    tpu.wait_indirect_dma semaphore(%arg7 : memref<!tpu.dma_semaphore, #tpu.memory_space<semaphore_mem>>) src(%dma_wait3A_12 : memref<10240x128xf32, #tpu.memory_space<hbm>>) dst(%arg6 : memref<128x128xf32, #tpu.memory_space<vmem>>)
    %mul3A_13 = arith.constant 2 : i32
    %mul3A_14 = arith.muli %add3A, %mul3A_13 : i32
    %add3A_15 = arith.constant 0 : i32
    %add3A_16 = arith.addi %mul3A_14, %add3A_15 : i32
    %mul3A_17 = arith.constant 128 : i32
    %mul3A_18 = arith.muli %add3A_16, %mul3A_17 : i32
    "tpu.region"() ({
      %run_scoped3A = tpu.sem_alloc : memref<!tpu.dma_semaphore, #tpu.memory_space<semaphore_mem>>
      %dma_start3A_39 = arith.constant 0 : i32
      %dma_start3A_40 = tpu.memref_slice %arg4[%mul3A_18, %dma_start3A_39] : memref<8192x128xf32, #tpu.memory_space<hbm>> -> memref<128x128xf32, #tpu.memory_space<hbm>>
      %dma_start3A_41 = arith.constant 0 : i32
      %dma_start3A_42 = tpu.memref_slice %arg4[%mul3A_18, %dma_start3A_41] : memref<8192x128xf32, #tpu.memory_space<hbm>> -> memref<128x128xf32, #tpu.memory_space<hbm>>
      tpu.enqueue_dma source(%arg6 : memref<128x128xf32, #tpu.memory_space<vmem>>) target(%dma_start3A_42 : memref<128x128xf32, #tpu.memory_space<hbm>>) target_semaphore(%run_scoped3A : memref<!tpu.dma_semaphore, #tpu.memory_space<semaphore_mem>>)
      %dma_wait3A_43 = arith.constant 0 : i32
      %dma_wait3A_44 = tpu.memref_slice %arg4[%mul3A_18, %dma_wait3A_43] : memref<8192x128xf32, #tpu.memory_space<hbm>> -> memref<128x128xf32, #tpu.memory_space<hbm>>
      %dma_wait3A_45 = arith.constant 0 : i32
      %dma_wait3A_46 = tpu.memref_slice %arg4[%mul3A_18, %dma_wait3A_45] : memref<8192x128xf32, #tpu.memory_space<hbm>> -> memref<128x128xf32, #tpu.memory_space<hbm>>
      tpu.wait_dma2 semaphore(%run_scoped3A : memref<!tpu.dma_semaphore, #tpu.memory_space<semaphore_mem>>) src(%arg6 : memref<128x128xf32, #tpu.memory_space<vmem>>) dst(%dma_wait3A_46 : memref<128x128xf32, #tpu.memory_space<hbm>>)
      tpu.yield
    }) : () -> ()
    %dma_start3A_19 = arith.constant 1 : i32
    %dma_start3A_20 = arith.constant 0 : i32
    %dma_start3A_21 = tpu.memref_slice %arg5[%dma_start3A_19, %dma_start3A_20] : memref<2x128xi32, #tpu.memory_space<vmem>> -> memref<1x128xi32, #tpu.memory_space<vmem>>
    %dma_start3A_22 = tpu.memref_squeeze %dma_start3A_21 : memref<1x128xi32, #tpu.memory_space<vmem>> -> memref<128xi32, #tpu.memory_space<vmem>>
    %dma_start3A_23 = arith.constant 0 : i32
    %dma_start3A_24 = arith.constant 0 : i32
    %dma_start3A_25 = tpu.memref_slice %arg2[%dma_start3A_23, %dma_start3A_24] : memref<10240x128xf32, #tpu.memory_space<hbm>> -> memref<10240x128xf32, #tpu.memory_space<hbm>>
    tpu.enqueue_indirect_dma source(%dma_start3A_25 : memref<10240x128xf32, #tpu.memory_space<hbm>>) target(%arg6 : memref<128x128xf32, #tpu.memory_space<vmem>>) offsets(%dma_start3A_22 : memref<128xi32, #tpu.memory_space<vmem>>) semaphore(%arg7 : memref<!tpu.dma_semaphore, #tpu.memory_space<semaphore_mem>>)
    %dma_wait3A_26 = arith.constant 1 : i32
    %dma_wait3A_27 = arith.constant 0 : i32
    %dma_wait3A_28 = tpu.memref_slice %arg5[%dma_wait3A_26, %dma_wait3A_27] : memref<2x128xi32, #tpu.memory_space<vmem>> -> memref<1x128xi32, #tpu.memory_space<vmem>>
    %dma_wait3A_29 = tpu.memref_squeeze %dma_wait3A_28 : memref<1x128xi32, #tpu.memory_space<vmem>> -> memref<128xi32, #tpu.memory_space<vmem>>
    %dma_wait3A_30 = arith.constant 0 : i32
    %dma_wait3A_31 = arith.constant 0 : i32
    %dma_wait3A_32 = tpu.memref_slice %arg2[%dma_wait3A_30, %dma_wait3A_31] : memref<10240x128xf32, #tpu.memory_space<hbm>> -> memref<10240x128xf32, #tpu.memory_space<hbm>>
    tpu.wait_indirect_dma semaphore(%arg7 : memref<!tpu.dma_semaphore, #tpu.memory_space<semaphore_mem>>) src(%dma_wait3A_32 : memref<10240x128xf32, #tpu.memory_space<hbm>>) dst(%arg6 : memref<128x128xf32, #tpu.memory_space<vmem>>)
    %mul3A_33 = arith.constant 2 : i32
    %mul3A_34 = arith.muli %add3A, %mul3A_33 : i32
    %add3A_35 = arith.constant 1 : i32
    %add3A_36 = arith.addi %mul3A_34, %add3A_35 : i32
    %mul3A_37 = arith.constant 128 : i32
    %mul3A_38 = arith.muli %add3A_36, %mul3A_37 : i32
    "tpu.region"() ({
      %run_scoped3A = tpu.sem_alloc : memref<!tpu.dma_semaphore, #tpu.memory_space<semaphore_mem>>
      %dma_start3A_39 = arith.constant 0 : i32
      %dma_start3A_40 = tpu.memref_slice %arg4[%mul3A_38, %dma_start3A_39] : memref<8192x128xf32, #tpu.memory_space<hbm>> -> memref<128x128xf32, #tpu.memory_space<hbm>>
      %dma_start3A_41 = arith.constant 0 : i32
      %dma_start3A_42 = tpu.memref_slice %arg4[%mul3A_38, %dma_start3A_41] : memref<8192x128xf32, #tpu.memory_space<hbm>> -> memref<128x128xf32, #tpu.memory_space<hbm>>
      tpu.enqueue_dma source(%arg6 : memref<128x128xf32, #tpu.memory_space<vmem>>) target(%dma_start3A_42 : memref<128x128xf32, #tpu.memory_space<hbm>>) target_semaphore(%run_scoped3A : memref<!tpu.dma_semaphore, #tpu.memory_space<semaphore_mem>>)
      %dma_wait3A_43 = arith.constant 0 : i32
      %dma_wait3A_44 = tpu.memref_slice %arg4[%mul3A_38, %dma_wait3A_43] : memref<8192x128xf32, #tpu.memory_space<hbm>> -> memref<128x128xf32, #tpu.memory_space<hbm>>
      %dma_wait3A_45 = arith.constant 0 : i32
      %dma_wait3A_46 = tpu.memref_slice %arg4[%mul3A_38, %dma_wait3A_45] : memref<8192x128xf32, #tpu.memory_space<hbm>> -> memref<128x128xf32, #tpu.memory_space<hbm>>
      tpu.wait_dma2 semaphore(%run_scoped3A : memref<!tpu.dma_semaphore, #tpu.memory_space<semaphore_mem>>) src(%arg6 : memref<128x128xf32, #tpu.memory_space<vmem>>) dst(%dma_wait3A_46 : memref<128x128xf32, #tpu.memory_space<hbm>>)
      tpu.yield
    }) : () -> ()
    return
  }
}

module attributes {stable_mosaic.version = 14 : i64} {
  func.func @_xw_body(%arg0: i32, %arg1: memref<1280x128xf32, #tpu.memory_space<vmem>>, %arg2: memref<128x128xf32, #tpu.memory_space<vmem>>, %arg3: memref<1280x128xf32, #tpu.memory_space<vmem>>) attributes {dimension_semantics = [#tpu.dimension_semantics<arbitrary>], iteration_bounds = array<i64: 8>, scalar_prefetch = 0 : i64, scratch_operands = 0 : i64, tpu.core_type = #tpu.core_type<tc>, window_params = [{transform_indices = @transform_0, window_bounds = array<i64: 1280, 128>}, {pipeline_mode = #tpu.pipeline_mode<synchronous>, transform_indices = @transform_1, window_bounds = array<i64: 128, 128>}, {transform_indices = @transform_2, window_bounds = array<i64: 1280, 128>}]} {
    %get3A = arith.constant 0 : index
    %get3A_0 = arith.constant 0 : index
    %get3A_1 = vector.load %arg1[%get3A, %get3A_0] : memref<1280x128xf32, #tpu.memory_space<vmem>>, vector<1280x128xf32>
    %get3A_2 = arith.constant 0 : index
    %get3A_3 = arith.constant 0 : index
    %get3A_4 = vector.load %arg2[%get3A_2, %get3A_3] : memref<128x128xf32, #tpu.memory_space<vmem>>, vector<128x128xf32>
    %dot_general3A = arith.constant dense<0.000000e+00> : vector<1280x128xf32>
    %dot_general3A_5 = tpu.matmul %get3A_1, %get3A_4, %dot_general3A {dimension_numbers = #tpu.dot_dimension_numbers<[1], [0], [0], [1], [0, 0, 1, 1], [], []>, transpose_lhs_hint = false} : vector<1280x128xf32>, vector<128x128xf32>, vector<1280x128xf32> -> vector<1280x128xf32>
    %swap3A = arith.constant 0 : index
    %swap3A_6 = arith.constant 0 : index
    %swap3A_7 = vector.load %arg3[%swap3A, %swap3A_6] : memref<1280x128xf32, #tpu.memory_space<vmem>>, vector<1280x128xf32>
    tpu.vector_store %arg3[%swap3A, %swap3A_6], %dot_general3A_5 {strides = array<i32>} : memref<1280x128xf32, #tpu.memory_space<vmem>>, vector<1280x128xf32>,
    return
  }
  func.func @transform_0(%arg0: i32) -> (i32, i32) {
    %c0_i32 = arith.constant 0 : i32
    %c0_i32_0 = arith.constant 0 : i32
    return %arg0, %c0_i32 : i32, i32
  }
  func.func @transform_1(%arg0: i32) -> (i32, i32) {
    %c0_i32 = arith.constant 0 : i32
    %c0_i32_0 = arith.constant 0 : i32
    %c0_i32_1 = arith.constant 0 : i32
    return %c0_i32, %c0_i32_0 : i32, i32
  }
  func.func @transform_2(%arg0: i32) -> (i32, i32) {
    %c0_i32 = arith.constant 0 : i32
    %c0_i32_0 = arith.constant 0 : i32
    return %arg0, %c0_i32 : i32, i32
  }
}

module attributes {stable_mosaic.version = 14 : i64} {
  func.func @_scale_body(%arg0: i32, %arg1: memref<1280x128xf32, #tpu.memory_space<vmem>>, %arg2: memref<2x1280x128xf32, #tpu.memory_space<vmem>>, %arg3: memref<1280x128xf32, #tpu.memory_space<vmem>>) attributes {dimension_semantics = [#tpu.dimension_semantics<arbitrary>], iteration_bounds = array<i64: 8>, scalar_prefetch = 0 : i64, scratch_operands = 0 : i64, tpu.core_type = #tpu.core_type<tc>, window_params = [{transform_indices = @transform_0, window_bounds = array<i64: 1280, 128>}, {transform_indices = @transform_1, window_bounds = array<i64: 2, 1280, 128>}, {transform_indices = @transform_2, window_bounds = array<i64: 1280, 128>}]} {
    %get3A = arith.constant 0 : index
    %get3A_0 = arith.constant 0 : index
    %get3A_1 = arith.constant 0 : index
    %get3A_2 = vector.load %arg2[%get3A, %get3A_0, %get3A_1] : memref<2x1280x128xf32, #tpu.memory_space<vmem>>, vector<1x1280x1xf32>
    %get3A_3 = vector.shape_cast %get3A_2 : vector<1x1280x1xf32> to vector<1280xf32>
    %get3A_4 = arith.constant 1 : index
    %get3A_5 = arith.constant 0 : index
    %get3A_6 = arith.constant 0 : index
    %get3A_7 = vector.load %arg2[%get3A_4, %get3A_5, %get3A_6] : memref<2x1280x128xf32, #tpu.memory_space<vmem>>, vector<1x1280x1xf32>
    %get3A_8 = vector.shape_cast %get3A_7 : vector<1x1280x1xf32> to vector<1280xf32>
    %add3A = arith.addf %get3A_3, %get3A_8 : vector<1280xf32>
    %add3A_9 = arith.constant 1.000000e+00 : f32
    %add3A_10 = vector.broadcast %add3A_9 : f32 to vector<1280xf32>
    %add3A_11 = arith.addf %add3A, %add3A_10 : vector<1280xf32>
    %rsqrt3A = math.rsqrt %add3A_11 : vector<1280xf32>
    %get3A_12 = arith.constant 0 : index
    %get3A_13 = arith.constant 0 : index
    %get3A_14 = vector.load %arg1[%get3A_12, %get3A_13] : memref<1280x128xf32, #tpu.memory_space<vmem>>, vector<1280x128xf32>
    %broadcast_in_dim3A = vector.shape_cast %rsqrt3A : vector<1280xf32> to vector<1280x1xf32>
    %mul3A = vector.broadcast %broadcast_in_dim3A : vector<1280x1xf32> to vector<1280x128xf32>
    %mul3A_15 = arith.mulf %get3A_14, %mul3A : vector<1280x128xf32>
    %swap3A = arith.constant 0 : index
    %swap3A_16 = arith.constant 0 : index
    %swap3A_17 = vector.load %arg3[%swap3A, %swap3A_16] : memref<1280x128xf32, #tpu.memory_space<vmem>>, vector<1280x128xf32>
    tpu.vector_store %arg3[%swap3A, %swap3A_16], %mul3A_15 {strides = array<i32>} : memref<1280x128xf32, #tpu.memory_space<vmem>>, vector<1280x128xf32>,
    return
  }
  func.func @transform_0(%arg0: i32) -> (i32, i32) {
    %c0_i32 = arith.constant 0 : i32
    %c0_i32_0 = arith.constant 0 : i32
    return %arg0, %c0_i32 : i32, i32
  }
  func.func @transform_1(%arg0: i32) -> (i32, i32, i32) {
    %c0_i32 = arith.constant 0 : i32
    %c0_i32_0 = arith.constant 0 : i32
    %c0_i32_1 = arith.constant 0 : i32
    return %c0_i32, %arg0, %c0_i32_0 : i32, i32, i32
  }
  func.func @transform_2(%arg0: i32) -> (i32, i32) {
    %c0_i32 = arith.constant 0 : i32
    %c0_i32_0 = arith.constant 0 : i32
    return %arg0, %c0_i32 : i32, i32
  }
}

module attributes {stable_mosaic.version = 14 : i64} {
  func.func @_y2_body(%arg0: i32, %arg1: memref<2x1280x128xf32, #tpu.memory_space<vmem>>, %arg2: memref<1280x128xf32, #tpu.memory_space<vmem>>, %arg3: memref<2x1280x128xf32, #tpu.memory_space<vmem>>, %arg4: memref<128x128xf32, #tpu.memory_space<vmem>>, %arg5: memref<128xf32, #tpu.memory_space<vmem>>, %arg6: memref<1280x128xf32, #tpu.memory_space<vmem>>) attributes {dimension_semantics = [#tpu.dimension_semantics<arbitrary>], iteration_bounds = array<i64: 8>, scalar_prefetch = 0 : i64, scratch_operands = 0 : i64, tpu.core_type = #tpu.core_type<tc>, window_params = [{transform_indices = @transform_0, window_bounds = array<i64: 2, 1280, 128>}, {transform_indices = @transform_1, window_bounds = array<i64: 1280, 128>}, {transform_indices = @transform_2, window_bounds = array<i64: 2, 1280, 128>}, {pipeline_mode = #tpu.pipeline_mode<synchronous>, transform_indices = @transform_3, window_bounds = array<i64: 128, 128>}, {pipeline_mode = #tpu.pipeline_mode<synchronous>, transform_indices = @transform_4, window_bounds = array<i64: 128>}, {transform_indices = @transform_5, window_bounds = array<i64: 1280, 128>}]} {
    %get3A = arith.constant 0 : index
    %get3A_0 = arith.constant 0 : index
    %get3A_1 = arith.constant 0 : index
    %get3A_2 = vector.load %arg3[%get3A, %get3A_0, %get3A_1] : memref<2x1280x128xf32, #tpu.memory_space<vmem>>, vector<1x1280x1xf32>
    %get3A_3 = vector.shape_cast %get3A_2 : vector<1x1280x1xf32> to vector<1280xf32>
    %get3A_4 = arith.constant 1 : index
    %get3A_5 = arith.constant 0 : index
    %get3A_6 = arith.constant 0 : index
    %get3A_7 = vector.load %arg3[%get3A_4, %get3A_5, %get3A_6] : memref<2x1280x128xf32, #tpu.memory_space<vmem>>, vector<1x1280x1xf32>
    %get3A_8 = vector.shape_cast %get3A_7 : vector<1x1280x1xf32> to vector<1280xf32>
    %add3A = arith.addf %get3A_3, %get3A_8 : vector<1280xf32>
    %add3A_9 = arith.constant 1.000000e+00 : f32
    %add3A_10 = vector.broadcast %add3A_9 : f32 to vector<1280xf32>
    %add3A_11 = arith.addf %add3A, %add3A_10 : vector<1280xf32>
    %rsqrt3A = math.rsqrt %add3A_11 : vector<1280xf32>
    %get3A_12 = arith.constant 0 : index
    %get3A_13 = arith.constant 0 : index
    %get3A_14 = arith.constant 0 : index
    %get3A_15 = vector.load %arg1[%get3A_12, %get3A_13, %get3A_14] : memref<2x1280x128xf32, #tpu.memory_space<vmem>>, vector<1x1280x128xf32>
    %get3A_16 = vector.shape_cast %get3A_15 : vector<1x1280x128xf32> to vector<1280x128xf32>
    %get3A_17 = arith.constant 1 : index
    %get3A_18 = arith.constant 0 : index
    %get3A_19 = arith.constant 0 : index
    %get3A_20 = vector.load %arg1[%get3A_17, %get3A_18, %get3A_19] : memref<2x1280x128xf32, #tpu.memory_space<vmem>>, vector<1x1280x128xf32>
    %get3A_21 = vector.shape_cast %get3A_20 : vector<1x1280x128xf32> to vector<1280x128xf32>
    %add3A_22 = arith.addf %get3A_16, %get3A_21 : vector<1280x128xf32>
    %get3A_23 = arith.constant 0 : index
    %get3A_24 = arith.constant 0 : index
    %get3A_25 = vector.load %arg2[%get3A_23, %get3A_24] : memref<1280x128xf32, #tpu.memory_space<vmem>>, vector<1280x128xf32>
    %sub3A = arith.subf %add3A_22, %get3A_25 : vector<1280x128xf32>
    %broadcast_in_dim3A = vector.shape_cast %rsqrt3A : vector<1280xf32> to vector<1280x1xf32>
    %mul3A = vector.broadcast %broadcast_in_dim3A : vector<1280x1xf32> to vector<1280x128xf32>
    %mul3A_26 = arith.mulf %sub3A, %mul3A : vector<1280x128xf32>
    %get3A_27 = arith.constant 0 : index
    %get3A_28 = vector.load %arg5[%get3A_27] : memref<128xf32, #tpu.memory_space<vmem>>, vector<128xf32>
    %broadcast_in_dim3A_29 = vector.shape_cast %get3A_28 : vector<128xf32> to vector<1x128xf32>
    %add3A_30 = vector.broadcast %broadcast_in_dim3A_29 : vector<1x128xf32> to vector<1280x128xf32>
    %add3A_31 = arith.addf %mul3A_26, %add3A_30 : vector<1280x128xf32>
    %max3A = arith.constant 0.000000e+00 : f32
    %max3A_32 = vector.broadcast %max3A : f32 to vector<1280x128xf32>
    %max3A_33 = arith.maximumf %add3A_31, %max3A_32 : vector<1280x128xf32>
    %get3A_34 = arith.constant 0 : index
    %get3A_35 = arith.constant 0 : index
    %get3A_36 = vector.load %arg4[%get3A_34, %get3A_35] : memref<128x128xf32, #tpu.memory_space<vmem>>, vector<128x128xf32>
    %dot_general3A = arith.constant dense<0.000000e+00> : vector<1280x128xf32>
    %dot_general3A_37 = tpu.matmul %max3A_33, %get3A_36, %dot_general3A {dimension_numbers = #tpu.dot_dimension_numbers<[1], [0], [0], [1], [0, 0, 1, 1], [], []>, transpose_lhs_hint = false} : vector<1280x128xf32>, vector<128x128xf32>, vector<1280x128xf32> -> vector<1280x128xf32>
    %broadcast_in_dim3A_38 = vector.shape_cast %rsqrt3A : vector<1280xf32> to vector<1280x1xf32>
    %mul3A_39 = vector.broadcast %broadcast_in_dim3A_38 : vector<1280x1xf32> to vector<1280x128xf32>
    %mul3A_40 = arith.mulf %dot_general3A_37, %mul3A_39 : vector<1280x128xf32>
    %swap3A = arith.constant 0 : index
    %swap3A_41 = arith.constant 0 : index
    %swap3A_42 = vector.load %arg6[%swap3A, %swap3A_41] : memref<1280x128xf32, #tpu.memory_space<vmem>>, vector<1280x128xf32>
    tpu.vector_store %arg6[%swap3A, %swap3A_41], %mul3A_40 {strides = array<i32>} : memref<1280x128xf32, #tpu.memory_space<vmem>>, vector<1280x128xf32>,
    return
  }
  func.func @transform_0(%arg0: i32) -> (i32, i32, i32) {
    %c0_i32 = arith.constant 0 : i32
    %c0_i32_0 = arith.constant 0 : i32
    %c0_i32_1 = arith.constant 0 : i32
    return %c0_i32, %arg0, %c0_i32_0 : i32, i32, i32
  }
  func.func @transform_1(%arg0: i32) -> (i32, i32) {
    %c0_i32 = arith.constant 0 : i32
    %c0_i32_0 = arith.constant 0 : i32
    return %arg0, %c0_i32 : i32, i32
  }
  func.func @transform_2(%arg0: i32) -> (i32, i32, i32) {
    %c0_i32 = arith.constant 0 : i32
    %c0_i32_0 = arith.constant 0 : i32
    %c0_i32_1 = arith.constant 0 : i32
    return %c0_i32, %arg0, %c0_i32_0 : i32, i32, i32
  }
  func.func @transform_3(%arg0: i32) -> (i32, i32) {
    %c0_i32 = arith.constant 0 : i32
    %c0_i32_0 = arith.constant 0 : i32
    %c0_i32_1 = arith.constant 0 : i32
    return %c0_i32, %c0_i32_0 : i32, i32
  }
  func.func @transform_4(%arg0: i32) -> i32 {
    %c0_i32 = arith.constant 0 : i32
    %c0_i32_0 = arith.constant 0 : i32
    return %c0_i32 : i32
  }
  func.func @transform_5(%arg0: i32) -> (i32, i32) {
    %c0_i32 = arith.constant 0 : i32
    %c0_i32_0 = arith.constant 0 : i32
    return %arg0, %c0_i32 : i32, i32
  }
}

module attributes {stable_mosaic.version = 14 : i64} {
  func.func @_head_body(%arg0: i32, %arg1: memref<128x8x128xf32, #tpu.memory_space<vmem>>, %arg2: memref<128x768xf32, #tpu.memory_space<vmem>>, %arg3: memref<384x128xf32, #tpu.memory_space<vmem>>, %arg4: memref<384xf32, #tpu.memory_space<vmem>>, %arg5: memref<128x128xf32, #tpu.memory_space<vmem>>, %arg6: memref<128xf32, #tpu.memory_space<vmem>>, %arg7: memref<768xf32, #tpu.memory_space<vmem>>, %arg8: memref<768xf32, #tpu.memory_space<vmem>>, %arg9: memref<128xf32, #tpu.memory_space<vmem>>, %arg10: memref<128xf32, #tpu.memory_space<vmem>>, %arg11: memref<448x896xf32, #tpu.memory_space<vmem>>, %arg12: memref<448xf32, #tpu.memory_space<vmem>>, %arg13: memref<224x448xf32, #tpu.memory_space<vmem>>, %arg14: memref<224xf32, #tpu.memory_space<vmem>>, %arg15: memref<1x224xf32, #tpu.memory_space<vmem>>, %arg16: memref<1xf32, #tpu.memory_space<smem>>, %arg17: memref<128x1xf32, #tpu.memory_space<vmem>>) attributes {dimension_semantics = [#tpu.dimension_semantics<arbitrary>], iteration_bounds = array<i64: 8>, scalar_prefetch = 0 : i64, scratch_operands = 0 : i64, tpu.core_type = #tpu.core_type<tc>, window_params = [{transform_indices = @transform_0, window_bounds = array<i64: 128, 8, 128>}, {transform_indices = @transform_1, window_bounds = array<i64: 128, 768>}, {pipeline_mode = #tpu.pipeline_mode<synchronous>, transform_indices = @transform_2, window_bounds = array<i64: 384, 128>}, {pipeline_mode = #tpu.pipeline_mode<synchronous>, transform_indices = @transform_3, window_bounds = array<i64: 384>}, {pipeline_mode = #tpu.pipeline_mode<synchronous>, transform_indices = @transform_4, window_bounds = array<i64: 128, 128>}, {pipeline_mode = #tpu.pipeline_mode<synchronous>, transform_indices = @transform_5, window_bounds = array<i64: 128>}, {pipeline_mode = #tpu.pipeline_mode<synchronous>, transform_indices = @transform_6, window_bounds = array<i64: 768>}, {pipeline_mode = #tpu.pipeline_mode<synchronous>, transform_indices = @transform_7, window_bounds = array<i64: 768>}, {pipeline_mode = #tpu.pipeline_mode<synchronous>, transform_indices = @transform_8, window_bounds = array<i64: 128>}, {pipeline_mode = #tpu.pipeline_mode<synchronous>, transform_indices = @transform_9, window_bounds = array<i64: 128>}, {pipeline_mode = #tpu.pipeline_mode<synchronous>, transform_indices = @transform_10, window_bounds = array<i64: 448, 896>}, {pipeline_mode = #tpu.pipeline_mode<synchronous>, transform_indices = @transform_11, window_bounds = array<i64: 448>}, {pipeline_mode = #tpu.pipeline_mode<synchronous>, transform_indices = @transform_12, window_bounds = array<i64: 224, 448>}, {pipeline_mode = #tpu.pipeline_mode<synchronous>, transform_indices = @transform_13, window_bounds = array<i64: 224>}, {pipeline_mode = #tpu.pipeline_mode<synchronous>, transform_indices = @transform_14, window_bounds = array<i64: 1, 224>}, {transform_indices = @transform_15, window_bounds = array<i64: 1>}, {transform_indices = @transform_16, window_bounds = array<i64: 128, 1>}]} {
    %get3A = arith.constant 0 : index
    %get3A_0 = arith.constant 0 : index
    %get3A_1 = arith.constant 0 : index
    %get3A_2 = vector.load %arg1[%get3A, %get3A_0, %get3A_1] : memref<128x8x128xf32, #tpu.memory_space<vmem>>, vector<128x8x128xf32>
    %reshape3A = vector.shape_cast %get3A_2 : vector<128x8x128xf32> to vector<1024x128xf32>
    %get3A_3 = arith.constant 0 : index
    %get3A_4 = arith.constant 0 : index
    %get3A_5 = vector.load %arg3[%get3A_3, %get3A_4] : memref<384x128xf32, #tpu.memory_space<vmem>>, vector<384x128xf32>
    %dot_general3A = arith.constant dense<0.000000e+00> : vector<1024x384xf32>
    %dot_general3A_6 = tpu.matmul %reshape3A, %get3A_5, %dot_general3A {dimension_numbers = #tpu.dot_dimension_numbers<[1], [1], [0], [0], [0, 0, 1, 0], [], []>, transpose_lhs_hint = false} : vector<1024x128xf32>, vector<384x128xf32>, vector<1024x384xf32> -> vector<1024x384xf32>
    %get3A_7 = arith.constant 0 : index
    %get3A_8 = vector.load %arg4[%get3A_7] : memref<384xf32, #tpu.memory_space<vmem>>, vector<384xf32>
    %broadcast_in_dim3A = vector.shape_cast %get3A_8 : vector<384xf32> to vector<1x384xf32>
    %add3A = vector.broadcast %broadcast_in_dim3A : vector<1x384xf32> to vector<1024x384xf32>
    %add3A_9 = arith.addf %dot_general3A_6, %add3A : vector<1024x384xf32>
    %reshape3A_10 = vector.shape_cast %add3A_9 : vector<1024x384xf32> to vector<128x8x384xf32>
    %slice3A = vector.extract_strided_slice %reshape3A_10 {offsets = [0, 0, 0], sizes = [128, 8, 128], strides = [1, 1, 1]} : vector<128x8x384xf32> to vector<128x8x128xf32>
    %slice3A_11 = vector.extract_strided_slice %reshape3A_10 {offsets = [0, 0, 128], sizes = [128, 8, 128], strides = [1, 1, 1]} : vector<128x8x384xf32> to vector<128x8x128xf32>
    %slice3A_12 = vector.extract_strided_slice %reshape3A_10 {offsets = [0, 0, 256], sizes = [128, 8, 128], strides = [1, 1, 1]} : vector<128x8x384xf32> to vector<128x8x128xf32>
    %iota3A = tpu.iota {dimensions = array<i32: 0>} : vector<128x4xi32>
    %jit3A = arith.constant 32 : i32
    %div3A = vector.broadcast %jit3A : i32 to vector<128x4xi32>
    %div3A_13 = arith.divsi %iota3A, %div3A : vector<128x4xi32>
    %sign3A = arith.constant 0 : i32
    %sign3A_14 = vector.broadcast %sign3A : i32 to vector<128x4xi32>
    %sign3A_15 = arith.cmpi sgt, %iota3A, %sign3A_14 : vector<128x4xi32>
    %sign3A_16 = arith.extui %sign3A_15 : vector<128x4xi1> to vector<128x4xi32>
    %sign3A_17 = arith.constant 0 : i32
    %sign3A_18 = vector.broadcast %sign3A_17 : i32 to vector<128x4xi32>
    %sign3A_19 = arith.cmpi slt, %iota3A, %sign3A_18 : vector<128x4xi32>
    %sign3A_20 = arith.extui %sign3A_19 : vector<128x4xi1> to vector<128x4xi32>
    %sign3A_21 = arith.subi %sign3A_16, %sign3A_20 : vector<128x4xi32>
    %sign3A_22 = arith.constant 0 : i32
    %sign3A_23 = arith.cmpi sgt, %jit3A, %sign3A_22 : i32
    %sign3A_24 = arith.extui %sign3A_23 : i1 to i32
    %sign3A_25 = arith.constant 0 : i32
    %sign3A_26 = arith.cmpi slt, %jit3A, %sign3A_25 : i32
    %sign3A_27 = arith.extui %sign3A_26 : i1 to i32
    %sign3A_28 = arith.subi %sign3A_24, %sign3A_27 : i32
    %ne3A = vector.broadcast %sign3A_28 : i32 to vector<128x4xi32>
    %ne3A_29 = arith.cmpi ne, %sign3A_21, %ne3A : vector<128x4xi32>
    %rem3A = vector.broadcast %jit3A : i32 to vector<128x4xi32>
    %rem3A_30 = arith.remsi %iota3A, %rem3A : vector<128x4xi32>
    %ne3A_31 = arith.constant 0 : i32
    %ne3A_32 = vector.broadcast %ne3A_31 : i32 to vector<128x4xi32>
    %ne3A_33 = arith.cmpi ne, %rem3A_30, %ne3A_32 : vector<128x4xi32>
    %and3A = arith.andi %ne3A_29, %ne3A_33 : vector<128x4xi1>
    %sub3A = arith.constant 1 : i32
    %sub3A_34 = vector.broadcast %sub3A : i32 to vector<128x4xi32>
    %sub3A_35 = arith.subi %div3A_13, %sub3A_34 : vector<128x4xi32>
    %select_n3A = arith.select %and3A, %sub3A_35, %div3A_13 : vector<128x4xi1>, vector<128x4xi32>
    %iota3A_36 = tpu.iota {dimensions = array<i32: 1>} : vector<128x4xi32>
    %eq3A = arith.cmpi eq, %select_n3A, %iota3A_36 : vector<128x4xi32>
    %convert_element_type3A = arith.extui %eq3A : vector<128x4xi1> to vector<128x4xi32>
    %convert_element_type3A_37 = arith.sitofp %convert_element_type3A : vector<128x4xi32> to vector<128x4xf32>
    %slice3A_38 = vector.extract_strided_slice %slice3A {offsets = [0, 0, 0], sizes = [128, 1, 128], strides = [1, 1, 1]} : vector<128x8x128xf32> to vector<128x1x128xf32>
    %squeeze3A = vector.shape_cast %slice3A_38 : vector<128x1x128xf32> to vector<128x128xf32>
    %broadcast_in_dim3A_39 = vector.shape_cast %squeeze3A : vector<128x128xf32> to vector<128x1x128xf32>
    %mul3A = vector.broadcast %broadcast_in_dim3A_39 : vector<128x1x128xf32> to vector<128x8x128xf32>
    %mul3A_40 = arith.mulf %mul3A, %slice3A_11 : vector<128x8x128xf32>
    %reshape3A_41 = vector.shape_cast %mul3A_40 : vector<128x8x128xf32> to vector<1024x128xf32>
    %dot_general3A_42 = arith.constant dense<0.000000e+00> : vector<1024x4xf32>
    %dot_general3A_43 = tpu.matmul %reshape3A_41, %convert_element_type3A_37, %dot_general3A_42 {dimension_numbers = #tpu.dot_dimension_numbers<[1], [0], [0], [1], [0, 0, 1, 1], [], []>, transpose_lhs_hint = false} : vector<1024x128xf32>, vector<128x4xf32>, vector<1024x4xf32> -> vector<1024x4xf32>
    %mul3A_44 = arith.constant 0.176776692 : f32
    %mul3A_45 = vector.broadcast %mul3A_44 : f32 to vector<1024x4xf32>
    %mul3A_46 = arith.mulf %dot_general3A_43, %mul3A_45 : vector<1024x4xf32>
    %reshape3A_47 = vector.shape_cast %mul3A_46 : vector<1024x4xf32> to vector<128x8x4xf32>
    %reduce_max3A = arith.constant dense<0xFF800000> : vector<128x4xf32>
    %reduce_max3A_48 = vector.multi_reduction <maximumf>, %reshape3A_47, %reduce_max3A [1] : vector<128x8x4xf32> to vector<128x4xf32>
    %broadcast_in_dim3A_49 = vector.shape_cast %reduce_max3A_48 : vector<128x4xf32> to vector<128x1x4xf32>
    %sub3A_50 = vector.broadcast %broadcast_in_dim3A_49 : vector<128x1x4xf32> to vector<128x8x4xf32>
    %sub3A_51 = arith.subf %reshape3A_47, %sub3A_50 : vector<128x8x4xf32>
    %exp3A = math.exp %sub3A_51 : vector<128x8x4xf32>
    %reduce_sum3A = arith.constant dense<0.000000e+00> : vector<128x4xf32>
    %reduce_sum3A_52 = vector.multi_reduction <add>, %exp3A, %reduce_sum3A [1] : vector<128x8x4xf32> to vector<128x4xf32>
    %broadcast_in_dim3A_53 = vector.shape_cast %reduce_sum3A_52 : vector<128x4xf32> to vector<128x1x4xf32>
    %div3A_54 = vector.broadcast %broadcast_in_dim3A_53 : vector<128x1x4xf32> to vector<128x8x4xf32>
    %div3A_55 = arith.divf %exp3A, %div3A_54 : vector<128x8x4xf32>
    %slice3A_56 = vector.extract_strided_slice %slice3A {offsets = [0, 1, 0], sizes = [128, 1, 128], strides = [1, 1, 1]} : vector<128x8x128xf32> to vector<128x1x128xf32>
    %squeeze3A_57 = vector.shape_cast %slice3A_56 : vector<128x1x128xf32> to vector<128x128xf32>
    %broadcast_in_dim3A_58 = vector.shape_cast %squeeze3A_57 : vector<128x128xf32> to vector<128x1x128xf32>
    %mul3A_59 = vector.broadcast %broadcast_in_dim3A_58 : vector<128x1x128xf32> to vector<128x8x128xf32>
    %mul3A_60 = arith.mulf %mul3A_59, %slice3A_11 : vector<128x8x128xf32>
    %reshape3A_61 = vector.shape_cast %mul3A_60 : vector<128x8x128xf32> to vector<1024x128xf32>
    %dot_general3A_62 = arith.constant dense<0.000000e+00> : vector<1024x4xf32>
    %dot_general3A_63 = tpu.matmul %reshape3A_61, %convert_element_type3A_37, %dot_general3A_62 {dimension_numbers = #tpu.dot_dimension_numbers<[1], [0], [0], [1], [0, 0, 1, 1], [], []>, transpose_lhs_hint = false} : vector<1024x128xf32>, vector<128x4xf32>, vector<1024x4xf32> -> vector<1024x4xf32>
    %mul3A_64 = arith.constant 0.176776692 : f32
    %mul3A_65 = vector.broadcast %mul3A_64 : f32 to vector<1024x4xf32>
    %mul3A_66 = arith.mulf %dot_general3A_63, %mul3A_65 : vector<1024x4xf32>
    %reshape3A_67 = vector.shape_cast %mul3A_66 : vector<1024x4xf32> to vector<128x8x4xf32>
    %reduce_max3A_68 = arith.constant dense<0xFF800000> : vector<128x4xf32>
    %reduce_max3A_69 = vector.multi_reduction <maximumf>, %reshape3A_67, %reduce_max3A_68 [1] : vector<128x8x4xf32> to vector<128x4xf32>
    %broadcast_in_dim3A_70 = vector.shape_cast %reduce_max3A_69 : vector<128x4xf32> to vector<128x1x4xf32>
    %sub3A_71 = vector.broadcast %broadcast_in_dim3A_70 : vector<128x1x4xf32> to vector<128x8x4xf32>
    %sub3A_72 = arith.subf %reshape3A_67, %sub3A_71 : vector<128x8x4xf32>
    %exp3A_73 = math.exp %sub3A_72 : vector<128x8x4xf32>
    %reduce_sum3A_74 = arith.constant dense<0.000000e+00> : vector<128x4xf32>
    %reduce_sum3A_75 = vector.multi_reduction <add>, %exp3A_73, %reduce_sum3A_74 [1] : vector<128x8x4xf32> to vector<128x4xf32>
    %broadcast_in_dim3A_76 = vector.shape_cast %reduce_sum3A_75 : vector<128x4xf32> to vector<128x1x4xf32>
    %div3A_77 = vector.broadcast %broadcast_in_dim3A_76 : vector<128x1x4xf32> to vector<128x8x4xf32>
    %div3A_78 = arith.divf %exp3A_73, %div3A_77 : vector<128x8x4xf32>
    %add3A_79 = arith.addf %div3A_55, %div3A_78 : vector<128x8x4xf32>
    %slice3A_80 = vector.extract_strided_slice %slice3A {offsets = [0, 2, 0], sizes = [128, 1, 128], strides = [1, 1, 1]} : vector<128x8x128xf32> to vector<128x1x128xf32>
    %squeeze3A_81 = vector.shape_cast %slice3A_80 : vector<128x1x128xf32> to vector<128x128xf32>
    %broadcast_in_dim3A_82 = vector.shape_cast %squeeze3A_81 : vector<128x128xf32> to vector<128x1x128xf32>
    %mul3A_83 = vector.broadcast %broadcast_in_dim3A_82 : vector<128x1x128xf32> to vector<128x8x128xf32>
    %mul3A_84 = arith.mulf %mul3A_83, %slice3A_11 : vector<128x8x128xf32>
    %reshape3A_85 = vector.shape_cast %mul3A_84 : vector<128x8x128xf32> to vector<1024x128xf32>
    %dot_general3A_86 = arith.constant dense<0.000000e+00> : vector<1024x4xf32>
    %dot_general3A_87 = tpu.matmul %reshape3A_85, %convert_element_type3A_37, %dot_general3A_86 {dimension_numbers = #tpu.dot_dimension_numbers<[1], [0], [0], [1], [0, 0, 1, 1], [], []>, transpose_lhs_hint = false} : vector<1024x128xf32>, vector<128x4xf32>, vector<1024x4xf32> -> vector<1024x4xf32>
    %mul3A_88 = arith.constant 0.176776692 : f32
    %mul3A_89 = vector.broadcast %mul3A_88 : f32 to vector<1024x4xf32>
    %mul3A_90 = arith.mulf %dot_general3A_87, %mul3A_89 : vector<1024x4xf32>
    %reshape3A_91 = vector.shape_cast %mul3A_90 : vector<1024x4xf32> to vector<128x8x4xf32>
    %reduce_max3A_92 = arith.constant dense<0xFF800000> : vector<128x4xf32>
    %reduce_max3A_93 = vector.multi_reduction <maximumf>, %reshape3A_91, %reduce_max3A_92 [1] : vector<128x8x4xf32> to vector<128x4xf32>
    %broadcast_in_dim3A_94 = vector.shape_cast %reduce_max3A_93 : vector<128x4xf32> to vector<128x1x4xf32>
    %sub3A_95 = vector.broadcast %broadcast_in_dim3A_94 : vector<128x1x4xf32> to vector<128x8x4xf32>
    %sub3A_96 = arith.subf %reshape3A_91, %sub3A_95 : vector<128x8x4xf32>
    %exp3A_97 = math.exp %sub3A_96 : vector<128x8x4xf32>
    %reduce_sum3A_98 = arith.constant dense<0.000000e+00> : vector<128x4xf32>
    %reduce_sum3A_99 = vector.multi_reduction <add>, %exp3A_97, %reduce_sum3A_98 [1] : vector<128x8x4xf32> to vector<128x4xf32>
    %broadcast_in_dim3A_100 = vector.shape_cast %reduce_sum3A_99 : vector<128x4xf32> to vector<128x1x4xf32>
    %div3A_101 = vector.broadcast %broadcast_in_dim3A_100 : vector<128x1x4xf32> to vector<128x8x4xf32>
    %div3A_102 = arith.divf %exp3A_97, %div3A_101 : vector<128x8x4xf32>
    %add3A_103 = arith.addf %add3A_79, %div3A_102 : vector<128x8x4xf32>
    %slice3A_104 = vector.extract_strided_slice %slice3A {offsets = [0, 3, 0], sizes = [128, 1, 128], strides = [1, 1, 1]} : vector<128x8x128xf32> to vector<128x1x128xf32>
    %squeeze3A_105 = vector.shape_cast %slice3A_104 : vector<128x1x128xf32> to vector<128x128xf32>
    %broadcast_in_dim3A_106 = vector.shape_cast %squeeze3A_105 : vector<128x128xf32> to vector<128x1x128xf32>
    %mul3A_107 = vector.broadcast %broadcast_in_dim3A_106 : vector<128x1x128xf32> to vector<128x8x128xf32>
    %mul3A_108 = arith.mulf %mul3A_107, %slice3A_11 : vector<128x8x128xf32>
    %reshape3A_109 = vector.shape_cast %mul3A_108 : vector<128x8x128xf32> to vector<1024x128xf32>
    %dot_general3A_110 = arith.constant dense<0.000000e+00> : vector<1024x4xf32>
    %dot_general3A_111 = tpu.matmul %reshape3A_109, %convert_element_type3A_37, %dot_general3A_110 {dimension_numbers = #tpu.dot_dimension_numbers<[1], [0], [0], [1], [0, 0, 1, 1], [], []>, transpose_lhs_hint = false} : vector<1024x128xf32>, vector<128x4xf32>, vector<1024x4xf32> -> vector<1024x4xf32>
    %mul3A_112 = arith.constant 0.176776692 : f32
    %mul3A_113 = vector.broadcast %mul3A_112 : f32 to vector<1024x4xf32>
    %mul3A_114 = arith.mulf %dot_general3A_111, %mul3A_113 : vector<1024x4xf32>
    %reshape3A_115 = vector.shape_cast %mul3A_114 : vector<1024x4xf32> to vector<128x8x4xf32>
    %reduce_max3A_116 = arith.constant dense<0xFF800000> : vector<128x4xf32>
    %reduce_max3A_117 = vector.multi_reduction <maximumf>, %reshape3A_115, %reduce_max3A_116 [1] : vector<128x8x4xf32> to vector<128x4xf32>
    %broadcast_in_dim3A_118 = vector.shape_cast %reduce_max3A_117 : vector<128x4xf32> to vector<128x1x4xf32>
    %sub3A_119 = vector.broadcast %broadcast_in_dim3A_118 : vector<128x1x4xf32> to vector<128x8x4xf32>
    %sub3A_120 = arith.subf %reshape3A_115, %sub3A_119 : vector<128x8x4xf32>
    %exp3A_121 = math.exp %sub3A_120 : vector<128x8x4xf32>
    %reduce_sum3A_122 = arith.constant dense<0.000000e+00> : vector<128x4xf32>
    %reduce_sum3A_123 = vector.multi_reduction <add>, %exp3A_121, %reduce_sum3A_122 [1] : vector<128x8x4xf32> to vector<128x4xf32>
    %broadcast_in_dim3A_124 = vector.shape_cast %reduce_sum3A_123 : vector<128x4xf32> to vector<128x1x4xf32>
    %div3A_125 = vector.broadcast %broadcast_in_dim3A_124 : vector<128x1x4xf32> to vector<128x8x4xf32>
    %div3A_126 = arith.divf %exp3A_121, %div3A_125 : vector<128x8x4xf32>
    %add3A_127 = arith.addf %add3A_103, %div3A_126 : vector<128x8x4xf32>
    %slice3A_128 = vector.extract_strided_slice %slice3A {offsets = [0, 4, 0], sizes = [128, 1, 128], strides = [1, 1, 1]} : vector<128x8x128xf32> to vector<128x1x128xf32>
    %squeeze3A_129 = vector.shape_cast %slice3A_128 : vector<128x1x128xf32> to vector<128x128xf32>
    %broadcast_in_dim3A_130 = vector.shape_cast %squeeze3A_129 : vector<128x128xf32> to vector<128x1x128xf32>
    %mul3A_131 = vector.broadcast %broadcast_in_dim3A_130 : vector<128x1x128xf32> to vector<128x8x128xf32>
    %mul3A_132 = arith.mulf %mul3A_131, %slice3A_11 : vector<128x8x128xf32>
    %reshape3A_133 = vector.shape_cast %mul3A_132 : vector<128x8x128xf32> to vector<1024x128xf32>
    %dot_general3A_134 = arith.constant dense<0.000000e+00> : vector<1024x4xf32>
    %dot_general3A_135 = tpu.matmul %reshape3A_133, %convert_element_type3A_37, %dot_general3A_134 {dimension_numbers = #tpu.dot_dimension_numbers<[1], [0], [0], [1], [0, 0, 1, 1], [], []>, transpose_lhs_hint = false} : vector<1024x128xf32>, vector<128x4xf32>, vector<1024x4xf32> -> vector<1024x4xf32>
    %mul3A_136 = arith.constant 0.176776692 : f32
    %mul3A_137 = vector.broadcast %mul3A_136 : f32 to vector<1024x4xf32>
    %mul3A_138 = arith.mulf %dot_general3A_135, %mul3A_137 : vector<1024x4xf32>
    %reshape3A_139 = vector.shape_cast %mul3A_138 : vector<1024x4xf32> to vector<128x8x4xf32>
    %reduce_max3A_140 = arith.constant dense<0xFF800000> : vector<128x4xf32>
    %reduce_max3A_141 = vector.multi_reduction <maximumf>, %reshape3A_139, %reduce_max3A_140 [1] : vector<128x8x4xf32> to vector<128x4xf32>
    %broadcast_in_dim3A_142 = vector.shape_cast %reduce_max3A_141 : vector<128x4xf32> to vector<128x1x4xf32>
    %sub3A_143 = vector.broadcast %broadcast_in_dim3A_142 : vector<128x1x4xf32> to vector<128x8x4xf32>
    %sub3A_144 = arith.subf %reshape3A_139, %sub3A_143 : vector<128x8x4xf32>
    %exp3A_145 = math.exp %sub3A_144 : vector<128x8x4xf32>
    %reduce_sum3A_146 = arith.constant dense<0.000000e+00> : vector<128x4xf32>
    %reduce_sum3A_147 = vector.multi_reduction <add>, %exp3A_145, %reduce_sum3A_146 [1] : vector<128x8x4xf32> to vector<128x4xf32>
    %broadcast_in_dim3A_148 = vector.shape_cast %reduce_sum3A_147 : vector<128x4xf32> to vector<128x1x4xf32>
    %div3A_149 = vector.broadcast %broadcast_in_dim3A_148 : vector<128x1x4xf32> to vector<128x8x4xf32>
    %div3A_150 = arith.divf %exp3A_145, %div3A_149 : vector<128x8x4xf32>
    %add3A_151 = arith.addf %add3A_127, %div3A_150 : vector<128x8x4xf32>
    %slice3A_152 = vector.extract_strided_slice %slice3A {offsets = [0, 5, 0], sizes = [128, 1, 128], strides = [1, 1, 1]} : vector<128x8x128xf32> to vector<128x1x128xf32>
    %squeeze3A_153 = vector.shape_cast %slice3A_152 : vector<128x1x128xf32> to vector<128x128xf32>
    %broadcast_in_dim3A_154 = vector.shape_cast %squeeze3A_153 : vector<128x128xf32> to vector<128x1x128xf32>
    %mul3A_155 = vector.broadcast %broadcast_in_dim3A_154 : vector<128x1x128xf32> to vector<128x8x128xf32>
    %mul3A_156 = arith.mulf %mul3A_155, %slice3A_11 : vector<128x8x128xf32>
    %reshape3A_157 = vector.shape_cast %mul3A_156 : vector<128x8x128xf32> to vector<1024x128xf32>
    %dot_general3A_158 = arith.constant dense<0.000000e+00> : vector<1024x4xf32>
    %dot_general3A_159 = tpu.matmul %reshape3A_157, %convert_element_type3A_37, %dot_general3A_158 {dimension_numbers = #tpu.dot_dimension_numbers<[1], [0], [0], [1], [0, 0, 1, 1], [], []>, transpose_lhs_hint = false} : vector<1024x128xf32>, vector<128x4xf32>, vector<1024x4xf32> -> vector<1024x4xf32>
    %mul3A_160 = arith.constant 0.176776692 : f32
    %mul3A_161 = vector.broadcast %mul3A_160 : f32 to vector<1024x4xf32>
    %mul3A_162 = arith.mulf %dot_general3A_159, %mul3A_161 : vector<1024x4xf32>
    %reshape3A_163 = vector.shape_cast %mul3A_162 : vector<1024x4xf32> to vector<128x8x4xf32>
    %reduce_max3A_164 = arith.constant dense<0xFF800000> : vector<128x4xf32>
    %reduce_max3A_165 = vector.multi_reduction <maximumf>, %reshape3A_163, %reduce_max3A_164 [1] : vector<128x8x4xf32> to vector<128x4xf32>
    %broadcast_in_dim3A_166 = vector.shape_cast %reduce_max3A_165 : vector<128x4xf32> to vector<128x1x4xf32>
    %sub3A_167 = vector.broadcast %broadcast_in_dim3A_166 : vector<128x1x4xf32> to vector<128x8x4xf32>
    %sub3A_168 = arith.subf %reshape3A_163, %sub3A_167 : vector<128x8x4xf32>
    %exp3A_169 = math.exp %sub3A_168 : vector<128x8x4xf32>
    %reduce_sum3A_170 = arith.constant dense<0.000000e+00> : vector<128x4xf32>
    %reduce_sum3A_171 = vector.multi_reduction <add>, %exp3A_169, %reduce_sum3A_170 [1] : vector<128x8x4xf32> to vector<128x4xf32>
    %broadcast_in_dim3A_172 = vector.shape_cast %reduce_sum3A_171 : vector<128x4xf32> to vector<128x1x4xf32>
    %div3A_173 = vector.broadcast %broadcast_in_dim3A_172 : vector<128x1x4xf32> to vector<128x8x4xf32>
    %div3A_174 = arith.divf %exp3A_169, %div3A_173 : vector<128x8x4xf32>
    %add3A_175 = arith.addf %add3A_151, %div3A_174 : vector<128x8x4xf32>
    %slice3A_176 = vector.extract_strided_slice %slice3A {offsets = [0, 6, 0], sizes = [128, 1, 128], strides = [1, 1, 1]} : vector<128x8x128xf32> to vector<128x1x128xf32>
    %squeeze3A_177 = vector.shape_cast %slice3A_176 : vector<128x1x128xf32> to vector<128x128xf32>
    %broadcast_in_dim3A_178 = vector.shape_cast %squeeze3A_177 : vector<128x128xf32> to vector<128x1x128xf32>
    %mul3A_179 = vector.broadcast %broadcast_in_dim3A_178 : vector<128x1x128xf32> to vector<128x8x128xf32>
    %mul3A_180 = arith.mulf %mul3A_179, %slice3A_11 : vector<128x8x128xf32>
    %reshape3A_181 = vector.shape_cast %mul3A_180 : vector<128x8x128xf32> to vector<1024x128xf32>
    %dot_general3A_182 = arith.constant dense<0.000000e+00> : vector<1024x4xf32>
    %dot_general3A_183 = tpu.matmul %reshape3A_181, %convert_element_type3A_37, %dot_general3A_182 {dimension_numbers = #tpu.dot_dimension_numbers<[1], [0], [0], [1], [0, 0, 1, 1], [], []>, transpose_lhs_hint = false} : vector<1024x128xf32>, vector<128x4xf32>, vector<1024x4xf32> -> vector<1024x4xf32>
    %mul3A_184 = arith.constant 0.176776692 : f32
    %mul3A_185 = vector.broadcast %mul3A_184 : f32 to vector<1024x4xf32>
    %mul3A_186 = arith.mulf %dot_general3A_183, %mul3A_185 : vector<1024x4xf32>
    %reshape3A_187 = vector.shape_cast %mul3A_186 : vector<1024x4xf32> to vector<128x8x4xf32>
    %reduce_max3A_188 = arith.constant dense<0xFF800000> : vector<128x4xf32>
    %reduce_max3A_189 = vector.multi_reduction <maximumf>, %reshape3A_187, %reduce_max3A_188 [1] : vector<128x8x4xf32> to vector<128x4xf32>
    %broadcast_in_dim3A_190 = vector.shape_cast %reduce_max3A_189 : vector<128x4xf32> to vector<128x1x4xf32>
    %sub3A_191 = vector.broadcast %broadcast_in_dim3A_190 : vector<128x1x4xf32> to vector<128x8x4xf32>
    %sub3A_192 = arith.subf %reshape3A_187, %sub3A_191 : vector<128x8x4xf32>
    %exp3A_193 = math.exp %sub3A_192 : vector<128x8x4xf32>
    %reduce_sum3A_194 = arith.constant dense<0.000000e+00> : vector<128x4xf32>
    %reduce_sum3A_195 = vector.multi_reduction <add>, %exp3A_193, %reduce_sum3A_194 [1] : vector<128x8x4xf32> to vector<128x4xf32>
    %broadcast_in_dim3A_196 = vector.shape_cast %reduce_sum3A_195 : vector<128x4xf32> to vector<128x1x4xf32>
    %div3A_197 = vector.broadcast %broadcast_in_dim3A_196 : vector<128x1x4xf32> to vector<128x8x4xf32>
    %div3A_198 = arith.divf %exp3A_193, %div3A_197 : vector<128x8x4xf32>
    %add3A_199 = arith.addf %add3A_175, %div3A_198 : vector<128x8x4xf32>
    %slice3A_200 = vector.extract_strided_slice %slice3A {offsets = [0, 7, 0], sizes = [128, 1, 128], strides = [1, 1, 1]} : vector<128x8x128xf32> to vector<128x1x128xf32>
    %squeeze3A_201 = vector.shape_cast %slice3A_200 : vector<128x1x128xf32> to vector<128x128xf32>
    %broadcast_in_dim3A_202 = vector.shape_cast %squeeze3A_201 : vector<128x128xf32> to vector<128x1x128xf32>
    %mul3A_203 = vector.broadcast %broadcast_in_dim3A_202 : vector<128x1x128xf32> to vector<128x8x128xf32>
    %mul3A_204 = arith.mulf %mul3A_203, %slice3A_11 : vector<128x8x128xf32>
    %reshape3A_205 = vector.shape_cast %mul3A_204 : vector<128x8x128xf32> to vector<1024x128xf32>
    %dot_general3A_206 = arith.constant dense<0.000000e+00> : vector<1024x4xf32>
    %dot_general3A_207 = tpu.matmul %reshape3A_205, %convert_element_type3A_37, %dot_general3A_206 {dimension_numbers = #tpu.dot_dimension_numbers<[1], [0], [0], [1], [0, 0, 1, 1], [], []>, transpose_lhs_hint = false} : vector<1024x128xf32>, vector<128x4xf32>, vector<1024x4xf32> -> vector<1024x4xf32>
    %mul3A_208 = arith.constant 0.176776692 : f32
    %mul3A_209 = vector.broadcast %mul3A_208 : f32 to vector<1024x4xf32>
    %mul3A_210 = arith.mulf %dot_general3A_207, %mul3A_209 : vector<1024x4xf32>
    %reshape3A_211 = vector.shape_cast %mul3A_210 : vector<1024x4xf32> to vector<128x8x4xf32>
    %reduce_max3A_212 = arith.constant dense<0xFF800000> : vector<128x4xf32>
    %reduce_max3A_213 = vector.multi_reduction <maximumf>, %reshape3A_211, %reduce_max3A_212 [1] : vector<128x8x4xf32> to vector<128x4xf32>
    %broadcast_in_dim3A_214 = vector.shape_cast %reduce_max3A_213 : vector<128x4xf32> to vector<128x1x4xf32>
    %sub3A_215 = vector.broadcast %broadcast_in_dim3A_214 : vector<128x1x4xf32> to vector<128x8x4xf32>
    %sub3A_216 = arith.subf %reshape3A_211, %sub3A_215 : vector<128x8x4xf32>
    %exp3A_217 = math.exp %sub3A_216 : vector<128x8x4xf32>
    %reduce_sum3A_218 = arith.constant dense<0.000000e+00> : vector<128x4xf32>
    %reduce_sum3A_219 = vector.multi_reduction <add>, %exp3A_217, %reduce_sum3A_218 [1] : vector<128x8x4xf32> to vector<128x4xf32>
    %broadcast_in_dim3A_220 = vector.shape_cast %reduce_sum3A_219 : vector<128x4xf32> to vector<128x1x4xf32>
    %div3A_221 = vector.broadcast %broadcast_in_dim3A_220 : vector<128x1x4xf32> to vector<128x8x4xf32>
    %div3A_222 = arith.divf %exp3A_217, %div3A_221 : vector<128x8x4xf32>
    %add3A_223 = arith.addf %add3A_199, %div3A_222 : vector<128x8x4xf32>
    %mul3A_224 = arith.constant 1.250000e-01 : f32
    %mul3A_225 = vector.broadcast %mul3A_224 : f32 to vector<128x8x4xf32>
    %mul3A_226 = arith.mulf %add3A_223, %mul3A_225 : vector<128x8x4xf32>
    %reshape3A_227 = vector.shape_cast %mul3A_226 : vector<128x8x4xf32> to vector<1024x4xf32>
    %dot_general3A_228 = arith.constant dense<0.000000e+00> : vector<1024x128xf32>
    %dot_general3A_229 = tpu.matmul %reshape3A_227, %convert_element_type3A_37, %dot_general3A_228 {dimension_numbers = #tpu.dot_dimension_numbers<[1], [1], [0], [0], [0, 0, 1, 0], [], []>, transpose_lhs_hint = false} : vector<1024x4xf32>, vector<128x4xf32>, vector<1024x128xf32> -> vector<1024x128xf32>
    %reshape3A_230 = vector.shape_cast %dot_general3A_229 : vector<1024x128xf32> to vector<128x8x128xf32>
    %mul3A_231 = arith.mulf %reshape3A_230, %slice3A_12 : vector<128x8x128xf32>
    %reduce_sum3A_232 = arith.constant dense<0.000000e+00> : vector<128x128xf32>
    %reduce_sum3A_233 = vector.multi_reduction <add>, %mul3A_231, %reduce_sum3A_232 [1] : vector<128x8x128xf32> to vector<128x128xf32>
    %get3A_234 = arith.constant 0 : index
    %get3A_235 = arith.constant 0 : index
    %get3A_236 = vector.load %arg5[%get3A_234, %get3A_235] : memref<128x128xf32, #tpu.memory_space<vmem>>, vector<128x128xf32>
    %dot_general3A_237 = arith.constant dense<0.000000e+00> : vector<128x128xf32>
    %dot_general3A_238 = tpu.matmul %reduce_sum3A_233, %get3A_236, %dot_general3A_237 {dimension_numbers = #tpu.dot_dimension_numbers<[1], [1], [0], [0], [0, 0, 1, 0], [], []>, transpose_lhs_hint = false} : vector<128x128xf32>, vector<128x128xf32>, vector<128x128xf32> -> vector<128x128xf32>
    %get3A_239 = arith.constant 0 : index
    %get3A_240 = vector.load %arg6[%get3A_239] : memref<128xf32, #tpu.memory_space<vmem>>, vector<128xf32>
    %broadcast_in_dim3A_241 = vector.shape_cast %get3A_240 : vector<128xf32> to vector<1x128xf32>
    %add3A_242 = vector.broadcast %broadcast_in_dim3A_241 : vector<1x128xf32> to vector<128x128xf32>
    %add3A_243 = arith.addf %dot_general3A_238, %add3A_242 : vector<128x128xf32>
    %get3A_244 = arith.constant 0 : index
    %get3A_245 = vector.load %arg9[%get3A_244] : memref<128xf32, #tpu.memory_space<vmem>>, vector<128xf32>
    %broadcast_in_dim3A_246 = vector.shape_cast %get3A_245 : vector<128xf32> to vector<1x128xf32>
    %mul3A_247 = arith.constant 0.999994993 : f32
    %mul3A_248 = vector.broadcast %mul3A_247 : f32 to vector<1x128xf32>
    %mul3A_249 = arith.mulf %mul3A_248, %broadcast_in_dim3A_246 : vector<1x128xf32>
    %mul3A_250 = vector.broadcast %mul3A_249 : vector<1x128xf32> to vector<128x128xf32>
    %mul3A_251 = arith.mulf %add3A_243, %mul3A_250 : vector<128x128xf32>
    %get3A_252 = arith.constant 0 : index
    %get3A_253 = vector.load %arg10[%get3A_252] : memref<128xf32, #tpu.memory_space<vmem>>, vector<128xf32>
    %broadcast_in_dim3A_254 = vector.shape_cast %get3A_253 : vector<128xf32> to vector<1x128xf32>
    %add3A_255 = vector.broadcast %broadcast_in_dim3A_254 : vector<1x128xf32> to vector<128x128xf32>
    %add3A_256 = arith.addf %mul3A_251, %add3A_255 : vector<128x128xf32>
    %get3A_257 = arith.constant 0 : index
    %get3A_258 = arith.constant 0 : index
    %get3A_259 = vector.load %arg2[%get3A_257, %get3A_258] : memref<128x768xf32, #tpu.memory_space<vmem>>, vector<128x768xf32>
    %get3A_260 = arith.constant 0 : index
    %get3A_261 = vector.load %arg7[%get3A_260] : memref<768xf32, #tpu.memory_space<vmem>>, vector<768xf32>
    %broadcast_in_dim3A_262 = vector.shape_cast %get3A_261 : vector<768xf32> to vector<1x768xf32>
    %mul3A_263 = arith.constant 0.999994993 : f32
    %mul3A_264 = vector.broadcast %mul3A_263 : f32 to vector<1x768xf32>
    %mul3A_265 = arith.mulf %mul3A_264, %broadcast_in_dim3A_262 : vector<1x768xf32>
    %mul3A_266 = vector.broadcast %mul3A_265 : vector<1x768xf32> to vector<128x768xf32>
    %mul3A_267 = arith.mulf %get3A_259, %mul3A_266 : vector<128x768xf32>
    %get3A_268 = arith.constant 0 : index
    %get3A_269 = vector.load %arg8[%get3A_268] : memref<768xf32, #tpu.memory_space<vmem>>, vector<768xf32>
    %broadcast_in_dim3A_270 = vector.shape_cast %get3A_269 : vector<768xf32> to vector<1x768xf32>
    %add3A_271 = vector.broadcast %broadcast_in_dim3A_270 : vector<1x768xf32> to vector<128x768xf32>
    %add3A_272 = arith.addf %mul3A_267, %add3A_271 : vector<128x768xf32>
    %get3A_273 = arith.constant 0 : index
    %get3A_274 = arith.constant 0 : index
    %get3A_275 = vector.load %arg11[%get3A_273, %get3A_274] : memref<448x896xf32, #tpu.memory_space<vmem>>, vector<448x896xf32>
    %slice3A_276 = vector.extract_strided_slice %get3A_275 {offsets = [0, 0], sizes = [448, 768], strides = [1, 1]} : vector<448x896xf32> to vector<448x768xf32>
    %dot_general3A_277 = arith.constant dense<0.000000e+00> : vector<128x448xf32>
    %dot_general3A_278 = tpu.matmul %add3A_272, %slice3A_276, %dot_general3A_277 {dimension_numbers = #tpu.dot_dimension_numbers<[1], [1], [0], [0], [0, 0, 1, 0], [], []>, transpose_lhs_hint = false} : vector<128x768xf32>, vector<448x768xf32>, vector<128x448xf32> -> vector<128x448xf32>
    %slice3A_279 = vector.extract_strided_slice %get3A_275 {offsets = [0, 768], sizes = [448, 128], strides = [1, 1]} : vector<448x896xf32> to vector<448x128xf32>
    %dot_general3A_280 = arith.constant dense<0.000000e+00> : vector<128x448xf32>
    %dot_general3A_281 = tpu.matmul %add3A_256, %slice3A_279, %dot_general3A_280 {dimension_numbers = #tpu.dot_dimension_numbers<[1], [1], [0], [0], [0, 0, 1, 0], [], []>, transpose_lhs_hint = false} : vector<128x128xf32>, vector<448x128xf32>, vector<128x448xf32> -> vector<128x448xf32>
    %add3A_282 = arith.addf %dot_general3A_278, %dot_general3A_281 : vector<128x448xf32>
    %get3A_283 = arith.constant 0 : index
    %get3A_284 = vector.load %arg12[%get3A_283] : memref<448xf32, #tpu.memory_space<vmem>>, vector<448xf32>
    %broadcast_in_dim3A_285 = vector.shape_cast %get3A_284 : vector<448xf32> to vector<1x448xf32>
    %add3A_286 = vector.broadcast %broadcast_in_dim3A_285 : vector<1x448xf32> to vector<128x448xf32>
    %add3A_287 = arith.addf %add3A_282, %add3A_286 : vector<128x448xf32>
    %max3A = arith.constant 0.000000e+00 : f32
    %max3A_288 = vector.broadcast %max3A : f32 to vector<128x448xf32>
    %max3A_289 = arith.maximumf %add3A_287, %max3A_288 : vector<128x448xf32>
    %get3A_290 = arith.constant 0 : index
    %get3A_291 = arith.constant 0 : index
    %get3A_292 = vector.load %arg13[%get3A_290, %get3A_291] : memref<224x448xf32, #tpu.memory_space<vmem>>, vector<224x448xf32>
    %dot_general3A_293 = arith.constant dense<0.000000e+00> : vector<128x224xf32>
    %dot_general3A_294 = tpu.matmul %max3A_289, %get3A_292, %dot_general3A_293 {dimension_numbers = #tpu.dot_dimension_numbers<[1], [1], [0], [0], [0, 0, 1, 0], [], []>, transpose_lhs_hint = false} : vector<128x448xf32>, vector<224x448xf32>, vector<128x224xf32> -> vector<128x224xf32>
    %get3A_295 = arith.constant 0 : index
    %get3A_296 = vector.load %arg14[%get3A_295] : memref<224xf32, #tpu.memory_space<vmem>>, vector<224xf32>
    %broadcast_in_dim3A_297 = vector.shape_cast %get3A_296 : vector<224xf32> to vector<1x224xf32>
    %add3A_298 = vector.broadcast %broadcast_in_dim3A_297 : vector<1x224xf32> to vector<128x224xf32>
    %add3A_299 = arith.addf %dot_general3A_294, %add3A_298 : vector<128x224xf32>
    %max3A_300 = arith.constant 0.000000e+00 : f32
    %max3A_301 = vector.broadcast %max3A_300 : f32 to vector<128x224xf32>
    %max3A_302 = arith.maximumf %add3A_299, %max3A_301 : vector<128x224xf32>
    %get3A_303 = arith.constant 0 : index
    %get3A_304 = arith.constant 0 : index
    %get3A_305 = vector.load %arg15[%get3A_303, %get3A_304] : memref<1x224xf32, #tpu.memory_space<vmem>>, vector<1x224xf32>
    %mul3A_306 = vector.broadcast %get3A_305 : vector<1x224xf32> to vector<128x224xf32>
    %mul3A_307 = arith.mulf %max3A_302, %mul3A_306 : vector<128x224xf32>
    %reduce_sum3A_308 = arith.constant dense<0.000000e+00> : vector<128xf32>
    %reduce_sum3A_309 = vector.multi_reduction <add>, %mul3A_307, %reduce_sum3A_308 [1] : vector<128x224xf32> to vector<128xf32>
    %broadcast_in_dim3A_310 = vector.shape_cast %reduce_sum3A_309 : vector<128xf32> to vector<128x1xf32>
    %get3A_311 = arith.constant 0 : index
    %get3A_312 = memref.load %arg16[%get3A_311] : memref<1xf32, #tpu.memory_space<smem>>
    %add3A_313 = vector.broadcast %get3A_312 : f32 to vector<128x1xf32>
    %add3A_314 = arith.addf %broadcast_in_dim3A_310, %add3A_313 : vector<128x1xf32>
    %logistic3A = arith.negf %add3A_314 : vector<128x1xf32>
    %logistic3A_315 = math.exp %logistic3A : vector<128x1xf32>
    %logistic3A_316 = arith.constant 1.000000e+00 : f32
    %logistic3A_317 = vector.broadcast %logistic3A_316 : f32 to vector<128x1xf32>
    %logistic3A_318 = arith.addf %logistic3A_317, %logistic3A_315 : vector<128x1xf32>
    %logistic3A_319 = arith.divf %logistic3A_317, %logistic3A_318 : vector<128x1xf32>
    %swap3A = arith.constant 0 : index
    %swap3A_320 = arith.constant 0 : index
    %swap3A_321 = vector.load %arg17[%swap3A, %swap3A_320] : memref<128x1xf32, #tpu.memory_space<vmem>>, vector<128x1xf32>
    tpu.vector_store %arg17[%swap3A, %swap3A_320], %logistic3A_319 {strides = array<i32>} : memref<128x1xf32, #tpu.memory_space<vmem>>, vector<128x1xf32>,
    return
  }
  func.func @transform_0(%arg0: i32) -> (i32, i32, i32) {
    %c0_i32 = arith.constant 0 : i32
    %c0_i32_0 = arith.constant 0 : i32
    %c0_i32_1 = arith.constant 0 : i32
    return %arg0, %c0_i32, %c0_i32_0 : i32, i32, i32
  }
  func.func @transform_1(%arg0: i32) -> (i32, i32) {
    %c0_i32 = arith.constant 0 : i32
    %c0_i32_0 = arith.constant 0 : i32
    return %arg0, %c0_i32 : i32, i32
  }
  func.func @transform_2(%arg0: i32) -> (i32, i32) {
    %c0_i32 = arith.constant 0 : i32
    %c0_i32_0 = arith.constant 0 : i32
    %c0_i32_1 = arith.constant 0 : i32
    return %c0_i32, %c0_i32_0 : i32, i32
  }
  func.func @transform_3(%arg0: i32) -> i32 {
    %c0_i32 = arith.constant 0 : i32
    %c0_i32_0 = arith.constant 0 : i32
    return %c0_i32 : i32
  }
  func.func @transform_4(%arg0: i32) -> (i32, i32) {
    %c0_i32 = arith.constant 0 : i32
    %c0_i32_0 = arith.constant 0 : i32
    %c0_i32_1 = arith.constant 0 : i32
    return %c0_i32, %c0_i32_0 : i32, i32
  }
  func.func @transform_5(%arg0: i32) -> i32 {
    %c0_i32 = arith.constant 0 : i32
    %c0_i32_0 = arith.constant 0 : i32
    return %c0_i32 : i32
  }
  func.func @transform_6(%arg0: i32) -> i32 {
    %c0_i32 = arith.constant 0 : i32
    %c0_i32_0 = arith.constant 0 : i32
    return %c0_i32 : i32
  }
  func.func @transform_7(%arg0: i32) -> i32 {
    %c0_i32 = arith.constant 0 : i32
    %c0_i32_0 = arith.constant 0 : i32
    return %c0_i32 : i32
  }
  func.func @transform_8(%arg0: i32) -> i32 {
    %c0_i32 = arith.constant 0 : i32
    %c0_i32_0 = arith.constant 0 : i32
    return %c0_i32 : i32
  }
  func.func @transform_9(%arg0: i32) -> i32 {
    %c0_i32 = arith.constant 0 : i32
    %c0_i32_0 = arith.constant 0 : i32
    return %c0_i32 : i32
  }
  func.func @transform_10(%arg0: i32) -> (i32, i32) {
    %c0_i32 = arith.constant 0 : i32
    %c0_i32_0 = arith.constant 0 : i32
    %c0_i32_1 = arith.constant 0 : i32
    return %c0_i32, %c0_i32_0 : i32, i32
  }
  func.func @transform_11(%arg0: i32) -> i32 {
    %c0_i32 = arith.constant 0 : i32
    %c0_i32_0 = arith.constant 0 : i32
    return %c0_i32 : i32
  }
  func.func @transform_12(%arg0: i32) -> (i32, i32) {
    %c0_i32 = arith.constant 0 : i32
    %c0_i32_0 = arith.constant 0 : i32
    %c0_i32_1 = arith.constant 0 : i32
    return %c0_i32, %c0_i32_0 : i32, i32
  }
  func.func @transform_13(%arg0: i32) -> i32 {
    %c0_i32 = arith.constant 0 : i32
    %c0_i32_0 = arith.constant 0 : i32
    return %c0_i32 : i32
  }
  func.func @transform_14(%arg0: i32) -> (i32, i32) {
    %c0_i32 = arith.constant 0 : i32
    %c0_i32_0 = arith.constant 0 : i32
    %c0_i32_1 = arith.constant 0 : i32
    return %c0_i32, %c0_i32_0 : i32, i32
  }
  func.func @transform_15(%arg0: i32) -> i32 {
    %c0_i32 = arith.constant 0 : i32
    %c0_i32_0 = arith.constant 0 : i32
    return %c0_i32 : i32
  }
  func.func @transform_16(%arg0: i32) -> (i32, i32) {
    %c0_i32 = arith.constant 0 : i32
    %c0_i32_0 = arith.constant 0 : i32
    return %arg0, %c0_i32 : i32, i32
  }
}

module attributes {stable_mosaic.version = 14 : i64} {
  func.func @_h2_body(%arg0: i32, %arg1: memref<2x1280x128xf32, #tpu.memory_space<vmem>>, %arg2: memref<1280x128xf32, #tpu.memory_space<vmem>>, %arg3: memref<2x1280x128xf32, #tpu.memory_space<vmem>>, %arg4: memref<128xf32, #tpu.memory_space<vmem>>, %arg5: memref<1280x128xf32, #tpu.memory_space<vmem>>) attributes {dimension_semantics = [#tpu.dimension_semantics<arbitrary>], iteration_bounds = array<i64: 8>, scalar_prefetch = 0 : i64, scratch_operands = 0 : i64, tpu.core_type = #tpu.core_type<tc>, window_params = [{transform_indices = @transform_0, window_bounds = array<i64: 2, 1280, 128>}, {transform_indices = @transform_1, window_bounds = array<i64: 1280, 128>}, {transform_indices = @transform_2, window_bounds = array<i64: 2, 1280, 128>}, {pipeline_mode = #tpu.pipeline_mode<synchronous>, transform_indices = @transform_3, window_bounds = array<i64: 128>}, {transform_indices = @transform_4, window_bounds = array<i64: 1280, 128>}]} {
    %get3A = arith.constant 0 : index
    %get3A_0 = arith.constant 0 : index
    %get3A_1 = arith.constant 0 : index
    %get3A_2 = vector.load %arg3[%get3A, %get3A_0, %get3A_1] : memref<2x1280x128xf32, #tpu.memory_space<vmem>>, vector<1x1280x1xf32>
    %get3A_3 = vector.shape_cast %get3A_2 : vector<1x1280x1xf32> to vector<1280xf32>
    %get3A_4 = arith.constant 1 : index
    %get3A_5 = arith.constant 0 : index
    %get3A_6 = arith.constant 0 : index
    %get3A_7 = vector.load %arg3[%get3A_4, %get3A_5, %get3A_6] : memref<2x1280x128xf32, #tpu.memory_space<vmem>>, vector<1x1280x1xf32>
    %get3A_8 = vector.shape_cast %get3A_7 : vector<1x1280x1xf32> to vector<1280xf32>
    %add3A = arith.addf %get3A_3, %get3A_8 : vector<1280xf32>
    %add3A_9 = arith.constant 1.000000e+00 : f32
    %add3A_10 = vector.broadcast %add3A_9 : f32 to vector<1280xf32>
    %add3A_11 = arith.addf %add3A, %add3A_10 : vector<1280xf32>
    %rsqrt3A = math.rsqrt %add3A_11 : vector<1280xf32>
    %get3A_12 = arith.constant 0 : index
    %get3A_13 = arith.constant 0 : index
    %get3A_14 = arith.constant 0 : index
    %get3A_15 = vector.load %arg1[%get3A_12, %get3A_13, %get3A_14] : memref<2x1280x128xf32, #tpu.memory_space<vmem>>, vector<1x1280x128xf32>
    %get3A_16 = vector.shape_cast %get3A_15 : vector<1x1280x128xf32> to vector<1280x128xf32>
    %get3A_17 = arith.constant 1 : index
    %get3A_18 = arith.constant 0 : index
    %get3A_19 = arith.constant 0 : index
    %get3A_20 = vector.load %arg1[%get3A_17, %get3A_18, %get3A_19] : memref<2x1280x128xf32, #tpu.memory_space<vmem>>, vector<1x1280x128xf32>
    %get3A_21 = vector.shape_cast %get3A_20 : vector<1x1280x128xf32> to vector<1280x128xf32>
    %add3A_22 = arith.addf %get3A_16, %get3A_21 : vector<1280x128xf32>
    %get3A_23 = arith.constant 0 : index
    %get3A_24 = arith.constant 0 : index
    %get3A_25 = vector.load %arg2[%get3A_23, %get3A_24] : memref<1280x128xf32, #tpu.memory_space<vmem>>, vector<1280x128xf32>
    %sub3A = arith.subf %add3A_22, %get3A_25 : vector<1280x128xf32>
    %broadcast_in_dim3A = vector.shape_cast %rsqrt3A : vector<1280xf32> to vector<1280x1xf32>
    %mul3A = vector.broadcast %broadcast_in_dim3A : vector<1280x1xf32> to vector<1280x128xf32>
    %mul3A_26 = arith.mulf %sub3A, %mul3A : vector<1280x128xf32>
    %get3A_27 = arith.constant 0 : index
    %get3A_28 = vector.load %arg4[%get3A_27] : memref<128xf32, #tpu.memory_space<vmem>>, vector<128xf32>
    %broadcast_in_dim3A_29 = vector.shape_cast %get3A_28 : vector<128xf32> to vector<1x128xf32>
    %add3A_30 = vector.broadcast %broadcast_in_dim3A_29 : vector<1x128xf32> to vector<1280x128xf32>
    %add3A_31 = arith.addf %mul3A_26, %add3A_30 : vector<1280x128xf32>
    %max3A = arith.constant 0.000000e+00 : f32
    %max3A_32 = vector.broadcast %max3A : f32 to vector<1280x128xf32>
    %max3A_33 = arith.maximumf %add3A_31, %max3A_32 : vector<1280x128xf32>
    %swap3A = arith.constant 0 : index
    %swap3A_34 = arith.constant 0 : index
    %swap3A_35 = vector.load %arg5[%swap3A, %swap3A_34] : memref<1280x128xf32, #tpu.memory_space<vmem>>, vector<1280x128xf32>
    tpu.vector_store %arg5[%swap3A, %swap3A_34], %max3A_33 {strides = array<i32>} : memref<1280x128xf32, #tpu.memory_space<vmem>>, vector<1280x128xf32>,
    return
  }
  func.func @transform_0(%arg0: i32) -> (i32, i32, i32) {
    %c0_i32 = arith.constant 0 : i32
    %c0_i32_0 = arith.constant 0 : i32
    %c0_i32_1 = arith.constant 0 : i32
    return %c0_i32, %arg0, %c0_i32_0 : i32, i32, i32
  }
  func.func @transform_1(%arg0: i32) -> (i32, i32) {
    %c0_i32 = arith.constant 0 : i32
    %c0_i32_0 = arith.constant 0 : i32
    return %arg0, %c0_i32 : i32, i32
  }
  func.func @transform_2(%arg0: i32) -> (i32, i32, i32) {
    %c0_i32 = arith.constant 0 : i32
    %c0_i32_0 = arith.constant 0 : i32
    %c0_i32_1 = arith.constant 0 : i32
    return %c0_i32, %arg0, %c0_i32_0 : i32, i32, i32
  }
  func.func @transform_3(%arg0: i32) -> i32 {
    %c0_i32 = arith.constant 0 : i32
    %c0_i32_0 = arith.constant 0 : i32
    return %c0_i32 : i32
  }
  func.func @transform_4(%arg0: i32) -> (i32, i32) {
    %c0_i32 = arith.constant 0 : i32
    %c0_i32_0 = arith.constant 0 : i32
    return %arg0, %c0_i32 : i32, i32
  }
}

</mosaic_0001>

<sc_bundles>
// kernel: kernel.11.cloned.1.call-start
scs
__scs_entry_jumppad:
0x0: {  	(pc) =	sbr.rel $0x88, $3  }
0x1: {  	(tag) =	ssettag $0x0;
	lr =	simm.s32 $0x1  }
0x2: {  	[smem:$0x3F8B] =	sst lr;
	_ =	strace $0xD0000000  }
0x3: {  	_ = 	snop  }
0x4: {  	_ = 	snop  }
0x5: {  	_ = 	snop  }
0x6: {  	_ = 	snop  }
0x7: {  	_ = 	snop  }
__scs_overlays_trampoline_lowered:
0x8: {  	[smem:$0x3F9A] =	sst s0  }
0x9: {  	[smem:$0x3F9B] =	sst s1  }
0xa: {  	[smem:$0x3F9C] =	sst s2  }
0xb: {  	[smem:$0x3F9D] =	sst s3  }
0xc: {  	[smem:$0x3F9E] =	sst s4  }
0xd: {  	[smem:$0x3F9F] =	sst s5  }
0xe: {  	[smem:$0x3FA0] =	sst s6  }
0xf: {  	[smem:$0x3FA1] =	sst s7  }
0x10: {  	[smem:$0x3FA2] =	sst s8  }
0x11: {  	[smem:$0x3FA3] =	sst s9;
	s0 =	simm.s32 @!p0 $0x0  }
0x12: {  	s1 =	sld [smem:$0x3F89];
	s0 =	simm.s32 @p0 $0x1  }
0x13: {  	[smem:$0x3FA4] =	sst s0;
	s0 =	simm.s32 @!p1 $0x0  }
0x14: {  	s2 =	sld [smem:$0x3F88];
	s0 =	simm.s32 @p1 $0x1  }
0x15: {  	[smem:$0x3FA5] =	sst s0;
	s0 =	simm.s32 @!p2 $0x0  }
0x16: {  	s3 =	sld [smem:$0x3FDB];
	s0 =	simm.s32 @p2 $0x1  }
0x17: {  	s4 =	simm.s32 $0x1BF5;
	[smem:$0x3FA7] =	sst s0  }
0x18: {  	s0 =	sld [smem:$0x3F8A];
	_ =	swait.ge [sflag:s4], $0x0  }
0x19: {  	s7 =	sld [smem:$0x3F8B]  }
0x1a: {  	s8 =	sadd.s32 $0xFFFFE003, lr  }
0x1b: {  	s9 =	sadd.s32 $0xFFFFFEF7, lr;
	s5 =	simm.s32 $0xFFFFFFFF;
	p2 =	slt.u32 s8, $0xFFFFF086  }
0x1c: {  	p1 =	slt.u32 s9, $0xF7A;
	s5 =	simm.s32 @!p2 $0x0  }
0x1d: {  	s5 =	simm.s32 @p1 $0x1;
	p0 =	seq.s32 s7, s2  }
0x1e: {  	s7 =	smul.u32 @!p0 $0xF7A, s2;
	p2 =	seq.s32 @!p0 s5, $0x0  }
0x1f: {  	s9 =	smul.u32 $0xF7A, s1;
	s8 =	simm.s32 @!p0 $0x1BF5;
	p2 =	por !p2, p0  }
0x20: {  	[sflag:s8] =	ssyncset.s32 @!p0 $0xFFFFF086;
	s6 =	sadd.s32 @!p0 s3, s7;
	s7 =	simm.s32 @!p0 $0x108  }
0x21: {  	s3 =	sadd.s32 s3, s9;
	s6 =	sadd.s32 @!p0 $0x88, s6;
	s7 =	simm.s32 @p2 $0x1082  }
0x22: {  	[simem:s7], [sflag:s8] =	dma.local @!p0 [hbm:s6], $0xF7A  }
0x23: {  	s9 =	sor.u32 $0xD0000000, s2;
	s6 =	simm.s32 $0x108;
	_ =	swait.ge @!p0 [sflag:s8], $0x0  }
0x24: {  	s3 =	sadd.s32 $0x88, s3;
	s6 =	simm.s32 @!p1 $0x1082;
	[sflag:s4] =	ssyncset.s32 $0xFFFFF086  }
0x25: {  	[simem:s6], [sflag:s4] =	dma.local [hbm:s3], $0xF7A  }
0x26: {  	[smem:$0x3F8B] =	sst s1;
	(tag) =	ssettag s2;
	_ =	strace s9  }
0x27: {  	s1 =	sld [smem:$0x3F9B]  }
0x28: {  	s2 =	sld [smem:$0x3F9C]  }
0x29: {  	s4 =	sld [smem:$0x3F9E]  }
0x2a: {  	p0 =	seq.s32 s5, $0x0;
	s5 =	sld [smem:$0x3F9F]  }
0x2b: {  	s6 =	sld [smem:$0x3FA0]  }
0x2c: {  	s7 =	sld [smem:$0x3FA1]  }
0x2d: {  	s3 =	simm.s32 $0x108;
	s8 =	sld [smem:$0x3FA2]  }
0x2e: {  	s3 =	simm.s32 @!p0 $0x1082;
	s9 =	sld [smem:$0x3FA3]  }
0x2f: {  	lr =	sadd.s32 s0, s3;
	s0 =	sld [smem:$0x3F9A]  }
0x30: {  	s3 =	sld [smem:$0x3F9D]  }
0x31: {  	[smem:$0x3FA6] =	sst s10  }
0x32: {  	s10 =	sld [smem:$0x3FA4];
	_ =	sdelay $0x3  }
0x33: {  	p0 =	seq.s32 s10, $0x1;
	s10 =	sld [smem:$0x3FA6];
	_ =	sdelay $0x3  }
0x34: {  	[smem:$0x3FA6] =	sst s10  }
0x35: {  	s10 =	sld [smem:$0x3FA5];
	_ =	sdelay $0x3  }
0x36: {  	p1 =	seq.s32 s10, $0x1;
	s10 =	sld [smem:$0x3FA6];
	_ =	sdelay $0x3  }
0x37: {  	[smem:$0x3FA6] =	sst s10  }
0x38: {  	s10 =	sld [smem:$0x3FA7]  }
0x39: {  	_ = 	snop;
	(pc) =	sbr.ind lr, $3  }
0x3a: {  	_ = 	snop  }
0x3b: {  	_ = 	snop  }
0x3c: {  	p2 =	seq.s32 s10, $0x1;
	s10 =	sld [smem:$0x3FA6]  }
0x3d: {  	_ =	shalt  }
0x3e: {  	_ =	shalt  }
0x3f: {  	_ =	shalt  }
0x40: {  	_ =	shalt  }
0x41: {  	_ =	shalt  }
0x42: {  	_ =	shalt  }
0x43: {  	_ =	shalt  }
0x44: {  	_ =	shalt  }
0x45: {  	_ =	shalt  }
0x46: {  	_ =	shalt  }
0x47: {  	_ =	shalt  }
0x48: {  	_ =	shalt  }
0x49: {  	_ =	shalt  }
0x4a: {  	_ =	shalt  }
0x4b: {  	_ =	shalt  }
0x4c: {  	_ =	shalt  }
0x4d: {  	_ =	shalt  }
0x4e: {  	_ =	shalt  }
0x4f: {  	_ =	shalt  }
0x50: {  	_ =	shalt  }
0x51: {  	_ =	shalt  }
0x52: {  	_ =	shalt  }
0x53: {  	_ =	shalt  }
0x54: {  	_ =	shalt  }
0x55: {  	_ =	shalt  }
0x56: {  	_ =	shalt  }
0x57: {  	_ =	shalt  }
0x58: {  	_ =	shalt  }
0x59: {  	_ =	shalt  }
0x5a: {  	_ =	shalt  }
0x5b: {  	_ =	shalt  }
0x5c: {  	_ =	shalt  }
0x5d: {  	_ =	shalt  }
0x5e: {  	_ =	shalt  }
0x5f: {  	_ =	shalt  }
0x60: {  	_ =	shalt  }
0x61: {  	_ =	shalt  }
0x62: {  	_ =	shalt  }
0x63: {  	_ =	shalt  }
0x64: {  	_ =	shalt  }
0x65: {  	_ =	shalt  }
0x66: {  	_ =	shalt  }
0x67: {  	_ =	shalt  }
0x68: {  	_ =	shalt  }
0x69: {  	_ =	shalt  }
0x6a: {  	_ =	shalt  }
0x6b: {  	_ =	shalt  }
0x6c: {  	_ =	shalt  }
0x6d: {  	_ =	shalt  }
0x6e: {  	_ =	shalt  }
0x6f: {  	_ =	shalt  }
0x70: {  	_ =	shalt  }
0x71: {  	_ =	shalt  }
0x72: {  	_ =	shalt  }
0x73: {  	_ =	shalt  }
0x74: {  	_ =	shalt  }
0x75: {  	_ =	shalt  }
0x76: {  	_ =	shalt  }
0x77: {  	_ =	shalt  }
0x78: {  	_ =	shalt  }
0x79: {  	_ =	shalt  }
0x7a: {  	_ =	shalt  }
0x7b: {  	_ =	shalt  }
0x7c: {  	_ =	shalt  }
0x7d: {  	_ =	shalt  }
0x7e: {  	_ =	shalt  }
0x7f: {  	_ =	shalt  }
0x80: {  	_ =	shalt  }
0x81: {  	_ =	shalt  }
0x82: {  	_ =	shalt  }
0x83: {  	_ =	shalt  }
0x84: {  	_ =	shalt  }
0x85: {  	_ =	shalt  }
0x86: {  	_ =	shalt  }
0x87: {  	_ =	shalt  }
.Lfunc_end0:
.L_simem_size_0:
called_computation_lowered:
.L_overlay_start_0:
0x88: {  	s2 =	sld [smem:$0x3FD9]  }
0x89: {  	s3 =	sld [smem:$0x3FFE];
	_ =	sdelay $0x1  }
0x8a: {  	s1 =	srdreg.scid  }
0x8b: {  	s0 =	sand.u32 $0x1, s1  }
0x8c: {  	s16 =	sshll.u32 s0, $0xA;
	s2 =	sadd.s32 s3, s2  }
0x8d: {  	s2 =	sadd.s32 s2, s16  }
0x8e: {  	[smem:$0x3FB2] =	sst s2  }
0x8f: {  	_ = 	snop  }
0x90: {  	(tm) =	ssettm $0x1  }
0x91: {  	s17 =	sld [smem:$0x3FFB];
	_ =	sdelay $0x3  }
0x92: {  	_ =	strace s17  }
0x93: {  	s2 =	sld [smem:$0x3FFC];
	_ =	sdelay $0x3  }
0x94: {  	_ =	strace s2  }
0x95: {  	s2 =	sld [smem:$0x3FFD];
	_ =	sdelay $0x3  }
0x96: {  	_ =	strace s2  }
0x97: {  	_ =	strace $0x8FFFFFFF  }
0x98: {  	s18 =	sld [smem:$0x3FDB];
	_ =	sdelay $0x1  }
0x99: {  	s19 =	simm.s32 $_scs_section_size  }
0x9a: {  	s4 =	simm.s32 $_size__tile_overlayer_lowered;
	s5 =	simm.s32 $_tile_overlayer_lowered  }
0x9b: {  	s22 =	simm.s32 $0x1BFF;
	s21 =	sshll.u32 s5, $0x1;
	s2 =	sadd.s32 s19, s18  }
0x9c: {  	s6 =	simm.s32 $0x0;
	s20 =	sshll.u32 s4, $0x1;
	s4 =	sadd.s32 s21, s2  }
0x9d: {  	[timem:s6], [sflag:s22] =	dma.local [hbm:s4], s20  }
0x9e: {  	_ =	swait.ge [sflag:s22], s20  }
0x9f: {  	s3 =	ssub.s32 $0x0, s20;
	[sflag:s22] =	ssyncset.done $0x0  }
0xa0: {  	[sflag:s22] =	ssyncadd.s32 s3;
	_ =	sdelay $0x1  }
0xa1: {  	s23 =	simm.s32 $0x1B8B  }
0xa2: {  	_ =	swait.ge [sflag:s23], $0x1  }
0xa3: {  	[sflag:s23] =	ssyncset.done $0x0  }
0xa4: {  	s25 =	simm.s32 $0x1B8E;
	s24 =	sld [smem:$0x3FFE];
	[sflag:s23] =	ssyncadd.s32 $0xFFFFFFFF  }
0xa5: {  	s26 =	simm.s32 $execute0_lowered;
	[smem:$0x3FD2] =	sst s25  }
0xa6: {  	s4 =	sshll.u32 s26, $0x1;
	_ =	strace $0x80000046;
	[dreg:$0x1] =	wrdreg $0xFFFFFFFF  }
0xa7: {  	s28 =	simm.s32 $_size_execute0_lowered;
	s2 =	sadd.s32 s2, s4;
	[dreg:$0x0] =	wrdreg $0x0  }
0xa8: {  	s4 =	sshll.u32 s28, $0x1;
	[dreg:$0x2] =	wrdreg s2  }
0xa9: {  	[dreg:$0x3] =	wrdreg s4  }
0xaa: {  	[dreg:$0x4] =	wrdreg $0xC0  }
0xab: {  	_ =	task [dreg:s6], $0x5FFFF  }
0xac: {  	[dreg:$0x1] =	wrdreg $0xFFFFFFFF  }
0xad: {  	[dreg:$0x0] =	wrdreg $0x60  }
0xae: {  	[dreg:$0x2] =	wrdreg s24  }
0xaf: {  	[dreg:$0x3] =	wrdreg $0x48000  }
0xb0: {  	[dreg:$0x4] =	wrdreg $0x9  }
0xb1: {  	_ =	task.clear_ibuf [dreg:s6], $0x5FFFF;
	_ =	strace $0x90000046  }
0xb2: {  	s29 =	simm.s32 $0x9;
	_ =	strace $0x80000048  }
0xb3: {  	_ =	swait.ge [sflag:s29], $0x1  }
0xb4: {  	[sflag:s29] =	ssyncadd.s32 $0xFFFFFFFF  }
0xb5: {  	_ =	strace $0x90000048  }
0xb6: {  	_ =	sfence  }
0xb7: {  	s30 =	sld [smem:$0x0];
	_ =	sdelay $0x2  }
0xb8: {  	s31 =	sshll.u32 s1, $0xD;
	s1 =	sshrl.u32 s1, $0x2  }
0xb9: {  	s3 =	sand.u32 $0x4000, s31;
	s1 =	sadd.s32 s1, s30  }
0xba: {  	s0 =	sor.u32 s3, s0;
	s1 =	sshll.u32 s1, $0x11  }
0xbb: {  	s0 =	sor.u32 s1, s0  }
0xbc: {  	s0 =	sadd.s32 $0x8F2B, s0  }
0xbd: {  	[sflag:s0] =	ssyncadd.remote.s32 $0x1  }
0xbe: {  	_ =	sfence.sel $0xFFFF  }
0xbf: {  	[dreg:$0x0] =	wrdreg $0xFFFFFFFF;
	(pc) =	sbr.abs _section_cstart, $3  }
0xc0: {  	[dreg:$0x1] =	wrdreg $0xFFFFFFFF  }
0xc1: {  	_ =	task.clear_ibuf [dreg:s6], $0x2FFFF;
	_ =	strace $0x9FFFFFFF  }
0xc2: {  	(tm) =	ssettm $0x7FFFFFFF  }
0xc3: {  	_ =	shalt  }
tec
execute0_lowered:
.L_overlay_start_1:
0x0: {  	(tag) =	ssettag $0x1  }
0x1: {  	s0 =	srdreg.scid;
	s1 =	rddreg [dreg:$0x0]  }
0x2: {  	s9 =	stileid.u32;
	s2 =	rddreg [dreg:$0x1]  }
0x3: {  	s3 =	simm.s32 $0x0;
	s10 =	simm.s32 $0x2;
	s12 =	simm.s32 $0x80  }
0x4: {  	s13 =	simm.s32 $0x100;
	s14 =	simm.s32 $0x180;
	s15 =	simm.s32 $0x200  }
0x5: {  	s16 =	simm.s32 $0x280;
	s17 =	simm.s32 $0x300;
	s18 =	simm.s32 $0x380  }
0x6: {  	s19 =	simm.s32 $0x400;
	s20 =	simm.s32 $0x480;
	s21 =	simm.s32 $0x500  }
0x7: {  	s22 =	simm.s32 $0x580;
	s23 =	simm.s32 $0x600;
	s5 =	smul.u32 $0x2800, s9  }
0x8: {  	s28 =	simm.s32 $0x780;
	s29 =	simm.s32 $0x1;
	s6 =	smul.u32 $0x14000, s9  }
0x9: {  	s30 =	simm.s32 $0x0;
	s0 =	sand.u32 $0x1, s0;
	s7 =	smul.u32 $0x50000, s9  }
0xa: {  	[smem:$0x7FF] =	sst s3;
	s25 =	sadd.s32 $0x41000, s1;
	s4 =	smul.u32 $0x28000, s0  }
0xb: {  	p0 =	sne.s32 s9, $0x0;
	s9 =	simm.s32 $0x800;
	s24 =	smul.u32 $0x140000, s0  }
0xc: {  	_ =	strace $0x80000047;
	[dreg:$0x3] =	wrdreg s25;
	s0 =	ssub.s32 $0x2, s0  }
0xd: {  	s11 =	sshrl.u32 @!p0 s2, $0x3;
	s26 =	sshrl.u32 s0, $0x1;
	s7 =	sshrl.u32 s7, $0x2  }
0xe: {  	s4 =	sadd.s32 s5, s4;
	s6 =	sadd.s32 s6, s24;
	s5 =	sadd.s32 $0x19000, s1  }
0xf: {  	s0 =	ssub.s32 s0, s26;
	s31 =	sadd.s32 s7, s2;
	s24 =	simm.s32 $0x680  }
0x10: {  	s26 =	simm.s32 $0x700;
	s4 =	sshrl.u32 s4, $0x3;
	s6 =	sshrl.u32 s6, $0x3  }
0x11: {  	s7 =	smax.u32 s0, $0x1;
	s8 =	sadd.s32 s4, s1;
	s1 =	sadd.s32 s6, s1  }
0x12: {  	s25 =	sshrl.u32 s31, $0x3;
	s6 =	sadd.s32 $0x41800, s1;
	s8 =	sadd.s32 $0xF000, s8  }
.LBB2_1:
0x13: {  	s0 =	rddreg [dreg:$0x3]  }
0x14: {  	[tilespmem:s9], [sflag:$0x2] =	stream.linear.gather [hbm4b:s0+s3], $0x4000, $0x38;
	[tilespmem:$0x18800] =	vst v63  }
0x15: {  	_ =	swait.ge [sflag:s10], $0x4000  }
0x16: {  	[sflag:s10] =	ssyncset.done $0x0  }
0x17: {  	s0 =	simm.s32 @!p0 $0x1C02;
	[sflag:s10] =	ssyncadd.s32 $0xFFFFC000  }
0x18: {  	[spmem:s11], [sflag:s0] =	dma.local @!p0 [hbm:s5], $0x28000  }
0x19: {  	s0 =	simm.s32 @!p0 $0x2  }
0x1a: {  	_ =	swait.ge @!p0 [sflag:s0], $0x28000  }
0x1b: {  	[sflag:s0] =	ssyncset.done @!p0 $0x0  }
0x1c: {  	[sflag:s0] =	ssyncadd.s32 @!p0 $0xFFFD8000  }
0x1d: {  	s4 =	sadd.s32 $0x0, s8;
	[bflag:$0x0] =	sbarrier.arrive $0xFFFF  }
0x1e: {  	[tilespmem:s3], [sflag:$0x2] =	stream.linear.gather [hbm4b:s4+s3], $0x800, $0x38;
	[tilespmem:$0x18800] =	vst v63  }
0x1f: {  	_ =	swait.ge [sflag:s10], $0x800  }
0x20: {  	[sflag:s10] =	ssyncset.done $0x0  }
0x21: {  	[sflag:s10] =	ssyncadd.s32 $0xFFFFF800  }
0x22: {  	[spmem:s2] =	stream.indirect.scatter.add.f32 [tilespmem:s9], [sflag:$0x1], $0x80, s3, s12, $0xb8;
	[tilespmem:$0x18800] =	vst v63  }
0x23: {  	_ = 	snop  }
0x24: {  	[spmem:s2] =	stream.indirect.scatter.add.f32 [tilespmem:s9], [sflag:$0x1], $0x80, s12, s12, $0xb8;
	[tilespmem:$0x18800] =	vst v63  }
0x25: {  	_ = 	snop  }
0x26: {  	[spmem:s2] =	stream.indirect.scatter.add.f32 [tilespmem:s9], [sflag:$0x1], $0x80, s13, s12, $0xb8;
	[tilespmem:$0x18800] =	vst v63  }
0x27: {  	_ = 	snop  }
0x28: {  	[spmem:s2] =	stream.indirect.scatter.add.f32 [tilespmem:s9], [sflag:$0x1], $0x80, s14, s12, $0xb8;
	[tilespmem:$0x18800] =	vst v63  }
0x29: {  	_ = 	snop  }
0x2a: {  	[spmem:s2] =	stream.indirect.scatter.add.f32 [tilespmem:s9], [sflag:$0x1], $0x80, s15, s12, $0xb8;
	[tilespmem:$0x18800] =	vst v63  }
0x2b: {  	_ = 	snop  }
0x2c: {  	[spmem:s2] =	stream.indirect.scatter.add.f32 [tilespmem:s9], [sflag:$0x1], $0x80, s16, s12, $0xb8;
	[tilespmem:$0x18800] =	vst v63  }
0x2d: {  	_ = 	snop  }
0x2e: {  	[spmem:s2] =	stream.indirect.scatter.add.f32 [tilespmem:s9], [sflag:$0x1], $0x80, s17, s12, $0xb8;
	[tilespmem:$0x18800] =	vst v63  }
0x2f: {  	_ = 	snop  }
0x30: {  	[spmem:s2] =	stream.indirect.scatter.add.f32 [tilespmem:s9], [sflag:$0x1], $0x80, s18, s12, $0xb8;
	[tilespmem:$0x18800] =	vst v63  }
0x31: {  	_ = 	snop  }
0x32: {  	[spmem:s2] =	stream.indirect.scatter.add.f32 [tilespmem:s9], [sflag:$0x1], $0x80, s19, s12, $0xb8;
	[tilespmem:$0x18800] =	vst v63  }
0x33: {  	_ = 	snop  }
0x34: {  	[spmem:s2] =	stream.indirect.scatter.add.f32 [tilespmem:s9], [sflag:$0x1], $0x80, s20, s12, $0xb8;
	[tilespmem:$0x18800] =	vst v63  }
0x35: {  	_ = 	snop  }
0x36: {  	[spmem:s2] =	stream.indirect.scatter.add.f32 [tilespmem:s9], [sflag:$0x1], $0x80, s21, s12, $0xb8;
	[tilespmem:$0x18800] =	vst v63  }
0x37: {  	_ = 	snop  }
0x38: {  	[spmem:s2] =	stream.indirect.scatter.add.f32 [tilespmem:s9], [sflag:$0x1], $0x80, s22, s12, $0xb8;
	[tilespmem:$0x18800] =	vst v63  }
0x39: {  	_ = 	snop  }
0x3a: {  	[spmem:s2] =	stream.indirect.scatter.add.f32 [tilespmem:s9], [sflag:$0x1], $0x80, s23, s12, $0xb8;
	[tilespmem:$0x18800] =	vst v63  }
0x3b: {  	_ = 	snop  }
0x3c: {  	[spmem:s2] =	stream.indirect.scatter.add.f32 [tilespmem:s9], [sflag:$0x1], $0x80, s24, s12, $0xb8;
	[tilespmem:$0x18800] =	vst v63  }
0x3d: {  	_ = 	snop  }
0x3e: {  	[spmem:s2] =	stream.indirect.scatter.add.f32 [tilespmem:s9], [sflag:$0x1], $0x80, s26, s12, $0xb8;
	[tilespmem:$0x18800] =	vst v63  }
0x3f: {  	_ = 	snop  }
0x40: {  	[spmem:s2] =	stream.indirect.scatter.add.f32 [tilespmem:s9], [sflag:$0x1], $0x80, s28, s12, $0xb8;
	[tilespmem:$0x18800] =	vst v63  }
0x41: {  	_ =	swait.ge [sflag:s29], $0x4000  }
0x42: {  	[sflag:s29] =	ssyncset.done $0x0  }
0x43: {  	[sflag:s29] =	ssyncadd.s32 $0xFFFFC000  }
0x44: {  	_ =	swait.ge [sflag:s29], $0x4000  }
0x45: {  	[sflag:s29] =	ssyncset.done $0x0  }
0x46: {  	[sflag:s29] =	ssyncadd.s32 $0xFFFFC000  }
0x47: {  	_ =	swait.ge [sflag:s29], $0x4000  }
0x48: {  	[sflag:s29] =	ssyncset.done $0x0  }
0x49: {  	[sflag:s29] =	ssyncadd.s32 $0xFFFFC000  }
0x4a: {  	_ =	swait.ge [sflag:s29], $0x4000  }
0x4b: {  	[sflag:s29] =	ssyncset.done $0x0  }
0x4c: {  	[sflag:s29] =	ssyncadd.s32 $0xFFFFC000  }
0x4d: {  	_ =	swait.ge [sflag:s29], $0x4000  }
0x4e: {  	[sflag:s29] =	ssyncset.done $0x0  }
0x4f: {  	[sflag:s29] =	ssyncadd.s32 $0xFFFFC000  }
0x50: {  	_ =	swait.ge [sflag:s29], $0x4000  }
0x51: {  	[sflag:s29] =	ssyncset.done $0x0  }
0x52: {  	[sflag:s29] =	ssyncadd.s32 $0xFFFFC000  }
0x53: {  	_ =	swait.ge [sflag:s29], $0x4000  }
0x54: {  	[sflag:s29] =	ssyncset.done $0x0  }
0x55: {  	[sflag:s29] =	ssyncadd.s32 $0xFFFFC000  }
0x56: {  	_ =	swait.ge [sflag:s29], $0x4000  }
0x57: {  	[sflag:s29] =	ssyncset.done $0x0  }
0x58: {  	[sflag:s29] =	ssyncadd.s32 $0xFFFFC000  }
0x59: {  	_ =	swait.ge [sflag:s29], $0x4000  }
0x5a: {  	[sflag:s29] =	ssyncset.done $0x0  }
0x5b: {  	[sflag:s29] =	ssyncadd.s32 $0xFFFFC000  }
0x5c: {  	_ =	swait.ge [sflag:s29], $0x4000  }
0x5d: {  	[sflag:s29] =	ssyncset.done $0x0  }
0x5e: {  	[sflag:s29] =	ssyncadd.s32 $0xFFFFC000  }
0x5f: {  	_ =	swait.ge [sflag:s29], $0x4000  }
0x60: {  	[sflag:s29] =	ssyncset.done $0x0  }
0x61: {  	[sflag:s29] =	ssyncadd.s32 $0xFFFFC000  }
0x62: {  	_ =	swait.ge [sflag:s29], $0x4000  }
0x63: {  	[sflag:s29] =	ssyncset.done $0x0  }
0x64: {  	[sflag:s29] =	ssyncadd.s32 $0xFFFFC000  }
0x65: {  	_ =	swait.ge [sflag:s29], $0x4000  }
0x66: {  	[sflag:s29] =	ssyncset.done $0x0  }
0x67: {  	[sflag:s29] =	ssyncadd.s32 $0xFFFFC000  }
0x68: {  	_ =	swait.ge [sflag:s29], $0x4000  }
0x69: {  	[sflag:s29] =	ssyncset.done $0x0  }
0x6a: {  	[sflag:s29] =	ssyncadd.s32 $0xFFFFC000  }
0x6b: {  	_ =	swait.ge [sflag:s29], $0x4000  }
0x6c: {  	[sflag:s29] =	ssyncset.done $0x0  }
0x6d: {  	[sflag:s29] =	ssyncadd.s32 $0xFFFFC000  }
0x6e: {  	_ =	swait.ge [sflag:s29], $0x4000  }
0x6f: {  	s31 =	simm.s32 $0x100;
	s0 =	simm.s32 $0x200;
	[sflag:s29] =	ssyncset.done $0x0  }
.LBB2_2:
0x70: {  	s4 =	sadd.s32 s31, s8  }
0x71: {  	[sflag:s29] =	ssyncadd.s32 $0xFFFFC000;
	s31 =	smov.u32 s0;
	s1 =	sadd.s32 $0x100, s0  }
0x72: {  	[tilespmem:s3], [sflag:$0x2] =	stream.linear.gather [hbm4b:s4+s3], $0x800, $0x38;
	[tilespmem:$0x18800] =	vst v63  }
0x73: {  	p1 =	sne.s32 s0, $0x400;
	_ =	swait.ge [sflag:s10], $0x800  }
0x74: {  	[sflag:s10] =	ssyncset.done $0x0  }
0x75: {  	[sflag:s10] =	ssyncadd.s32 $0xFFFFF800  }
0x76: {  	[spmem:s2] =	stream.indirect.scatter.add.f32 [tilespmem:s9], [sflag:$0x1], $0x80, s3, s12, $0xb8;
	[tilespmem:$0x18800] =	vst v63  }
0x77: {  	_ = 	snop  }
0x78: {  	[spmem:s2] =	stream.indirect.scatter.add.f32 [tilespmem:s9], [sflag:$0x1], $0x80, s12, s12, $0xb8;
	[tilespmem:$0x18800] =	vst v63  }
0x79: {  	_ = 	snop  }
0x7a: {  	[spmem:s2] =	stream.indirect.scatter.add.f32 [tilespmem:s9], [sflag:$0x1], $0x80, s13, s12, $0xb8;
	[tilespmem:$0x18800] =	vst v63  }
0x7b: {  	_ = 	snop  }
0x7c: {  	[spmem:s2] =	stream.indirect.scatter.add.f32 [tilespmem:s9], [sflag:$0x1], $0x80, s14, s12, $0xb8;
	[tilespmem:$0x18800] =	vst v63  }
0x7d: {  	_ = 	snop  }
0x7e: {  	[spmem:s2] =	stream.indirect.scatter.add.f32 [tilespmem:s9], [sflag:$0x1], $0x80, s15, s12, $0xb8;
	[tilespmem:$0x18800] =	vst v63  }
0x7f: {  	_ = 	snop  }
0x80: {  	[spmem:s2] =	stream.indirect.scatter.add.f32 [tilespmem:s9], [sflag:$0x1], $0x80, s16, s12, $0xb8;
	[tilespmem:$0x18800] =	vst v63  }
0x81: {  	_ = 	snop  }
0x82: {  	[spmem:s2] =	stream.indirect.scatter.add.f32 [tilespmem:s9], [sflag:$0x1], $0x80, s17, s12, $0xb8;
	[tilespmem:$0x18800] =	vst v63  }
0x83: {  	_ = 	snop  }
0x84: {  	[spmem:s2] =	stream.indirect.scatter.add.f32 [tilespmem:s9], [sflag:$0x1], $0x80, s18, s12, $0xb8;
	[tilespmem:$0x18800] =	vst v63  }
0x85: {  	_ = 	snop  }
0x86: {  	[spmem:s2] =	stream.indirect.scatter.add.f32 [tilespmem:s9], [sflag:$0x1], $0x80, s19, s12, $0xb8;
	[tilespmem:$0x18800] =	vst v63  }
0x87: {  	_ = 	snop  }
0x88: {  	[spmem:s2] =	stream.indirect.scatter.add.f32 [tilespmem:s9], [sflag:$0x1], $0x80, s20, s12, $0xb8;
	[tilespmem:$0x18800] =	vst v63  }
0x89: {  	_ = 	snop  }
0x8a: {  	[spmem:s2] =	stream.indirect.scatter.add.f32 [tilespmem:s9], [sflag:$0x1], $0x80, s21, s12, $0xb8;
	[tilespmem:$0x18800] =	vst v63  }
0x8b: {  	_ = 	snop  }
0x8c: {  	[spmem:s2] =	stream.indirect.scatter.add.f32 [tilespmem:s9], [sflag:$0x1], $0x80, s22, s12, $0xb8;
	[tilespmem:$0x18800] =	vst v63  }
0x8d: {  	_ = 	snop  }
0x8e: {  	[spmem:s2] =	stream.indirect.scatter.add.f32 [tilespmem:s9], [sflag:$0x1], $0x80, s23, s12, $0xb8;
	[tilespmem:$0x18800] =	vst v63  }
0x8f: {  	_ = 	snop  }
0x90: {  	[spmem:s2] =	stream.indirect.scatter.add.f32 [tilespmem:s9], [sflag:$0x1], $0x80, s24, s12, $0xb8;
	[tilespmem:$0x18800] =	vst v63  }
0x91: {  	_ = 	snop  }
0x92: {  	[spmem:s2] =	stream.indirect.scatter.add.f32 [tilespmem:s9], [sflag:$0x1], $0x80, s26, s12, $0xb8;
	[tilespmem:$0x18800] =	vst v63  }
0x93: {  	_ = 	snop  }
0x94: {  	[spmem:s2] =	stream.indirect.scatter.add.f32 [tilespmem:s9], [sflag:$0x1], $0x80, s28, s12, $0xb8;
	[tilespmem:$0x18800] =	vst v63  }
0x95: {  	_ =	swait.ge [sflag:s29], $0x4000  }
0x96: {  	[sflag:s29] =	ssyncset.done $0x0  }
0x97: {  	[sflag:s29] =	ssyncadd.s32 $0xFFFFC000  }
0x98: {  	_ =	swait.ge [sflag:s29], $0x4000  }
0x99: {  	[sflag:s29] =	ssyncset.done $0x0  }
0x9a: {  	[sflag:s29] =	ssyncadd.s32 $0xFFFFC000  }
0x9b: {  	_ =	swait.ge [sflag:s29], $0x4000  }
0x9c: {  	[sflag:s29] =	ssyncset.done $0x0  }
0x9d: {  	[sflag:s29] =	ssyncadd.s32 $0xFFFFC000  }
0x9e: {  	_ =	swait.ge [sflag:s29], $0x4000  }
0x9f: {  	[sflag:s29] =	ssyncset.done $0x0  }
0xa0: {  	[sflag:s29] =	ssyncadd.s32 $0xFFFFC000  }
0xa1: {  	_ =	swait.ge [sflag:s29], $0x4000  }
0xa2: {  	[sflag:s29] =	ssyncset.done $0x0  }
0xa3: {  	[sflag:s29] =	ssyncadd.s32 $0xFFFFC000  }
0xa4: {  	_ =	swait.ge [sflag:s29], $0x4000  }
0xa5: {  	[sflag:s29] =	ssyncset.done $0x0  }
0xa6: {  	[sflag:s29] =	ssyncadd.s32 $0xFFFFC000  }
0xa7: {  	_ =	swait.ge [sflag:s29], $0x4000  }
0xa8: {  	[sflag:s29] =	ssyncset.done $0x0  }
0xa9: {  	[sflag:s29] =	ssyncadd.s32 $0xFFFFC000  }
0xaa: {  	_ =	swait.ge [sflag:s29], $0x4000  }
0xab: {  	[sflag:s29] =	ssyncset.done $0x0  }
0xac: {  	[sflag:s29] =	ssyncadd.s32 $0xFFFFC000  }
0xad: {  	_ =	swait.ge [sflag:s29], $0x4000  }
0xae: {  	[sflag:s29] =	ssyncset.done $0x0  }
0xaf: {  	[sflag:s29] =	ssyncadd.s32 $0xFFFFC000  }
0xb0: {  	_ =	swait.ge [sflag:s29], $0x4000  }
0xb1: {  	[sflag:s29] =	ssyncset.done $0x0  }
0xb2: {  	[sflag:s29] =	ssyncadd.s32 $0xFFFFC000  }
0xb3: {  	_ =	swait.ge [sflag:s29], $0x4000  }
0xb4: {  	[sflag:s29] =	ssyncset.done $0x0  }
0xb5: {  	[sflag:s29] =	ssyncadd.s32 $0xFFFFC000  }
0xb6: {  	_ =	swait.ge [sflag:s29], $0x4000  }
0xb7: {  	[sflag:s29] =	ssyncset.done $0x0  }
0xb8: {  	[sflag:s29] =	ssyncadd.s32 $0xFFFFC000  }
0xb9: {  	_ =	swait.ge [sflag:s29], $0x4000  }
0xba: {  	[sflag:s29] =	ssyncset.done $0x0  }
0xbb: {  	[sflag:s29] =	ssyncadd.s32 $0xFFFFC000  }
0xbc: {  	_ =	swait.ge [sflag:s29], $0x4000  }
0xbd: {  	[sflag:s29] =	ssyncset.done $0x0  }
0xbe: {  	[sflag:s29] =	ssyncadd.s32 $0xFFFFC000  }
.Ltmp0:
0xbf: {  	_ =	swait.ge [sflag:s29], $0x4000;
	(pc) =	sbr.rel @p1 .LBB2_2-.Ltmp0, $4  }
0xc0: {  	[sflag:s29] =	ssyncset.done $0x0  }
0xc1: {  	[sflag:s29] =	ssyncadd.s32 $0xFFFFC000  }
0xc2: {  	_ =	swait.ge [sflag:s29], $0x4000  }
0xc3: {  	s0 =	smov.u32 s1;
	[sflag:s29] =	ssyncset.done $0x0  }
0xc4: {  	s0 =	sadd.s32 s31, s8;
	[sflag:s29] =	ssyncadd.s32 $0xFFFFC000  }
0xc5: {  	[tilespmem:s3], [sflag:$0x2] =	stream.linear.gather [hbm4b:s0+s3], $0x800, $0x38;
	[tilespmem:$0x18800] =	vst v63  }
0xc6: {  	_ =	swait.ge [sflag:s10], $0x800  }
0xc7: {  	[sflag:s10] =	ssyncset.done $0x0  }
0xc8: {  	[sflag:s10] =	ssyncadd.s32 $0xFFFFF800  }
0xc9: {  	[spmem:s2] =	stream.indirect.scatter.add.f32 [tilespmem:s9], [sflag:$0x1], $0x80, s3, s12, $0xb8;
	[tilespmem:$0x18800] =	vst v63  }
0xca: {  	_ = 	snop  }
0xcb: {  	[spmem:s2] =	stream.indirect.scatter.add.f32 [tilespmem:s9], [sflag:$0x1], $0x80, s12, s12, $0xb8;
	[tilespmem:$0x18800] =	vst v63  }
0xcc: {  	_ = 	snop  }
0xcd: {  	[spmem:s2] =	stream.indirect.scatter.add.f32 [tilespmem:s9], [sflag:$0x1], $0x80, s13, s12, $0xb8;
	[tilespmem:$0x18800] =	vst v63  }
0xce: {  	_ = 	snop  }
0xcf: {  	[spmem:s2] =	stream.indirect.scatter.add.f32 [tilespmem:s9], [sflag:$0x1], $0x80, s14, s12, $0xb8;
	[tilespmem:$0x18800] =	vst v63  }
0xd0: {  	_ = 	snop  }
0xd1: {  	[spmem:s2] =	stream.indirect.scatter.add.f32 [tilespmem:s9], [sflag:$0x1], $0x80, s15, s12, $0xb8;
	[tilespmem:$0x18800] =	vst v63  }
0xd2: {  	_ = 	snop  }
0xd3: {  	[spmem:s2] =	stream.indirect.scatter.add.f32 [tilespmem:s9], [sflag:$0x1], $0x80, s16, s12, $0xb8;
	[tilespmem:$0x18800] =	vst v63  }
0xd4: {  	_ = 	snop  }
0xd5: {  	[spmem:s2] =	stream.indirect.scatter.add.f32 [tilespmem:s9], [sflag:$0x1], $0x80, s17, s12, $0xb8;
	[tilespmem:$0x18800] =	vst v63  }
0xd6: {  	_ = 	snop  }
0xd7: {  	[spmem:s2] =	stream.indirect.scatter.add.f32 [tilespmem:s9], [sflag:$0x1], $0x80, s18, s12, $0xb8;
	[tilespmem:$0x18800] =	vst v63  }
0xd8: {  	_ = 	snop  }
0xd9: {  	[spmem:s2] =	stream.indirect.scatter.add.f32 [tilespmem:s9], [sflag:$0x1], $0x80, s19, s12, $0xb8;
	[tilespmem:$0x18800] =	vst v63  }
0xda: {  	_ = 	snop  }
0xdb: {  	[spmem:s2] =	stream.indirect.scatter.add.f32 [tilespmem:s9], [sflag:$0x1], $0x80, s20, s12, $0xb8;
	[tilespmem:$0x18800] =	vst v63  }
0xdc: {  	_ = 	snop  }
0xdd: {  	[spmem:s2] =	stream.indirect.scatter.add.f32 [tilespmem:s9], [sflag:$0x1], $0x80, s21, s12, $0xb8;
	[tilespmem:$0x18800] =	vst v63  }
0xde: {  	_ = 	snop  }
0xdf: {  	[spmem:s2] =	stream.indirect.scatter.add.f32 [tilespmem:s9], [sflag:$0x1], $0x80, s22, s12, $0xb8;
	[tilespmem:$0x18800] =	vst v63  }
0xe0: {  	_ = 	snop  }
0xe1: {  	[spmem:s2] =	stream.indirect.scatter.add.f32 [tilespmem:s9], [sflag:$0x1], $0x80, s23, s12, $0xb8;
	[tilespmem:$0x18800] =	vst v63  }
0xe2: {  	_ = 	snop  }
0xe3: {  	[spmem:s2] =	stream.indirect.scatter.add.f32 [tilespmem:s9], [sflag:$0x1], $0x80, s24, s12, $0xb8;
	[tilespmem:$0x18800] =	vst v63  }
0xe4: {  	_ = 	snop  }
0xe5: {  	[spmem:s2] =	stream.indirect.scatter.add.f32 [tilespmem:s9], [sflag:$0x1], $0x80, s26, s12, $0xb8;
	[tilespmem:$0x18800] =	vst v63  }
0xe6: {  	_ = 	snop  }
0xe7: {  	[spmem:s2] =	stream.indirect.scatter.add.f32 [tilespmem:s9], [sflag:$0x1], $0x80, s28, s12, $0xb8;
	[tilespmem:$0x18800] =	vst v63  }
0xe8: {  	_ =	swait.ge [sflag:s29], $0x4000  }
0xe9: {  	[sflag:s29] =	ssyncset.done $0x0  }
0xea: {  	[sflag:s29] =	ssyncadd.s32 $0xFFFFC000  }
0xeb: {  	_ =	swait.ge [sflag:s29], $0x4000  }
0xec: {  	[sflag:s29] =	ssyncset.done $0x0  }
0xed: {  	[sflag:s29] =	ssyncadd.s32 $0xFFFFC000  }
0xee: {  	_ =	swait.ge [sflag:s29], $0x4000  }
0xef: {  	[sflag:s29] =	ssyncset.done $0x0  }
0xf0: {  	[sflag:s29] =	ssyncadd.s32 $0xFFFFC000  }
0xf1: {  	_ =	swait.ge [sflag:s29], $0x4000  }
0xf2: {  	[sflag:s29] =	ssyncset.done $0x0  }
0xf3: {  	[sflag:s29] =	ssyncadd.s32 $0xFFFFC000  }
0xf4: {  	_ =	swait.ge [sflag:s29], $0x4000  }
0xf5: {  	[sflag:s29] =	ssyncset.done $0x0  }
0xf6: {  	[sflag:s29] =	ssyncadd.s32 $0xFFFFC000  }
0xf7: {  	_ =	swait.ge [sflag:s29], $0x4000  }
0xf8: {  	[sflag:s29] =	ssyncset.done $0x0  }
0xf9: {  	[sflag:s29] =	ssyncadd.s32 $0xFFFFC000  }
0xfa: {  	_ =	swait.ge [sflag:s29], $0x4000  }
0xfb: {  	[sflag:s29] =	ssyncset.done $0x0  }
0xfc: {  	[sflag:s29] =	ssyncadd.s32 $0xFFFFC000  }
0xfd: {  	_ =	swait.ge [sflag:s29], $0x4000  }
0xfe: {  	[sflag:s29] =	ssyncset.done $0x0  }
0xff: {  	[sflag:s29] =	ssyncadd.s32 $0xFFFFC000  }
0x100: {  	_ =	swait.ge [sflag:s29], $0x4000  }
0x101: {  	[sflag:s29] =	ssyncset.done $0x0  }
0x102: {  	[sflag:s29] =	ssyncadd.s32 $0xFFFFC000  }
0x103: {  	_ =	swait.ge [sflag:s29], $0x4000  }
0x104: {  	[sflag:s29] =	ssyncset.done $0x0  }
0x105: {  	[sflag:s29] =	ssyncadd.s32 $0xFFFFC000  }
0x106: {  	_ =	swait.ge [sflag:s29], $0x4000  }
0x107: {  	[sflag:s29] =	ssyncset.done $0x0  }
0x108: {  	[sflag:s29] =	ssyncadd.s32 $0xFFFFC000  }
0x109: {  	_ =	swait.ge [sflag:s29], $0x4000  }
0x10a: {  	[sflag:s29] =	ssyncset.done $0x0  }
0x10b: {  	[sflag:s29] =	ssyncadd.s32 $0xFFFFC000  }
0x10c: {  	_ =	swait.ge [sflag:s29], $0x4000  }
0x10d: {  	[sflag:s29] =	ssyncset.done $0x0  }
0x10e: {  	[sflag:s29] =	ssyncadd.s32 $0xFFFFC000  }
0x10f: {  	_ =	swait.ge [sflag:s29], $0x4000  }
0x110: {  	[sflag:s29] =	ssyncset.done $0x0  }
0x111: {  	[sflag:s29] =	ssyncadd.s32 $0xFFFFC000  }
0x112: {  	_ =	swait.ge [sflag:s29], $0x4000  }
0x113: {  	[sflag:s29] =	ssyncset.done $0x0  }
0x114: {  	[sflag:s29] =	ssyncadd.s32 $0xFFFFC000  }
0x115: {  	_ =	swait.ge [sflag:s29], $0x4000  }
0x116: {  	s31 =	stileid.u32;
	s30 =	sadd.s32 $0x1, s30;
	[sflag:s29] =	ssyncset.done $0x0  }
0x117: {  	s0 =	sshll.u32 s31, $0x6;
	p1 =	sne.s32 s30, s7;
	[sflag:s29] =	ssyncadd.s32 $0xFFFFC000  }
.Ltmp1:
0x118: {  	s0 =	sor.u32 $0x1C02, s0;
	[bflag:$0x0] =	sbarrier.arrive $0xFFFF;
	(pc) =	sbr.rel @p1 .LBB2_1-.Ltmp1, $4  }
0x119: {  	[hbm:s6], [sflag:s0] =	dma.local [spmem:s25], $0x2800  }
0x11a: {  	_ =	swait.ge [sflag:s10], $0x2800  }
0x11b: {  	[sflag:s10] =	ssyncset.done $0x0  }
0x11c: {  	[sflag:s10] =	ssyncadd.s32 $0xFFFFD800  }
0x11d: {  	_ =	sfence.sel $0x180000  }
0x11e: {  	[bflag:$0x0] =	sbarrier.arrive $0xFFFF  }
0x11f: {  	_ =	strace $0x90000047  }
0x120: {  	[bflag:$0x2] =	sbarrier.arrive $0xFFFF  }
0x121: {  	s0 =	rddreg [dreg:$0x2]  }
0x122: {  	s0 =	sadd.s32 @!p0 $0x100000, s0  }
0x123: {  	[sflag:s0] =	ssyncadd.tile.s32 @!p0 $0x1;
	_ =	shalt  }
.Lfunc_end2:
_tile_overlayer_lowered:
.L_overlay_start_2:
0x124: {  	(tag) =	ssettag $0x2  }
0x125: {  	s0 =	rddreg [dreg:$0x0];
	s2 =	stileid.u32  }
0x126: {  	s1 =	rddreg [dreg:$0x1];
	p0 =	sne.s32 s2, $0x0  }
0x127: {  	s3 =	rddreg [dreg:$0x2];
	[bflag:$0x3] =	sbarrier.arrive $0xFFFF;
	s2 =	simm.s32 @!p0 $0x1C02  }
0x128: {  	[timem:s3], [sflag:s2] =	dma.local @!p0 [hbm:s0], s1  }
0x129: {  	s0 =	simm.s32 @!p0 $0x2  }
0x12a: {  	_ =	swait.ge @!p0 [sflag:s0], s1  }
0x12b: {  	s1 =	ssub.s32 @!p0 $0x0, s1;
	[sflag:s0] =	ssyncset.done @!p0 $0x0  }
0x12c: {  	[sflag:s0] =	ssyncadd.s32 @!p0 s1  }
0x12d: {  	[bflag:$0x3] =	sbarrier.arrive $0xFFFF  }
0x12e: {  	_ =	shalt  }

// kernel: kernel.14.cloned.1.call-start
scs
__scs_entry_jumppad:
0x0: {  	(pc) =	sbr.rel $0x88, $3  }
0x1: {  	(tag) =	ssettag $0x0;
	lr =	simm.s32 $0x1  }
0x2: {  	[smem:$0x3F8B] =	sst lr;
	_ =	strace $0xD0000000  }
0x3: {  	_ = 	snop  }
0x4: {  	_ = 	snop  }
0x5: {  	_ = 	snop  }
0x6: {  	_ = 	snop  }
0x7: {  	_ = 	snop  }
__scs_overlays_trampoline_lowered:
0x8: {  	[smem:$0x3F9A] =	sst s0  }
0x9: {  	[smem:$0x3F9B] =	sst s1  }
0xa: {  	[smem:$0x3F9C] =	sst s2  }
0xb: {  	[smem:$0x3F9D] =	sst s3  }
0xc: {  	[smem:$0x3F9E] =	sst s4  }
0xd: {  	[smem:$0x3F9F] =	sst s5  }
0xe: {  	[smem:$0x3FA0] =	sst s6  }
0xf: {  	[smem:$0x3FA1] =	sst s7  }
0x10: {  	[smem:$0x3FA2] =	sst s8  }
0x11: {  	[smem:$0x3FA3] =	sst s9;
	s0 =	simm.s32 @!p0 $0x0  }
0x12: {  	s1 =	sld [smem:$0x3F89];
	s0 =	simm.s32 @p0 $0x1  }
0x13: {  	[smem:$0x3FA4] =	sst s0;
	s0 =	simm.s32 @!p1 $0x0  }
0x14: {  	s2 =	sld [smem:$0x3F88];
	s0 =	simm.s32 @p1 $0x1  }
0x15: {  	[smem:$0x3FA5] =	sst s0;
	s0 =	simm.s32 @!p2 $0x0  }
0x16: {  	s3 =	sld [smem:$0x3FDB];
	s0 =	simm.s32 @p2 $0x1  }
0x17: {  	s4 =	simm.s32 $0x1BF5;
	[smem:$0x3FA7] =	sst s0  }
0x18: {  	s0 =	sld [smem:$0x3F8A];
	_ =	swait.ge [sflag:s4], $0x0  }
0x19: {  	s7 =	sld [smem:$0x3F8B]  }
0x1a: {  	s8 =	sadd.s32 $0xFFFFE003, lr  }
0x1b: {  	s9 =	sadd.s32 $0xFFFFFEF7, lr;
	s5 =	simm.s32 $0xFFFFFFFF;
	p2 =	slt.u32 s8, $0xFFFFF086  }
0x1c: {  	p1 =	slt.u32 s9, $0xF7A;
	s5 =	simm.s32 @!p2 $0x0  }
0x1d: {  	s5 =	simm.s32 @p1 $0x1;
	p0 =	seq.s32 s7, s2  }
0x1e: {  	s7 =	smul.u32 @!p0 $0xF7A, s2;
	p2 =	seq.s32 @!p0 s5, $0x0  }
0x1f: {  	s9 =	smul.u32 $0xF7A, s1;
	s8 =	simm.s32 @!p0 $0x1BF5;
	p2 =	por !p2, p0  }
0x20: {  	[sflag:s8] =	ssyncset.s32 @!p0 $0xFFFFF086;
	s6 =	sadd.s32 @!p0 s3, s7;
	s7 =	simm.s32 @!p0 $0x108  }
0x21: {  	s3 =	sadd.s32 s3, s9;
	s6 =	sadd.s32 @!p0 $0x88, s6;
	s7 =	simm.s32 @p2 $0x1082  }
0x22: {  	[simem:s7], [sflag:s8] =	dma.local @!p0 [hbm:s6], $0xF7A  }
0x23: {  	s9 =	sor.u32 $0xD0000000, s2;
	s6 =	simm.s32 $0x108;
	_ =	swait.ge @!p0 [sflag:s8], $0x0  }
0x24: {  	s3 =	sadd.s32 $0x88, s3;
	s6 =	simm.s32 @!p1 $0x1082;
	[sflag:s4] =	ssyncset.s32 $0xFFFFF086  }
0x25: {  	[simem:s6], [sflag:s4] =	dma.local [hbm:s3], $0xF7A  }
0x26: {  	[smem:$0x3F8B] =	sst s1;
	(tag) =	ssettag s2;
	_ =	strace s9  }
0x27: {  	s1 =	sld [smem:$0x3F9B]  }
0x28: {  	s2 =	sld [smem:$0x3F9C]  }
0x29: {  	s4 =	sld [smem:$0x3F9E]  }
0x2a: {  	p0 =	seq.s32 s5, $0x0;
	s5 =	sld [smem:$0x3F9F]  }
0x2b: {  	s6 =	sld [smem:$0x3FA0]  }
0x2c: {  	s7 =	sld [smem:$0x3FA1]  }
0x2d: {  	s3 =	simm.s32 $0x108;
	s8 =	sld [smem:$0x3FA2]  }
0x2e: {  	s3 =	simm.s32 @!p0 $0x1082;
	s9 =	sld [smem:$0x3FA3]  }
0x2f: {  	lr =	sadd.s32 s0, s3;
	s0 =	sld [smem:$0x3F9A]  }
0x30: {  	s3 =	sld [smem:$0x3F9D]  }
0x31: {  	[smem:$0x3FA6] =	sst s10  }
0x32: {  	s10 =	sld [smem:$0x3FA4];
	_ =	sdelay $0x3  }
0x33: {  	p0 =	seq.s32 s10, $0x1;
	s10 =	sld [smem:$0x3FA6];
	_ =	sdelay $0x3  }
0x34: {  	[smem:$0x3FA6] =	sst s10  }
0x35: {  	s10 =	sld [smem:$0x3FA5];
	_ =	sdelay $0x3  }
0x36: {  	p1 =	seq.s32 s10, $0x1;
	s10 =	sld [smem:$0x3FA6];
	_ =	sdelay $0x3  }
0x37: {  	[smem:$0x3FA6] =	sst s10  }
0x38: {  	s10 =	sld [smem:$0x3FA7]  }
0x39: {  	_ = 	snop;
	(pc) =	sbr.ind lr, $3  }
0x3a: {  	_ = 	snop  }
0x3b: {  	_ = 	snop  }
0x3c: {  	p2 =	seq.s32 s10, $0x1;
	s10 =	sld [smem:$0x3FA6]  }
0x3d: {  	_ =	shalt  }
0x3e: {  	_ =	shalt  }
0x3f: {  	_ =	shalt  }
0x40: {  	_ =	shalt  }
0x41: {  	_ =	shalt  }
0x42: {  	_ =	shalt  }
0x43: {  	_ =	shalt  }
0x44: {  	_ =	shalt  }
0x45: {  	_ =	shalt  }
0x46: {  	_ =	shalt  }
0x47: {  	_ =	shalt  }
0x48: {  	_ =	shalt  }
0x49: {  	_ =	shalt  }
0x4a: {  	_ =	shalt  }
0x4b: {  	_ =	shalt  }
0x4c: {  	_ =	shalt  }
0x4d: {  	_ =	shalt  }
0x4e: {  	_ =	shalt  }
0x4f: {  	_ =	shalt  }
0x50: {  	_ =	shalt  }
0x51: {  	_ =	shalt  }
0x52: {  	_ =	shalt  }
0x53: {  	_ =	shalt  }
0x54: {  	_ =	shalt  }
0x55: {  	_ =	shalt  }
0x56: {  	_ =	shalt  }
0x57: {  	_ =	shalt  }
0x58: {  	_ =	shalt  }
0x59: {  	_ =	shalt  }
0x5a: {  	_ =	shalt  }
0x5b: {  	_ =	shalt  }
0x5c: {  	_ =	shalt  }
0x5d: {  	_ =	shalt  }
0x5e: {  	_ =	shalt  }
0x5f: {  	_ =	shalt  }
0x60: {  	_ =	shalt  }
0x61: {  	_ =	shalt  }
0x62: {  	_ =	shalt  }
0x63: {  	_ =	shalt  }
0x64: {  	_ =	shalt  }
0x65: {  	_ =	shalt  }
0x66: {  	_ =	shalt  }
0x67: {  	_ =	shalt  }
0x68: {  	_ =	shalt  }
0x69: {  	_ =	shalt  }
0x6a: {  	_ =	shalt  }
0x6b: {  	_ =	shalt  }
0x6c: {  	_ =	shalt  }
0x6d: {  	_ =	shalt  }
0x6e: {  	_ =	shalt  }
0x6f: {  	_ =	shalt  }
0x70: {  	_ =	shalt  }
0x71: {  	_ =	shalt  }
0x72: {  	_ =	shalt  }
0x73: {  	_ =	shalt  }
0x74: {  	_ =	shalt  }
0x75: {  	_ =	shalt  }
0x76: {  	_ =	shalt  }
0x77: {  	_ =	shalt  }
0x78: {  	_ =	shalt  }
0x79: {  	_ =	shalt  }
0x7a: {  	_ =	shalt  }
0x7b: {  	_ =	shalt  }
0x7c: {  	_ =	shalt  }
0x7d: {  	_ =	shalt  }
0x7e: {  	_ =	shalt  }
0x7f: {  	_ =	shalt  }
0x80: {  	_ =	shalt  }
0x81: {  	_ =	shalt  }
0x82: {  	_ =	shalt  }
0x83: {  	_ =	shalt  }
0x84: {  	_ =	shalt  }
0x85: {  	_ =	shalt  }
0x86: {  	_ =	shalt  }
0x87: {  	_ =	shalt  }
.Lfunc_end0:
.L_simem_size_0:
called_computation.1_lowered:
.L_overlay_start_0:
0x88: {  	s2 =	sld [smem:$0x3FD9]  }
0x89: {  	s3 =	sld [smem:$0x3FFE];
	_ =	sdelay $0x1  }
0x8a: {  	s1 =	srdreg.scid  }
0x8b: {  	s0 =	sand.u32 $0x1, s1  }
0x8c: {  	s16 =	sshll.u32 s0, $0xA;
	s2 =	sadd.s32 s3, s2  }
0x8d: {  	s2 =	sadd.s32 s2, s16  }
0x8e: {  	[smem:$0x3FB2] =	sst s2  }
0x8f: {  	_ = 	snop  }
0x90: {  	(tm) =	ssettm $0x1  }
0x91: {  	s17 =	sld [smem:$0x3FFB];
	_ =	sdelay $0x3  }
0x92: {  	_ =	strace s17  }
0x93: {  	s2 =	sld [smem:$0x3FFC];
	_ =	sdelay $0x3  }
0x94: {  	_ =	strace s2  }
0x95: {  	s2 =	sld [smem:$0x3FFD];
	_ =	sdelay $0x3  }
0x96: {  	_ =	strace s2  }
0x97: {  	_ =	strace $0x8FFFFFFF  }
0x98: {  	s18 =	sld [smem:$0x3FDB];
	_ =	sdelay $0x1  }
0x99: {  	s19 =	simm.s32 $_scs_section_size  }
0x9a: {  	s4 =	simm.s32 $_size__tile_overlayer_lowered;
	s5 =	simm.s32 $_tile_overlayer_lowered  }
0x9b: {  	s22 =	simm.s32 $0x1BFF;
	s21 =	sshll.u32 s5, $0x1;
	s2 =	sadd.s32 s19, s18  }
0x9c: {  	s6 =	simm.s32 $0x0;
	s20 =	sshll.u32 s4, $0x1;
	s4 =	sadd.s32 s21, s2  }
0x9d: {  	[timem:s6], [sflag:s22] =	dma.local [hbm:s4], s20  }
0x9e: {  	_ =	swait.ge [sflag:s22], s20  }
0x9f: {  	s3 =	ssub.s32 $0x0, s20;
	[sflag:s22] =	ssyncset.done $0x0  }
0xa0: {  	[sflag:s22] =	ssyncadd.s32 s3;
	_ =	sdelay $0x1  }
0xa1: {  	s23 =	simm.s32 $0x1B8B  }
0xa2: {  	_ =	swait.ge [sflag:s23], $0x1  }
0xa3: {  	[sflag:s23] =	ssyncset.done $0x0  }
0xa4: {  	s25 =	simm.s32 $0x1B8E;
	s24 =	sld [smem:$0x3FFE];
	[sflag:s23] =	ssyncadd.s32 $0xFFFFFFFF  }
0xa5: {  	s26 =	simm.s32 $execute0_lowered;
	[smem:$0x3FD2] =	sst s25  }
0xa6: {  	s4 =	sshll.u32 s26, $0x1;
	_ =	strace $0x80000049;
	[dreg:$0x1] =	wrdreg $0xFFFFFFFF  }
0xa7: {  	s28 =	simm.s32 $_size_execute0_lowered;
	s2 =	sadd.s32 s2, s4;
	[dreg:$0x0] =	wrdreg $0x0  }
0xa8: {  	s4 =	sshll.u32 s28, $0x1;
	[dreg:$0x2] =	wrdreg s2  }
0xa9: {  	[dreg:$0x3] =	wrdreg s4  }
0xaa: {  	[dreg:$0x4] =	wrdreg $0xC0  }
0xab: {  	_ =	task [dreg:s6], $0x5FFFF  }
0xac: {  	[dreg:$0x1] =	wrdreg $0xFFFFFFFF  }
0xad: {  	[dreg:$0x0] =	wrdreg $0x60  }
0xae: {  	[dreg:$0x2] =	wrdreg s24  }
0xaf: {  	[dreg:$0x3] =	wrdreg $0xB0000  }
0xb0: {  	[dreg:$0x4] =	wrdreg $0x9  }
0xb1: {  	_ =	task.clear_ibuf [dreg:s6], $0x5FFFF;
	_ =	strace $0x90000049  }
0xb2: {  	s29 =	simm.s32 $0x9;
	_ =	strace $0x8000004B  }
0xb3: {  	_ =	swait.ge [sflag:s29], $0x1  }
0xb4: {  	[sflag:s29] =	ssyncadd.s32 $0xFFFFFFFF  }
0xb5: {  	_ =	strace $0x9000004B  }
0xb6: {  	_ =	sfence  }
0xb7: {  	s30 =	sld [smem:$0x0];
	_ =	sdelay $0x2  }
0xb8: {  	s31 =	sshll.u32 s1, $0xD;
	s1 =	sshrl.u32 s1, $0x2  }
0xb9: {  	s3 =	sand.u32 $0x4000, s31;
	s1 =	sadd.s32 s1, s30  }
0xba: {  	s0 =	sor.u32 s3, s0;
	s1 =	sshll.u32 s1, $0x11  }
0xbb: {  	s0 =	sor.u32 s1, s0  }
0xbc: {  	s0 =	sadd.s32 $0x8F2B, s0  }
0xbd: {  	[sflag:s0] =	ssyncadd.remote.s32 $0x1  }
0xbe: {  	_ =	sfence.sel $0xFFFF  }
0xbf: {  	[dreg:$0x0] =	wrdreg $0xFFFFFFFF;
	(pc) =	sbr.abs _section_cstart, $3  }
0xc0: {  	[dreg:$0x1] =	wrdreg $0xFFFFFFFF  }
0xc1: {  	_ =	task.clear_ibuf [dreg:s6], $0x2FFFF;
	_ =	strace $0x9FFFFFFF  }
0xc2: {  	(tm) =	ssettm $0x7FFFFFFF  }
0xc3: {  	_ =	shalt  }
tec
execute0_lowered:
.L_overlay_start_1:
0x0: {  	(tag) =	ssettag $0x1  }
0x1: {  	s0 =	srdreg.scid;
	s5 =	rddreg [dreg:$0x0]  }
0x2: {  	s1 =	stileid.u32;
	s2 =	rddreg [dreg:$0x1];
	s3 =	simm.s32 $0x0  }
0x3: {  	s14 =	simm.s32 $0x3000;
	s15 =	simm.s32 $0x7000;
	s16 =	simm.s32 $0x2  }
0x4: {  	s17 =	simm.s32 $0x3;
	s18 =	simm.s32 $0x2880;
	s19 =	simm.s32 $0x100  }
0x5: {  	s20 =	simm.s32 $0x1;
	s21 =	simm.s32 $0x4;
	s7 =	smul.u32 $0x2800, s1  }
0x6: {  	s6 =	sand.u32 $0x1, s0;
	s0 =	rddreg [dreg:$0x2];
	s29 =	smul.u32 $0x14000, s1  }
0x7: {  	s23 =	simm.s32 $0x0;
	[smem:$0x7FF] =	sst s3;
	s12 =	smul.u32 $0x50000, s1  }
0x8: {  	s13 =	sadd.s32 $0xF000, s5;
	p0 =	sne.s32 s1, $0x0;
	s4 =	smul.u32 $0x28000, s6  }
0x9: {  	s8 =	smul.u32 $0x140000, s6;
	_ =	strace $0x8000004A;
	s6 =	ssub.s32 $0x2, s6  }
0xa: {  	s30 =	sshrl.u32 s6, $0x1;
	s31 =	sshrl.u32 s12, $0x2;
	s12 =	simm.s32 $0x2800  }
0xb: {  	s9 =	sadd.s32 s7, s4;
	s4 =	sadd.s32 $0x19000, s5;
	s7 =	sadd.s32 s29, s8  }
0xc: {  	s8 =	ssub.s32 s6, s30;
	s22 =	sadd.s32 s31, s2;
	s10 =	sshrl.u32 s9, $0x3  }
.Ltmp0:
0xd: {  	s7 =	sshrl.u32 s7, $0x3;
	s9 =	sor.u32 $0x100, s9;
	(pc) =	sbr.rel .LBB2_1-.Ltmp0, $4  }
0xe: {  	s8 =	smax.u32 s8, $0x1;
	s22 =	sshrl.u32 s22, $0x3;
	s11 =	sadd.s32 s10, s5  }
0xf: {  	s7 =	sadd.s32 s7, s5;
	s6 =	sadd.s32 s13, s10;
	s9 =	sshrl.u32 s9, $0x3  }
0x10: {  	s10 =	simm.s32 $0x5;
	s5 =	sadd.s32 $0x5000, s11;
	s7 =	sadd.s32 $0x91800, s7  }
0x11: {  	s9 =	sadd.s32 s9, s13;
	s11 =	sshrl.u32 @!p0 s2, $0x3;
	s13 =	simm.s32 $0x80  }
.LBB2_4:
0x12: {  	_ =	swait.ge [sflag:s21], $0x4000  }
0x13: {  	s23 =	sadd.s32 $0x1, s23;
	[sflag:s21] =	ssyncset.done $0x0  }
0x14: {  	s24 =	sshll.u32 s1, $0x6;
	p1 =	sne.s32 s23, s8;
	[sflag:s21] =	ssyncadd.s32 $0xFFFFC000  }
.Ltmp1:
0x15: {  	s24 =	sor.u32 $0x1C05, s24;
	[bflag:$0x0] =	sbarrier.arrive $0xFFFF;
	(pc) =	sbr.rel @!p1 .LBB2_5-.Ltmp1, $4  }
0x16: {  	[hbm:s7], [sflag:s24] =	dma.local [spmem:s22], $0x2800  }
0x17: {  	_ =	swait.ge [sflag:s10], $0x2800  }
0x18: {  	[sflag:s10] =	ssyncset.done $0x0  }
0x19: {  	[sflag:s10] =	ssyncadd.s32 $0xFFFFD800  }
.LBB2_1:
0x1a: {  	[tilespmem:s3], [sflag:$0x5] =	stream.linear.gather [hbm4b:s5+s3], $0x2800, $0x38;
	[tilespmem:$0x1F000] =	vst v63  }
0x1b: {  	_ =	swait.ge [sflag:s10], $0x2800  }
0x1c: {  	[sflag:s10] =	ssyncset.done $0x0  }
0x1d: {  	s24 =	simm.s32 @!p0 $0x1C05;
	[sflag:s10] =	ssyncadd.s32 $0xFFFFD800  }
0x1e: {  	[spmem:s11], [sflag:s24] =	dma.local @!p0 [hbm:s4], $0x28000  }
0x1f: {  	s24 =	simm.s32 @!p0 $0x5  }
0x20: {  	_ =	swait.ge @!p0 [sflag:s24], $0x28000  }
0x21: {  	[sflag:s24] =	ssyncset.done @!p0 $0x0  }
0x22: {  	[sflag:s24] =	ssyncadd.s32 @!p0 $0xFFFD8000  }
0x23: {  	[bflag:$0x0] =	sbarrier.arrive $0xFFFF  }
0x24: {  	[tilespmem:s12], [sflag:$0x5] =	stream.linear.gather [hbm4b:s6+s3], $0x800, $0x38;
	[tilespmem:$0x1F000] =	vst v63  }
0x25: {  	_ =	swait.ge [sflag:s10], $0x800  }
0x26: {  	[sflag:s10] =	ssyncset.done $0x0  }
0x27: {  	[sflag:s10] =	ssyncadd.s32 $0xFFFFF800  }
0x28: {  	[tilespmem:s14], [sflag:$0x1] =	stream.indirect.gather [hbm4b:s4+s13], $0x80, s3, s13, $0xb8;
	[tilespmem:$0x1F000] =	vst v63  }
0x29: {  	_ =	swait.ge [sflag:s20], $0x4000  }
0x2a: {  	[sflag:s20] =	ssyncset.done $0x0  }
0x2b: {  	[sflag:s20] =	ssyncadd.s32 $0xFFFFC000  }
0x2c: {  	[tilespmem:s12], [sflag:$0x5] =	stream.linear.gather [hbm4b:s6+s3], $0x800, $0x38;
	[tilespmem:$0x1F000] =	vst v63  }
0x2d: {  	_ =	swait.ge [sflag:s10], $0x800  }
0x2e: {  	[sflag:s10] =	ssyncset.done $0x0  }
0x2f: {  	[sflag:s10] =	ssyncadd.s32 $0xFFFFF800  }
0x30: {  	[spmem:s2] =	stream.indirect.scatter.add.f32 [tilespmem:s14], [sflag:$0x3], $0x80, s12, s13, $0xb8;
	[tilespmem:$0x1F000] =	vst v63  }
0x31: {  	_ = 	snop  }
0x32: {  	[tilespmem:s15], [sflag:$0x2] =	stream.indirect.gather [hbm4b:s4+s13], $0x80, s13, s13, $0xb8;
	[tilespmem:$0x1F000] =	vst v63  }
0x33: {  	_ =	swait.ge [sflag:s16], $0x4000  }
0x34: {  	[sflag:s16] =	ssyncset.done $0x0  }
0x35: {  	[sflag:s16] =	ssyncadd.s32 $0xFFFFC000  }
0x36: {  	_ =	swait.ge [sflag:s17], $0x4000  }
0x37: {  	[sflag:s17] =	ssyncset.done $0x0  }
0x38: {  	[sflag:s17] =	ssyncadd.s32 $0xFFFFC000  }
0x39: {  	[spmem:s2] =	stream.indirect.scatter.add.f32 [tilespmem:s15], [sflag:$0x4], $0x80, s18, s13, $0xb8;
	[tilespmem:$0x1F000] =	vst v63  }
0x3a: {  	s25 =	smov.u32 s9;
	s26 =	simm.s32 $0x1;
	s24 =	simm.s32 $0x800  }
0x3b: {  	[tilespmem:s14], [sflag:$0x1] =	stream.indirect.gather [hbm4b:s4+s13], $0x80, s19, s13, $0xb8;
	[tilespmem:$0x1F000] =	vst v63  }
.LBB2_2:
0x3c: {  	_ =	swait.ge [sflag:s20], $0x4000  }
0x3d: {  	[sflag:s20] =	ssyncset.done $0x0  }
0x3e: {  	[sflag:s20] =	ssyncadd.s32 $0xFFFFC000  }
0x3f: {  	s28 =	sand.u32 $0x7, s26;
	_ =	swait.ge [sflag:s21], $0x4000  }
0x40: {  	p1 =	sne.s32 s28, $0x0;
	[sflag:s21] =	ssyncset.done $0x0  }
0x41: {  	s28 =	simm.s32 @!p1 $0x0;
	s29 =	simm.s32 @!p1 $0x2800;
	[sflag:s21] =	ssyncadd.s32 $0xFFFFC000  }
0x42: {  	[tilespmem:s29], [sflag:$0x5] =	stream.linear.gather @!p1 [hbm4b:s25+s28], $0x800, $0x38;
	[tilespmem:$0x1F000] =	vst v63  }
0x43: {  	s28 =	sadd.s32 $0xFFFFFC00, s24;
	s29 =	simm.s32 @!p1 $0x5  }
0x44: {  	_ =	swait.ge @!p1 [sflag:s29], $0x800;
	s28 =	sand.u32 $0x1C00, s28  }
0x45: {  	[sflag:s29] =	ssyncset.done @!p1 $0x0;
	s28 =	sshrl.u32 s28, $0x2  }
0x46: {  	[sflag:s29] =	ssyncadd.s32 @!p1 $0xFFFFF800;
	s28 =	sor.u32 $0x2800, s28  }
0x47: {  	[spmem:s2] =	stream.indirect.scatter.add.f32 [tilespmem:s14], [sflag:$0x3], $0x80, s28, s13, $0xb8;
	[tilespmem:$0x1F000] =	vst v63  }
0x48: {  	s28 =	sshra.s32 s24, $0x2  }
0x49: {  	s30 =	sadd.s32 $0xFFFFFF80, s28  }
0x4a: {  	[tilespmem:s15], [sflag:$0x2] =	stream.indirect.gather [hbm4b:s4+s13], $0x80, s30, s13, $0xb8;
	[tilespmem:$0x1F000] =	vst v63  }
0x4b: {  	_ =	swait.ge [sflag:s16], $0x4000  }
0x4c: {  	p1 =	seq.s32 s26, $0x27;
	[sflag:s16] =	ssyncset.done $0x0  }
.Ltmp2:
0x4d: {  	s31 =	sadd.s32 $0xFFFFFE00, s24;
	[sflag:s16] =	ssyncadd.s32 $0xFFFFC000;
	(pc) =	sbr.rel @p1 .LBB2_4-.Ltmp2, $4  }
0x4e: {  	s29 =	sand.u32 $0x1E00, s31;
	_ =	swait.ge [sflag:s17], $0x4000  }
0x4f: {  	s29 =	sshrl.u32 s29, $0x2;
	[sflag:s17] =	ssyncset.done $0x0  }
0x50: {  	s29 =	sor.u32 $0x2800, s29;
	[sflag:s17] =	ssyncadd.s32 $0xFFFFC000  }
0x51: {  	[spmem:s2] =	stream.indirect.scatter.add.f32 [tilespmem:s15], [sflag:$0x4], $0x80, s29, s13, $0xb8;
	[tilespmem:$0x1F000] =	vst v63  }
.Ltmp3:
0x52: {  	(pc) =	sbr.rel .LBB2_2-.Ltmp3, $3  }
0x53: {  	_ =	sdelay $0x1  }
0x54: {  	[tilespmem:s14], [sflag:$0x1] =	stream.indirect.gather [hbm4b:s4+s13], $0x80, s28, s13, $0xb8;
	[tilespmem:$0x1F000] =	vst v63  }
0x55: {  	s26 =	sadd.s32 $0x1, s26;
	s25 =	sadd.s32 $0x20, s25;
	s24 =	sadd.s32 $0x400, s24  }
.LBB2_5:
0x56: {  	_ =	sfence.sel $0x180000  }
0x57: {  	[bflag:$0x0] =	sbarrier.arrive $0xFFFF  }
0x58: {  	_ =	strace $0x9000004A  }
0x59: {  	s0 =	sadd.s32 @!p0 $0x100000, s0;
	[bflag:$0x2] =	sbarrier.arrive $0xFFFF  }
0x5a: {  	[sflag:s0] =	ssyncadd.tile.s32 @!p0 $0x1;
	_ =	shalt  }
.Lfunc_end2:
_tile_overlayer_lowered:
.L_overlay_start_2:
0x5b: {  	(tag) =	ssettag $0x2  }
0x5c: {  	s0 =	rddreg [dreg:$0x0];
	s2 =	stileid.u32  }
0x5d: {  	s1 =	rddreg [dreg:$0x1];
	p0 =	sne.s32 s2, $0x0  }
0x5e: {  	s3 =	rddreg [dreg:$0x2];
	[bflag:$0x3] =	sbarrier.arrive $0xFFFF;
	s2 =	simm.s32 @!p0 $0x1C05  }
0x5f: {  	[timem:s3], [sflag:s2] =	dma.local @!p0 [hbm:s0], s1  }
0x60: {  	s0 =	simm.s32 @!p0 $0x5  }
0x61: {  	_ =	swait.ge @!p0 [sflag:s0], s1  }
0x62: {  	s1 =	ssub.s32 @!p0 $0x0, s1;
	[sflag:s0] =	ssyncset.done @!p0 $0x0  }
0x63: {  	[sflag:s0] =	ssyncadd.s32 @!p0 s1  }
0x64: {  	[bflag:$0x3] =	sbarrier.arrive $0xFFFF  }
0x65: {  	_ =	shalt  }

// kernel: kernel.17.cloned.1.call-start
scs
__scs_entry_jumppad:
0x0: {  	(pc) =	sbr.rel $0x88, $3  }
0x1: {  	(tag) =	ssettag $0x0;
	lr =	simm.s32 $0x1  }
0x2: {  	[smem:$0x3F8B] =	sst lr;
	_ =	strace $0xD0000000  }
0x3: {  	_ = 	snop  }
0x4: {  	_ = 	snop  }
0x5: {  	_ = 	snop  }
0x6: {  	_ = 	snop  }
0x7: {  	_ = 	snop  }
__scs_overlays_trampoline_lowered:
0x8: {  	[smem:$0x3F9A] =	sst s0  }
0x9: {  	[smem:$0x3F9B] =	sst s1  }
0xa: {  	[smem:$0x3F9C] =	sst s2  }
0xb: {  	[smem:$0x3F9D] =	sst s3  }
0xc: {  	[smem:$0x3F9E] =	sst s4  }
0xd: {  	[smem:$0x3F9F] =	sst s5  }
0xe: {  	[smem:$0x3FA0] =	sst s6  }
0xf: {  	[smem:$0x3FA1] =	sst s7  }
0x10: {  	[smem:$0x3FA2] =	sst s8  }
0x11: {  	[smem:$0x3FA3] =	sst s9;
	s0 =	simm.s32 @!p0 $0x0  }
0x12: {  	s1 =	sld [smem:$0x3F89];
	s0 =	simm.s32 @p0 $0x1  }
0x13: {  	[smem:$0x3FA4] =	sst s0;
	s0 =	simm.s32 @!p1 $0x0  }
0x14: {  	s2 =	sld [smem:$0x3F88];
	s0 =	simm.s32 @p1 $0x1  }
0x15: {  	[smem:$0x3FA5] =	sst s0;
	s0 =	simm.s32 @!p2 $0x0  }
0x16: {  	s3 =	sld [smem:$0x3FDB];
	s0 =	simm.s32 @p2 $0x1  }
0x17: {  	s4 =	simm.s32 $0x1BF5;
	[smem:$0x3FA7] =	sst s0  }
0x18: {  	s0 =	sld [smem:$0x3F8A];
	_ =	swait.ge [sflag:s4], $0x0  }
0x19: {  	s7 =	sld [smem:$0x3F8B]  }
0x1a: {  	s8 =	sadd.s32 $0xFFFFE003, lr  }
0x1b: {  	s9 =	sadd.s32 $0xFFFFFEF7, lr;
	s5 =	simm.s32 $0xFFFFFFFF;
	p2 =	slt.u32 s8, $0xFFFFF086  }
0x1c: {  	p1 =	slt.u32 s9, $0xF7A;
	s5 =	simm.s32 @!p2 $0x0  }
0x1d: {  	s5 =	simm.s32 @p1 $0x1;
	p0 =	seq.s32 s7, s2  }
0x1e: {  	s7 =	smul.u32 @!p0 $0xF7A, s2;
	p2 =	seq.s32 @!p0 s5, $0x0  }
0x1f: {  	s9 =	smul.u32 $0xF7A, s1;
	s8 =	simm.s32 @!p0 $0x1BF5;
	p2 =	por !p2, p0  }
0x20: {  	[sflag:s8] =	ssyncset.s32 @!p0 $0xFFFFF086;
	s6 =	sadd.s32 @!p0 s3, s7;
	s7 =	simm.s32 @!p0 $0x108  }
0x21: {  	s3 =	sadd.s32 s3, s9;
	s6 =	sadd.s32 @!p0 $0x88, s6;
	s7 =	simm.s32 @p2 $0x1082  }
0x22: {  	[simem:s7], [sflag:s8] =	dma.local @!p0 [hbm:s6], $0xF7A  }
0x23: {  	s9 =	sor.u32 $0xD0000000, s2;
	s6 =	simm.s32 $0x108;
	_ =	swait.ge @!p0 [sflag:s8], $0x0  }
0x24: {  	s3 =	sadd.s32 $0x88, s3;
	s6 =	simm.s32 @!p1 $0x1082;
	[sflag:s4] =	ssyncset.s32 $0xFFFFF086  }
0x25: {  	[simem:s6], [sflag:s4] =	dma.local [hbm:s3], $0xF7A  }
0x26: {  	[smem:$0x3F8B] =	sst s1;
	(tag) =	ssettag s2;
	_ =	strace s9  }
0x27: {  	s1 =	sld [smem:$0x3F9B]  }
0x28: {  	s2 =	sld [smem:$0x3F9C]  }
0x29: {  	s4 =	sld [smem:$0x3F9E]  }
0x2a: {  	p0 =	seq.s32 s5, $0x0;
	s5 =	sld [smem:$0x3F9F]  }
0x2b: {  	s6 =	sld [smem:$0x3FA0]  }
0x2c: {  	s7 =	sld [smem:$0x3FA1]  }
0x2d: {  	s3 =	simm.s32 $0x108;
	s8 =	sld [smem:$0x3FA2]  }
0x2e: {  	s3 =	simm.s32 @!p0 $0x1082;
	s9 =	sld [smem:$0x3FA3]  }
0x2f: {  	lr =	sadd.s32 s0, s3;
	s0 =	sld [smem:$0x3F9A]  }
0x30: {  	s3 =	sld [smem:$0x3F9D]  }
0x31: {  	[smem:$0x3FA6] =	sst s10  }
0x32: {  	s10 =	sld [smem:$0x3FA4];
	_ =	sdelay $0x3  }
0x33: {  	p0 =	seq.s32 s10, $0x1;
	s10 =	sld [smem:$0x3FA6];
	_ =	sdelay $0x3  }
0x34: {  	[smem:$0x3FA6] =	sst s10  }
0x35: {  	s10 =	sld [smem:$0x3FA5];
	_ =	sdelay $0x3  }
0x36: {  	p1 =	seq.s32 s10, $0x1;
	s10 =	sld [smem:$0x3FA6];
	_ =	sdelay $0x3  }
0x37: {  	[smem:$0x3FA6] =	sst s10  }
0x38: {  	s10 =	sld [smem:$0x3FA7]  }
0x39: {  	_ = 	snop;
	(pc) =	sbr.ind lr, $3  }
0x3a: {  	_ = 	snop  }
0x3b: {  	_ = 	snop  }
0x3c: {  	p2 =	seq.s32 s10, $0x1;
	s10 =	sld [smem:$0x3FA6]  }
0x3d: {  	_ =	shalt  }
0x3e: {  	_ =	shalt  }
0x3f: {  	_ =	shalt  }
0x40: {  	_ =	shalt  }
0x41: {  	_ =	shalt  }
0x42: {  	_ =	shalt  }
0x43: {  	_ =	shalt  }
0x44: {  	_ =	shalt  }
0x45: {  	_ =	shalt  }
0x46: {  	_ =	shalt  }
0x47: {  	_ =	shalt  }
0x48: {  	_ =	shalt  }
0x49: {  	_ =	shalt  }
0x4a: {  	_ =	shalt  }
0x4b: {  	_ =	shalt  }
0x4c: {  	_ =	shalt  }
0x4d: {  	_ =	shalt  }
0x4e: {  	_ =	shalt  }
0x4f: {  	_ =	shalt  }
0x50: {  	_ =	shalt  }
0x51: {  	_ =	shalt  }
0x52: {  	_ =	shalt  }
0x53: {  	_ =	shalt  }
0x54: {  	_ =	shalt  }
0x55: {  	_ =	shalt  }
0x56: {  	_ =	shalt  }
0x57: {  	_ =	shalt  }
0x58: {  	_ =	shalt  }
0x59: {  	_ =	shalt  }
0x5a: {  	_ =	shalt  }
0x5b: {  	_ =	shalt  }
0x5c: {  	_ =	shalt  }
0x5d: {  	_ =	shalt  }
0x5e: {  	_ =	shalt  }
0x5f: {  	_ =	shalt  }
0x60: {  	_ =	shalt  }
0x61: {  	_ =	shalt  }
0x62: {  	_ =	shalt  }
0x63: {  	_ =	shalt  }
0x64: {  	_ =	shalt  }
0x65: {  	_ =	shalt  }
0x66: {  	_ =	shalt  }
0x67: {  	_ =	shalt  }
0x68: {  	_ =	shalt  }
0x69: {  	_ =	shalt  }
0x6a: {  	_ =	shalt  }
0x6b: {  	_ =	shalt  }
0x6c: {  	_ =	shalt  }
0x6d: {  	_ =	shalt  }
0x6e: {  	_ =	shalt  }
0x6f: {  	_ =	shalt  }
0x70: {  	_ =	shalt  }
0x71: {  	_ =	shalt  }
0x72: {  	_ =	shalt  }
0x73: {  	_ =	shalt  }
0x74: {  	_ =	shalt  }
0x75: {  	_ =	shalt  }
0x76: {  	_ =	shalt  }
0x77: {  	_ =	shalt  }
0x78: {  	_ =	shalt  }
0x79: {  	_ =	shalt  }
0x7a: {  	_ =	shalt  }
0x7b: {  	_ =	shalt  }
0x7c: {  	_ =	shalt  }
0x7d: {  	_ =	shalt  }
0x7e: {  	_ =	shalt  }
0x7f: {  	_ =	shalt  }
0x80: {  	_ =	shalt  }
0x81: {  	_ =	shalt  }
0x82: {  	_ =	shalt  }
0x83: {  	_ =	shalt  }
0x84: {  	_ =	shalt  }
0x85: {  	_ =	shalt  }
0x86: {  	_ =	shalt  }
0x87: {  	_ =	shalt  }
.Lfunc_end0:
.L_simem_size_0:
called_computation.2_lowered:
.L_overlay_start_0:
0x88: {  	s2 =	sld [smem:$0x3FD9]  }
0x89: {  	s3 =	sld [smem:$0x3FFE];
	_ =	sdelay $0x1  }
0x8a: {  	s1 =	srdreg.scid  }
0x8b: {  	s0 =	sand.u32 $0x1, s1  }
0x8c: {  	s16 =	sshll.u32 s0, $0xA;
	s2 =	sadd.s32 s3, s2  }
0x8d: {  	s2 =	sadd.s32 s2, s16  }
0x8e: {  	[smem:$0x3FB2] =	sst s2  }
0x8f: {  	_ = 	snop  }
0x90: {  	(tm) =	ssettm $0x1  }
0x91: {  	s17 =	sld [smem:$0x3FFB];
	_ =	sdelay $0x3  }
0x92: {  	_ =	strace s17  }
0x93: {  	s2 =	sld [smem:$0x3FFC];
	_ =	sdelay $0x3  }
0x94: {  	_ =	strace s2  }
0x95: {  	s2 =	sld [smem:$0x3FFD];
	_ =	sdelay $0x3  }
0x96: {  	_ =	strace s2  }
0x97: {  	_ =	strace $0x8FFFFFFF  }
0x98: {  	s18 =	sld [smem:$0x3FDB];
	_ =	sdelay $0x1  }
0x99: {  	s19 =	simm.s32 $_scs_section_size  }
0x9a: {  	s4 =	simm.s32 $_size__tile_overlayer_lowered;
	s5 =	simm.s32 $_tile_overlayer_lowered  }
0x9b: {  	s22 =	simm.s32 $0x1BFF;
	s21 =	sshll.u32 s5, $0x1;
	s2 =	sadd.s32 s19, s18  }
0x9c: {  	s6 =	simm.s32 $0x0;
	s20 =	sshll.u32 s4, $0x1;
	s4 =	sadd.s32 s21, s2  }
0x9d: {  	[timem:s6], [sflag:s22] =	dma.local [hbm:s4], s20  }
0x9e: {  	_ =	swait.ge [sflag:s22], s20  }
0x9f: {  	s3 =	ssub.s32 $0x0, s20;
	[sflag:s22] =	ssyncset.done $0x0  }
0xa0: {  	[sflag:s22] =	ssyncadd.s32 s3;
	_ =	sdelay $0x1  }
0xa1: {  	s23 =	simm.s32 $0x1B8B  }
0xa2: {  	_ =	swait.ge [sflag:s23], $0x1  }
0xa3: {  	[sflag:s23] =	ssyncset.done $0x0  }
0xa4: {  	s25 =	simm.s32 $0x1B8E;
	s24 =	sld [smem:$0x3FFE];
	[sflag:s23] =	ssyncadd.s32 $0xFFFFFFFF  }
0xa5: {  	s26 =	simm.s32 $execute0_lowered;
	[smem:$0x3FD2] =	sst s25  }
0xa6: {  	s4 =	sshll.u32 s26, $0x1;
	_ =	strace $0x8000004C;
	[dreg:$0x1] =	wrdreg $0xFFFFFFFF  }
0xa7: {  	s28 =	simm.s32 $_size_execute0_lowered;
	s2 =	sadd.s32 s2, s4;
	[dreg:$0x0] =	wrdreg $0x0  }
0xa8: {  	s4 =	sshll.u32 s28, $0x1;
	[dreg:$0x2] =	wrdreg s2  }
0xa9: {  	[dreg:$0x3] =	wrdreg s4  }
0xaa: {  	[dreg:$0x4] =	wrdreg $0xC0  }
0xab: {  	_ =	task [dreg:s6], $0x5FFFF  }
0xac: {  	[dreg:$0x1] =	wrdreg $0xFFFFFFFF  }
0xad: {  	[dreg:$0x0] =	wrdreg $0x60  }
0xae: {  	[dreg:$0x2] =	wrdreg s24  }
0xaf: {  	[dreg:$0x3] =	wrdreg $0xB0000  }
0xb0: {  	[dreg:$0x4] =	wrdreg $0x9  }
0xb1: {  	_ =	task.clear_ibuf [dreg:s6], $0x5FFFF;
	_ =	strace $0x9000004C  }
0xb2: {  	s29 =	simm.s32 $0x9;
	_ =	strace $0x8000004E  }
0xb3: {  	_ =	swait.ge [sflag:s29], $0x1  }
0xb4: {  	[sflag:s29] =	ssyncadd.s32 $0xFFFFFFFF  }
0xb5: {  	_ =	strace $0x9000004E  }
0xb6: {  	_ =	sfence  }
0xb7: {  	s30 =	sld [smem:$0x0];
	_ =	sdelay $0x2  }
0xb8: {  	s31 =	sshll.u32 s1, $0xD;
	s1 =	sshrl.u32 s1, $0x2  }
0xb9: {  	s3 =	sand.u32 $0x4000, s31;
	s1 =	sadd.s32 s1, s30  }
0xba: {  	s0 =	sor.u32 s3, s0;
	s1 =	sshll.u32 s1, $0x11  }
0xbb: {  	s0 =	sor.u32 s1, s0  }
0xbc: {  	s0 =	sadd.s32 $0x8F2B, s0  }
0xbd: {  	[sflag:s0] =	ssyncadd.remote.s32 $0x1  }
0xbe: {  	_ =	sfence.sel $0xFFFF  }
0xbf: {  	[dreg:$0x0] =	wrdreg $0xFFFFFFFF;
	(pc) =	sbr.abs _section_cstart, $3  }
0xc0: {  	[dreg:$0x1] =	wrdreg $0xFFFFFFFF  }
0xc1: {  	_ =	task.clear_ibuf [dreg:s6], $0x2FFFF;
	_ =	strace $0x9FFFFFFF  }
0xc2: {  	(tm) =	ssettm $0x7FFFFFFF  }
0xc3: {  	_ =	shalt  }
tec
execute0_lowered:
.L_overlay_start_1:
0x0: {  	(tag) =	ssettag $0x1  }
0x1: {  	s0 =	srdreg.scid;
	s5 =	rddreg [dreg:$0x0]  }
0x2: {  	s1 =	stileid.u32;
	s2 =	rddreg [dreg:$0x1];
	s3 =	simm.s32 $0x0  }
0x3: {  	s14 =	simm.s32 $0x3000;
	s15 =	simm.s32 $0x7000;
	s16 =	simm.s32 $0x2  }
0x4: {  	s17 =	simm.s32 $0x3;
	s18 =	simm.s32 $0x2880;
	s19 =	simm.s32 $0x100  }
0x5: {  	s20 =	simm.s32 $0x1;
	s21 =	simm.s32 $0x4;
	s7 =	smul.u32 $0x2800, s1  }
0x6: {  	s6 =	sand.u32 $0x1, s0;
	s0 =	rddreg [dreg:$0x2];
	s29 =	smul.u32 $0x14000, s1  }
0x7: {  	s23 =	simm.s32 $0x0;
	[smem:$0x7FF] =	sst s3;
	s12 =	smul.u32 $0x50000, s1  }
0x8: {  	s13 =	sadd.s32 $0xF000, s5;
	p0 =	sne.s32 s1, $0x0;
	s4 =	smul.u32 $0x28000, s6  }
0x9: {  	s8 =	smul.u32 $0x140000, s6;
	_ =	strace $0x8000004D;
	s6 =	ssub.s32 $0x2, s6  }
0xa: {  	s30 =	sshrl.u32 s6, $0x1;
	s31 =	sshrl.u32 s12, $0x2;
	s12 =	simm.s32 $0x2800  }
0xb: {  	s9 =	sadd.s32 s7, s4;
	s4 =	sadd.s32 $0x19000, s5;
	s7 =	sadd.s32 s29, s8  }
0xc: {  	s8 =	ssub.s32 s6, s30;
	s22 =	sadd.s32 s31, s2;
	s10 =	sshrl.u32 s9, $0x3  }
.Ltmp0:
0xd: {  	s7 =	sshrl.u32 s7, $0x3;
	s9 =	sor.u32 $0x100, s9;
	(pc) =	sbr.rel .LBB2_1-.Ltmp0, $4  }
0xe: {  	s8 =	smax.u32 s8, $0x1;
	s22 =	sshrl.u32 s22, $0x3;
	s11 =	sadd.s32 s10, s5  }
0xf: {  	s7 =	sadd.s32 s7, s5;
	s6 =	sadd.s32 s13, s10;
	s9 =	sshrl.u32 s9, $0x3  }
0x10: {  	s10 =	simm.s32 $0x5;
	s5 =	sadd.s32 $0x5000, s11;
	s7 =	sadd.s32 $0x91800, s7  }
0x11: {  	s9 =	sadd.s32 s9, s13;
	s11 =	sshrl.u32 @!p0 s2, $0x3;
	s13 =	simm.s32 $0x80  }
.LBB2_4:
0x12: {  	_ =	swait.ge [sflag:s21], $0x4000  }
0x13: {  	s23 =	sadd.s32 $0x1, s23;
	[sflag:s21] =	ssyncset.done $0x0  }
0x14: {  	s24 =	sshll.u32 s1, $0x6;
	p1 =	sne.s32 s23, s8;
	[sflag:s21] =	ssyncadd.s32 $0xFFFFC000  }
.Ltmp1:
0x15: {  	s24 =	sor.u32 $0x1C05, s24;
	[bflag:$0x0] =	sbarrier.arrive $0xFFFF;
	(pc) =	sbr.rel @!p1 .LBB2_5-.Ltmp1, $4  }
0x16: {  	[hbm:s7], [sflag:s24] =	dma.local [spmem:s22], $0x2800  }
0x17: {  	_ =	swait.ge [sflag:s10], $0x2800  }
0x18: {  	[sflag:s10] =	ssyncset.done $0x0  }
0x19: {  	[sflag:s10] =	ssyncadd.s32 $0xFFFFD800  }
.LBB2_1:
0x1a: {  	[tilespmem:s3], [sflag:$0x5] =	stream.linear.gather [hbm4b:s5+s3], $0x2800, $0x38;
	[tilespmem:$0x1F000] =	vst v63  }
0x1b: {  	_ =	swait.ge [sflag:s10], $0x2800  }
0x1c: {  	[sflag:s10] =	ssyncset.done $0x0  }
0x1d: {  	s24 =	simm.s32 @!p0 $0x1C05;
	[sflag:s10] =	ssyncadd.s32 $0xFFFFD800  }
0x1e: {  	[spmem:s11], [sflag:s24] =	dma.local @!p0 [hbm:s4], $0x28000  }
0x1f: {  	s24 =	simm.s32 @!p0 $0x5  }
0x20: {  	_ =	swait.ge @!p0 [sflag:s24], $0x28000  }
0x21: {  	[sflag:s24] =	ssyncset.done @!p0 $0x0  }
0x22: {  	[sflag:s24] =	ssyncadd.s32 @!p0 $0xFFFD8000  }
0x23: {  	[bflag:$0x0] =	sbarrier.arrive $0xFFFF  }
0x24: {  	[tilespmem:s12], [sflag:$0x5] =	stream.linear.gather [hbm4b:s6+s3], $0x800, $0x38;
	[tilespmem:$0x1F000] =	vst v63  }
0x25: {  	_ =	swait.ge [sflag:s10], $0x800  }
0x26: {  	[sflag:s10] =	ssyncset.done $0x0  }
0x27: {  	[sflag:s10] =	ssyncadd.s32 $0xFFFFF800  }
0x28: {  	[tilespmem:s14], [sflag:$0x1] =	stream.indirect.gather [hbm4b:s4+s13], $0x80, s3, s13, $0xb8;
	[tilespmem:$0x1F000] =	vst v63  }
0x29: {  	_ =	swait.ge [sflag:s20], $0x4000  }
0x2a: {  	[sflag:s20] =	ssyncset.done $0x0  }
0x2b: {  	[sflag:s20] =	ssyncadd.s32 $0xFFFFC000  }
0x2c: {  	[tilespmem:s12], [sflag:$0x5] =	stream.linear.gather [hbm4b:s6+s3], $0x800, $0x38;
	[tilespmem:$0x1F000] =	vst v63  }
0x2d: {  	_ =	swait.ge [sflag:s10], $0x800  }
0x2e: {  	[sflag:s10] =	ssyncset.done $0x0  }
0x2f: {  	[sflag:s10] =	ssyncadd.s32 $0xFFFFF800  }
0x30: {  	[spmem:s2] =	stream.indirect.scatter.add.f32 [tilespmem:s14], [sflag:$0x3], $0x80, s12, s13, $0xb8;
	[tilespmem:$0x1F000] =	vst v63  }
0x31: {  	_ = 	snop  }
0x32: {  	[tilespmem:s15], [sflag:$0x2] =	stream.indirect.gather [hbm4b:s4+s13], $0x80, s13, s13, $0xb8;
	[tilespmem:$0x1F000] =	vst v63  }
0x33: {  	_ =	swait.ge [sflag:s16], $0x4000  }
0x34: {  	[sflag:s16] =	ssyncset.done $0x0  }
0x35: {  	[sflag:s16] =	ssyncadd.s32 $0xFFFFC000  }
0x36: {  	_ =	swait.ge [sflag:s17], $0x4000  }
0x37: {  	[sflag:s17] =	ssyncset.done $0x0  }
0x38: {  	[sflag:s17] =	ssyncadd.s32 $0xFFFFC000  }
0x39: {  	[spmem:s2] =	stream.indirect.scatter.add.f32 [tilespmem:s15], [sflag:$0x4], $0x80, s18, s13, $0xb8;
	[tilespmem:$0x1F000] =	vst v63  }
0x3a: {  	s25 =	smov.u32 s9;
	s26 =	simm.s32 $0x1;
	s24 =	simm.s32 $0x800  }
0x3b: {  	[tilespmem:s14], [sflag:$0x1] =	stream.indirect.gather [hbm4b:s4+s13], $0x80, s19, s13, $0xb8;
	[tilespmem:$0x1F000] =	vst v63  }
.LBB2_2:
0x3c: {  	_ =	swait.ge [sflag:s20], $0x4000  }
0x3d: {  	[sflag:s20] =	ssyncset.done $0x0  }
0x3e: {  	[sflag:s20] =	ssyncadd.s32 $0xFFFFC000  }
0x3f: {  	s28 =	sand.u32 $0x7, s26;
	_ =	swait.ge [sflag:s21], $0x4000  }
0x40: {  	p1 =	sne.s32 s28, $0x0;
	[sflag:s21] =	ssyncset.done $0x0  }
0x41: {  	s28 =	simm.s32 @!p1 $0x0;
	s29 =	simm.s32 @!p1 $0x2800;
	[sflag:s21] =	ssyncadd.s32 $0xFFFFC000  }
0x42: {  	[tilespmem:s29], [sflag:$0x5] =	stream.linear.gather @!p1 [hbm4b:s25+s28], $0x800, $0x38;
	[tilespmem:$0x1F000] =	vst v63  }
0x43: {  	s28 =	sadd.s32 $0xFFFFFC00, s24;
	s29 =	simm.s32 @!p1 $0x5  }
0x44: {  	_ =	swait.ge @!p1 [sflag:s29], $0x800;
	s28 =	sand.u32 $0x1C00, s28  }
0x45: {  	[sflag:s29] =	ssyncset.done @!p1 $0x0;
	s28 =	sshrl.u32 s28, $0x2  }
0x46: {  	[sflag:s29] =	ssyncadd.s32 @!p1 $0xFFFFF800;
	s28 =	sor.u32 $0x2800, s28  }
0x47: {  	[spmem:s2] =	stream.indirect.scatter.add.f32 [tilespmem:s14], [sflag:$0x3], $0x80, s28, s13, $0xb8;
	[tilespmem:$0x1F000] =	vst v63  }
0x48: {  	s28 =	sshra.s32 s24, $0x2  }
0x49: {  	s30 =	sadd.s32 $0xFFFFFF80, s28  }
0x4a: {  	[tilespmem:s15], [sflag:$0x2] =	stream.indirect.gather [hbm4b:s4+s13], $0x80, s30, s13, $0xb8;
	[tilespmem:$0x1F000] =	vst v63  }
0x4b: {  	_ =	swait.ge [sflag:s16], $0x4000  }
0x4c: {  	p1 =	seq.s32 s26, $0x27;
	[sflag:s16] =	ssyncset.done $0x0  }
.Ltmp2:
0x4d: {  	s31 =	sadd.s32 $0xFFFFFE00, s24;
	[sflag:s16] =	ssyncadd.s32 $0xFFFFC000;
	(pc) =	sbr.rel @p1 .LBB2_4-.Ltmp2, $4  }
0x4e: {  	s29 =	sand.u32 $0x1E00, s31;
	_ =	swait.ge [sflag:s17], $0x4000  }
0x4f: {  	s29 =	sshrl.u32 s29, $0x2;
	[sflag:s17] =	ssyncset.done $0x0  }
0x50: {  	s29 =	sor.u32 $0x2800, s29;
	[sflag:s17] =	ssyncadd.s32 $0xFFFFC000  }
0x51: {  	[spmem:s2] =	stream.indirect.scatter.add.f32 [tilespmem:s15], [sflag:$0x4], $0x80, s29, s13, $0xb8;
	[tilespmem:$0x1F000] =	vst v63  }
.Ltmp3:
0x52: {  	(pc) =	sbr.rel .LBB2_2-.Ltmp3, $3  }
0x53: {  	_ =	sdelay $0x1  }
0x54: {  	[tilespmem:s14], [sflag:$0x1] =	stream.indirect.gather [hbm4b:s4+s13], $0x80, s28, s13, $0xb8;
	[tilespmem:$0x1F000] =	vst v63  }
0x55: {  	s26 =	sadd.s32 $0x1, s26;
	s25 =	sadd.s32 $0x20, s25;
	s24 =	sadd.s32 $0x400, s24  }
.LBB2_5:
0x56: {  	_ =	sfence.sel $0x180000  }
0x57: {  	[bflag:$0x0] =	sbarrier.arrive $0xFFFF  }
0x58: {  	_ =	strace $0x9000004D  }
0x59: {  	s0 =	sadd.s32 @!p0 $0x100000, s0;
	[bflag:$0x2] =	sbarrier.arrive $0xFFFF  }
0x5a: {  	[sflag:s0] =	ssyncadd.tile.s32 @!p0 $0x1;
	_ =	shalt  }
.Lfunc_end2:
_tile_overlayer_lowered:
.L_overlay_start_2:
0x5b: {  	(tag) =	ssettag $0x2  }
0x5c: {  	s0 =	rddreg [dreg:$0x0];
	s2 =	stileid.u32  }
0x5d: {  	s1 =	rddreg [dreg:$0x1];
	p0 =	sne.s32 s2, $0x0  }
0x5e: {  	s3 =	rddreg [dreg:$0x2];
	[bflag:$0x3] =	sbarrier.arrive $0xFFFF;
	s2 =	simm.s32 @!p0 $0x1C05  }
0x5f: {  	[timem:s3], [sflag:s2] =	dma.local @!p0 [hbm:s0], s1  }
0x60: {  	s0 =	simm.s32 @!p0 $0x5  }
0x61: {  	_ =	swait.ge @!p0 [sflag:s0], s1  }
0x62: {  	s1 =	ssub.s32 @!p0 $0x0, s1;
	[sflag:s0] =	ssyncset.done @!p0 $0x0  }
0x63: {  	[sflag:s0] =	ssyncadd.s32 @!p0 s1  }
0x64: {  	[bflag:$0x3] =	sbarrier.arrive $0xFFFF  }
0x65: {  	_ =	shalt  }

// kernel: kernel.20.cloned.1.call-start
scs
__scs_entry_jumppad:
0x0: {  	(pc) =	sbr.rel $0x88, $3  }
0x1: {  	(tag) =	ssettag $0x0;
	lr =	simm.s32 $0x1  }
0x2: {  	[smem:$0x3F8B] =	sst lr;
	_ =	strace $0xD0000000  }
0x3: {  	_ = 	snop  }
0x4: {  	_ = 	snop  }
0x5: {  	_ = 	snop  }
0x6: {  	_ = 	snop  }
0x7: {  	_ = 	snop  }
__scs_overlays_trampoline_lowered:
0x8: {  	[smem:$0x3F9A] =	sst s0  }
0x9: {  	[smem:$0x3F9B] =	sst s1  }
0xa: {  	[smem:$0x3F9C] =	sst s2  }
0xb: {  	[smem:$0x3F9D] =	sst s3  }
0xc: {  	[smem:$0x3F9E] =	sst s4  }
0xd: {  	[smem:$0x3F9F] =	sst s5  }
0xe: {  	[smem:$0x3FA0] =	sst s6  }
0xf: {  	[smem:$0x3FA1] =	sst s7  }
0x10: {  	[smem:$0x3FA2] =	sst s8  }
0x11: {  	[smem:$0x3FA3] =	sst s9;
	s0 =	simm.s32 @!p0 $0x0  }
0x12: {  	s1 =	sld [smem:$0x3F89];
	s0 =	simm.s32 @p0 $0x1  }
0x13: {  	[smem:$0x3FA4] =	sst s0;
	s0 =	simm.s32 @!p1 $0x0  }
0x14: {  	s2 =	sld [smem:$0x3F88];
	s0 =	simm.s32 @p1 $0x1  }
0x15: {  	[smem:$0x3FA5] =	sst s0;
	s0 =	simm.s32 @!p2 $0x0  }
0x16: {  	s3 =	sld [smem:$0x3FDB];
	s0 =	simm.s32 @p2 $0x1  }
0x17: {  	s4 =	simm.s32 $0x1BF5;
	[smem:$0x3FA7] =	sst s0  }
0x18: {  	s0 =	sld [smem:$0x3F8A];
	_ =	swait.ge [sflag:s4], $0x0  }
0x19: {  	s7 =	sld [smem:$0x3F8B]  }
0x1a: {  	s8 =	sadd.s32 $0xFFFFE003, lr  }
0x1b: {  	s9 =	sadd.s32 $0xFFFFFEF7, lr;
	s5 =	simm.s32 $0xFFFFFFFF;
	p2 =	slt.u32 s8, $0xFFFFF086  }
0x1c: {  	p1 =	slt.u32 s9, $0xF7A;
	s5 =	simm.s32 @!p2 $0x0  }
0x1d: {  	s5 =	simm.s32 @p1 $0x1;
	p0 =	seq.s32 s7, s2  }
0x1e: {  	s7 =	smul.u32 @!p0 $0xF7A, s2;
	p2 =	seq.s32 @!p0 s5, $0x0  }
0x1f: {  	s9 =	smul.u32 $0xF7A, s1;
	s8 =	simm.s32 @!p0 $0x1BF5;
	p2 =	por !p2, p0  }
0x20: {  	[sflag:s8] =	ssyncset.s32 @!p0 $0xFFFFF086;
	s6 =	sadd.s32 @!p0 s3, s7;
	s7 =	simm.s32 @!p0 $0x108  }
0x21: {  	s3 =	sadd.s32 s3, s9;
	s6 =	sadd.s32 @!p0 $0x88, s6;
	s7 =	simm.s32 @p2 $0x1082  }
0x22: {  	[simem:s7], [sflag:s8] =	dma.local @!p0 [hbm:s6], $0xF7A  }
0x23: {  	s9 =	sor.u32 $0xD0000000, s2;
	s6 =	simm.s32 $0x108;
	_ =	swait.ge @!p0 [sflag:s8], $0x0  }
0x24: {  	s3 =	sadd.s32 $0x88, s3;
	s6 =	simm.s32 @!p1 $0x1082;
	[sflag:s4] =	ssyncset.s32 $0xFFFFF086  }
0x25: {  	[simem:s6], [sflag:s4] =	dma.local [hbm:s3], $0xF7A  }
0x26: {  	[smem:$0x3F8B] =	sst s1;
	(tag) =	ssettag s2;
	_ =	strace s9  }
0x27: {  	s1 =	sld [smem:$0x3F9B]  }
0x28: {  	s2 =	sld [smem:$0x3F9C]  }
0x29: {  	s4 =	sld [smem:$0x3F9E]  }
0x2a: {  	p0 =	seq.s32 s5, $0x0;
	s5 =	sld [smem:$0x3F9F]  }
0x2b: {  	s6 =	sld [smem:$0x3FA0]  }
0x2c: {  	s7 =	sld [smem:$0x3FA1]  }
0x2d: {  	s3 =	simm.s32 $0x108;
	s8 =	sld [smem:$0x3FA2]  }
0x2e: {  	s3 =	simm.s32 @!p0 $0x1082;
	s9 =	sld [smem:$0x3FA3]  }
0x2f: {  	lr =	sadd.s32 s0, s3;
	s0 =	sld [smem:$0x3F9A]  }
0x30: {  	s3 =	sld [smem:$0x3F9D]  }
0x31: {  	[smem:$0x3FA6] =	sst s10  }
0x32: {  	s10 =	sld [smem:$0x3FA4];
	_ =	sdelay $0x3  }
0x33: {  	p0 =	seq.s32 s10, $0x1;
	s10 =	sld [smem:$0x3FA6];
	_ =	sdelay $0x3  }
0x34: {  	[smem:$0x3FA6] =	sst s10  }
0x35: {  	s10 =	sld [smem:$0x3FA5];
	_ =	sdelay $0x3  }
0x36: {  	p1 =	seq.s32 s10, $0x1;
	s10 =	sld [smem:$0x3FA6];
	_ =	sdelay $0x3  }
0x37: {  	[smem:$0x3FA6] =	sst s10  }
0x38: {  	s10 =	sld [smem:$0x3FA7]  }
0x39: {  	_ = 	snop;
	(pc) =	sbr.ind lr, $3  }
0x3a: {  	_ = 	snop  }
0x3b: {  	_ = 	snop  }
0x3c: {  	p2 =	seq.s32 s10, $0x1;
	s10 =	sld [smem:$0x3FA6]  }
0x3d: {  	_ =	shalt  }
0x3e: {  	_ =	shalt  }
0x3f: {  	_ =	shalt  }
0x40: {  	_ =	shalt  }
0x41: {  	_ =	shalt  }
0x42: {  	_ =	shalt  }
0x43: {  	_ =	shalt  }
0x44: {  	_ =	shalt  }
0x45: {  	_ =	shalt  }
0x46: {  	_ =	shalt  }
0x47: {  	_ =	shalt  }
0x48: {  	_ =	shalt  }
0x49: {  	_ =	shalt  }
0x4a: {  	_ =	shalt  }
0x4b: {  	_ =	shalt  }
0x4c: {  	_ =	shalt  }
0x4d: {  	_ =	shalt  }
0x4e: {  	_ =	shalt  }
0x4f: {  	_ =	shalt  }
0x50: {  	_ =	shalt  }
0x51: {  	_ =	shalt  }
0x52: {  	_ =	shalt  }
0x53: {  	_ =	shalt  }
0x54: {  	_ =	shalt  }
0x55: {  	_ =	shalt  }
0x56: {  	_ =	shalt  }
0x57: {  	_ =	shalt  }
0x58: {  	_ =	shalt  }
0x59: {  	_ =	shalt  }
0x5a: {  	_ =	shalt  }
0x5b: {  	_ =	shalt  }
0x5c: {  	_ =	shalt  }
0x5d: {  	_ =	shalt  }
0x5e: {  	_ =	shalt  }
0x5f: {  	_ =	shalt  }
0x60: {  	_ =	shalt  }
0x61: {  	_ =	shalt  }
0x62: {  	_ =	shalt  }
0x63: {  	_ =	shalt  }
0x64: {  	_ =	shalt  }
0x65: {  	_ =	shalt  }
0x66: {  	_ =	shalt  }
0x67: {  	_ =	shalt  }
0x68: {  	_ =	shalt  }
0x69: {  	_ =	shalt  }
0x6a: {  	_ =	shalt  }
0x6b: {  	_ =	shalt  }
0x6c: {  	_ =	shalt  }
0x6d: {  	_ =	shalt  }
0x6e: {  	_ =	shalt  }
0x6f: {  	_ =	shalt  }
0x70: {  	_ =	shalt  }
0x71: {  	_ =	shalt  }
0x72: {  	_ =	shalt  }
0x73: {  	_ =	shalt  }
0x74: {  	_ =	shalt  }
0x75: {  	_ =	shalt  }
0x76: {  	_ =	shalt  }
0x77: {  	_ =	shalt  }
0x78: {  	_ =	shalt  }
0x79: {  	_ =	shalt  }
0x7a: {  	_ =	shalt  }
0x7b: {  	_ =	shalt  }
0x7c: {  	_ =	shalt  }
0x7d: {  	_ =	shalt  }
0x7e: {  	_ =	shalt  }
0x7f: {  	_ =	shalt  }
0x80: {  	_ =	shalt  }
0x81: {  	_ =	shalt  }
0x82: {  	_ =	shalt  }
0x83: {  	_ =	shalt  }
0x84: {  	_ =	shalt  }
0x85: {  	_ =	shalt  }
0x86: {  	_ =	shalt  }
0x87: {  	_ =	shalt  }
.Lfunc_end0:
.L_simem_size_0:
called_computation.3_lowered:
.L_overlay_start_0:
0x88: {  	s2 =	sld [smem:$0x3FD9]  }
0x89: {  	s3 =	sld [smem:$0x3FFE];
	_ =	sdelay $0x1  }
0x8a: {  	s1 =	srdreg.scid  }
0x8b: {  	s0 =	sand.u32 $0x1, s1  }
0x8c: {  	s16 =	sshll.u32 s0, $0xA;
	s2 =	sadd.s32 s3, s2  }
0x8d: {  	s2 =	sadd.s32 s2, s16  }
0x8e: {  	[smem:$0x3FB2] =	sst s2  }
0x8f: {  	_ = 	snop  }
0x90: {  	(tm) =	ssettm $0x1  }
0x91: {  	s17 =	sld [smem:$0x3FFB];
	_ =	sdelay $0x3  }
0x92: {  	_ =	strace s17  }
0x93: {  	s2 =	sld [smem:$0x3FFC];
	_ =	sdelay $0x3  }
0x94: {  	_ =	strace s2  }
0x95: {  	s2 =	sld [smem:$0x3FFD];
	_ =	sdelay $0x3  }
0x96: {  	_ =	strace s2  }
0x97: {  	_ =	strace $0x8FFFFFFF  }
0x98: {  	s18 =	sld [smem:$0x3FDB];
	_ =	sdelay $0x1  }
0x99: {  	s19 =	simm.s32 $_scs_section_size  }
0x9a: {  	s4 =	simm.s32 $_size__tile_overlayer_lowered;
	s5 =	simm.s32 $_tile_overlayer_lowered  }
0x9b: {  	s22 =	simm.s32 $0x1BFF;
	s21 =	sshll.u32 s5, $0x1;
	s2 =	sadd.s32 s19, s18  }
0x9c: {  	s6 =	simm.s32 $0x0;
	s20 =	sshll.u32 s4, $0x1;
	s4 =	sadd.s32 s21, s2  }
0x9d: {  	[timem:s6], [sflag:s22] =	dma.local [hbm:s4], s20  }
0x9e: {  	_ =	swait.ge [sflag:s22], s20  }
0x9f: {  	s3 =	ssub.s32 $0x0, s20;
	[sflag:s22] =	ssyncset.done $0x0  }
0xa0: {  	[sflag:s22] =	ssyncadd.s32 s3;
	_ =	sdelay $0x1  }
0xa1: {  	s23 =	simm.s32 $0x1B8B  }
0xa2: {  	_ =	swait.ge [sflag:s23], $0x1  }
0xa3: {  	[sflag:s23] =	ssyncset.done $0x0  }
0xa4: {  	s25 =	simm.s32 $0x1B8E;
	s24 =	sld [smem:$0x3FFE];
	[sflag:s23] =	ssyncadd.s32 $0xFFFFFFFF  }
0xa5: {  	s26 =	simm.s32 $execute0_lowered;
	[smem:$0x3FD2] =	sst s25  }
0xa6: {  	s4 =	sshll.u32 s26, $0x1;
	_ =	strace $0x8000004F;
	[dreg:$0x1] =	wrdreg $0xFFFFFFFF  }
0xa7: {  	s28 =	simm.s32 $_size_execute0_lowered;
	s2 =	sadd.s32 s2, s4;
	[dreg:$0x0] =	wrdreg $0x0  }
0xa8: {  	s4 =	sshll.u32 s28, $0x1;
	[dreg:$0x2] =	wrdreg s2  }
0xa9: {  	[dreg:$0x3] =	wrdreg s4  }
0xaa: {  	[dreg:$0x4] =	wrdreg $0xC0  }
0xab: {  	_ =	task [dreg:s6], $0x5FFFF  }
0xac: {  	[dreg:$0x1] =	wrdreg $0xFFFFFFFF  }
0xad: {  	[dreg:$0x0] =	wrdreg $0x60  }
0xae: {  	[dreg:$0x2] =	wrdreg s24  }
0xaf: {  	[dreg:$0x3] =	wrdreg $0x9  }
0xb0: {  	_ =	task.clear_ibuf [dreg:s6], $0x4FFFF;
	_ =	strace $0x9000004F  }
0xb1: {  	s29 =	simm.s32 $0x9;
	_ =	strace $0x80000051  }
0xb2: {  	_ =	swait.ge [sflag:s29], $0x1  }
0xb3: {  	[sflag:s29] =	ssyncadd.s32 $0xFFFFFFFF  }
0xb4: {  	_ =	strace $0x90000051  }
0xb5: {  	_ =	sfence  }
0xb6: {  	s30 =	sld [smem:$0x0];
	_ =	sdelay $0x2  }
0xb7: {  	s31 =	sshll.u32 s1, $0xD;
	s1 =	sshrl.u32 s1, $0x2  }
0xb8: {  	s3 =	sand.u32 $0x4000, s31;
	s1 =	sadd.s32 s1, s30  }
0xb9: {  	s0 =	sor.u32 s3, s0;
	s1 =	sshll.u32 s1, $0x11  }
0xba: {  	s0 =	sor.u32 s1, s0  }
0xbb: {  	s0 =	sadd.s32 $0x8F2B, s0  }
0xbc: {  	[sflag:s0] =	ssyncadd.remote.s32 $0x1  }
0xbd: {  	_ =	sfence.sel $0xFFFF  }
0xbe: {  	[dreg:$0x0] =	wrdreg $0xFFFFFFFF;
	(pc) =	sbr.abs _section_cstart, $3  }
0xbf: {  	[dreg:$0x1] =	wrdreg $0xFFFFFFFF  }
0xc0: {  	_ =	task.clear_ibuf [dreg:s6], $0x2FFFF;
	_ =	strace $0x9FFFFFFF  }
0xc1: {  	(tm) =	ssettm $0x7FFFFFFF  }
tec
execute0_lowered:
.L_overlay_start_1:
0x0: {  	(tag) =	ssettag $0x1  }
0x1: {  	s9 =	rddreg [dreg:$0x0]  }
0x2: {  	s1 =	stileid.u32;
	s2 =	srdreg.scid  }
0x3: {  	s0 =	rddreg [dreg:$0x1];
	s3 =	sshll.u32 s1, $0x5;
	s10 =	sand.u32 $0x1, s2  }
0x4: {  	s2 =	simm.s32 $0x0;
	s3 =	sadd.s32 s3, s9;
	s4 =	sshll.u32 s10, $0x9  }
0x5: {  	[smem:$0x7FF] =	sst s2;
	s3 =	sadd.s32 s4, s3  }
0x6: {  	_ =	strace $0x80000050;
	s4 =	sadd.s32 $0x41000, s3;
	s3 =	simm.s32 $0x2  }
0x7: {  	[tilespmem:s2], [sflag:$0x2] =	stream.linear.gather [hbm4b:s4+s2], $0x100, $0x38;
	[tilespmem:$0x4100] =	vst v63  }
0x8: {  	s6 =	simm.s32 $0x80;
	s7 =	simm.s32 $0x100;
	_ =	swait.ge [sflag:s3], $0x100  }
0x9: {  	s8 =	simm.s32 $0x1;
	s5 =	sadd.s32 $0x5000, s9;
	[sflag:s3] =	ssyncset.done $0x0  }
0xa: {  	s12 =	sshll.u32 s1, $0xC;
	s11 =	sshll.u32 s10, $0x10;
	[sflag:s3] =	ssyncadd.s32 $0xFFFFFF00  }
0xb: {  	[tilespmem:s7], [sflag:$0x1] =	stream.indirect.gather [hbm4b:s5+s6], $0x80, s2, s6, $0xb8;
	[tilespmem:$0x4100] =	vst v63  }
0xc: {  	s11 =	sor.u32 s12, s11;
	_ =	swait.ge [sflag:s8], $0x4000  }
0xd: {  	s11 =	sadd.s32 s11, s9;
	[sflag:s8] =	ssyncset.done $0x0  }
0xe: {  	s10 =	ssub.s32 $0x2, s10;
	s9 =	sadd.s32 $0x41400, s11;
	[sflag:s8] =	ssyncadd.s32 $0xFFFFC000  }
0xf: {  	[hbm4b:s9+s2] =	stream.linear.scatter [tilespmem:s7], [sflag:$0x2], $0x4000, $0x38;
	[tilespmem:$0x4100] =	vst v63  }
0x10: {  	s30 =	sshrl.u32 s10, $0x1;
	_ =	swait.ge [sflag:s3], $0x4000  }
0x11: {  	s12 =	ssub.s32 s10, s30;
	[sflag:s3] =	ssyncset.done $0x0  }
0x12: {  	s31 =	smax.u32 s12, $0x1;
	[sflag:s3] =	ssyncadd.s32 $0xFFFFC000  }
0x13: {  	[tilespmem:s7], [sflag:$0x1] =	stream.indirect.gather [hbm4b:s5+s6], $0x80, s6, s6, $0xb8;
	[tilespmem:$0x4100] =	vst v63  }
0x14: {  	p0 =	sne.s32 s31, $0x1;
	_ =	swait.ge [sflag:s8], $0x4000  }
.Ltmp0:
0x15: {  	[sflag:s8] =	ssyncset.done $0x0;
	(pc) =	sbr.rel @!p0 .LBB2_2-.Ltmp0, $4  }
0x16: {  	s10 =	sadd.s32 $0x41C00, s11;
	[sflag:s8] =	ssyncadd.s32 $0xFFFFC000  }
0x17: {  	[hbm4b:s10+s2] =	stream.linear.scatter [tilespmem:s7], [sflag:$0x2], $0x4000, $0x38;
	[tilespmem:$0x4100] =	vst v63  }
0x18: {  	_ =	swait.ge [sflag:s3], $0x4000  }
0x19: {  	s11 =	sadd.s32 $0xFFFFFFFF, s31;
	[sflag:s3] =	ssyncset.done $0x0  }
.LBB2_1:
0x1a: {  	p0 =	sne.s32 s11, $0x1;
	s11 =	sadd.s32 $0xFFFFFFFF, s11;
	[sflag:s3] =	ssyncadd.s32 $0xFFFFC000  }
0x1b: {  	[tilespmem:s2], [sflag:$0x2] =	stream.linear.gather [hbm4b:s4+s2], $0x100, $0x38;
	[tilespmem:$0x4100] =	vst v63  }
0x1c: {  	_ =	swait.ge [sflag:s3], $0x100  }
0x1d: {  	[sflag:s3] =	ssyncset.done $0x0  }
0x1e: {  	[sflag:s3] =	ssyncadd.s32 $0xFFFFFF00  }
0x1f: {  	[tilespmem:s7], [sflag:$0x1] =	stream.indirect.gather [hbm4b:s5+s6], $0x80, s2, s6, $0xb8;
	[tilespmem:$0x4100] =	vst v63  }
0x20: {  	_ =	swait.ge [sflag:s8], $0x4000  }
0x21: {  	[sflag:s8] =	ssyncset.done $0x0  }
0x22: {  	[sflag:s8] =	ssyncadd.s32 $0xFFFFC000  }
0x23: {  	[hbm4b:s9+s2] =	stream.linear.scatter [tilespmem:s7], [sflag:$0x2], $0x4000, $0x38;
	[tilespmem:$0x4100] =	vst v63  }
0x24: {  	_ =	swait.ge [sflag:s3], $0x4000  }
0x25: {  	[sflag:s3] =	ssyncset.done $0x0  }
0x26: {  	[sflag:s3] =	ssyncadd.s32 $0xFFFFC000  }
0x27: {  	[tilespmem:s7], [sflag:$0x1] =	stream.indirect.gather [hbm4b:s5+s6], $0x80, s6, s6, $0xb8;
	[tilespmem:$0x4100] =	vst v63  }
0x28: {  	_ =	swait.ge [sflag:s8], $0x4000  }
.Ltmp1:
0x29: {  	[sflag:s8] =	ssyncset.done $0x0;
	(pc) =	sbr.rel @p0 .LBB2_1-.Ltmp1, $4  }
0x2a: {  	[sflag:s8] =	ssyncadd.s32 $0xFFFFC000  }
0x2b: {  	[hbm4b:s10+s2] =	stream.linear.scatter [tilespmem:s7], [sflag:$0x2], $0x4000, $0x38;
	[tilespmem:$0x4100] =	vst v63  }
0x2c: {  	_ =	swait.ge [sflag:s3], $0x4000  }
0x2d: {  	[sflag:s3] =	ssyncset.done $0x0  }
.LBB2_2:
0x2e: {  	[sflag:s3] =	ssyncadd.s32 $0xFFFFC000  }
0x2f: {  	_ =	sfence.sel $0x180000  }
0x30: {  	[bflag:$0x0] =	sbarrier.arrive $0xFFFF  }
0x31: {  	p0 =	sne.s32 s1, $0x0;
	_ =	strace $0x90000050  }
0x32: {  	s0 =	sadd.s32 @!p0 $0x100000, s0;
	[bflag:$0x2] =	sbarrier.arrive $0xFFFF  }
0x33: {  	[sflag:s0] =	ssyncadd.tile.s32 @!p0 $0x1;
	_ =	shalt  }
.Lfunc_end2:
_tile_overlayer_lowered:
.L_overlay_start_2:
0x34: {  	(tag) =	ssettag $0x2  }
0x35: {  	s0 =	rddreg [dreg:$0x0];
	s2 =	stileid.u32  }
0x36: {  	s1 =	rddreg [dreg:$0x1];
	p0 =	sne.s32 s2, $0x0  }
0x37: {  	s3 =	rddreg [dreg:$0x2];
	[bflag:$0x3] =	sbarrier.arrive $0xFFFF;
	s2 =	simm.s32 @!p0 $0x1C02  }
0x38: {  	[timem:s3], [sflag:s2] =	dma.local @!p0 [hbm:s0], s1  }
0x39: {  	s0 =	simm.s32 @!p0 $0x2  }
0x3a: {  	_ =	swait.ge @!p0 [sflag:s0], s1  }
0x3b: {  	s1 =	ssub.s32 @!p0 $0x0, s1;
	[sflag:s0] =	ssyncset.done @!p0 $0x0  }
0x3c: {  	[sflag:s0] =	ssyncadd.s32 @!p0 s1  }
0x3d: {  	[bflag:$0x3] =	sbarrier.arrive $0xFFFF  }
0x3e: {  	_ =	shalt  }

</sc_bundles>
